<compile_context>
chip_gen: v7x
topology: tpu7x:2x2x1
jax: 0.10.2.dev20260603
libtpu: 0.0.44.dev20260713+nightly
codegen_flags: <defaults>
</compile_context>

<pallas_src>
import functools

import jax
import jax.numpy as jnp
from jax import lax
from jax.experimental import pallas as pl
from jax.experimental.pallas import tpu as pltpu
from jax.experimental.pallas import tpu_sc as plsc

E = 8
K = 2
D = 768
H = 3072
T = 2048
BLK = 256
NB = 23
NPAD = NB * BLK
BH = 768
NW = 32
_NEG = -1e30


def _router_body(x_ref, wg_ref, pos_ref, tok_ref, prob_ref, be_ref, aux_ref,
                 m_s, mc_s):
    x = x_ref[...]
    wg = wg_ref[...]
    scores = jax.lax.dot_general(
        x, wg, (((1,), (1,)), ((), ())), preferred_element_type=jnp.float32
    )
    idx = lax.broadcasted_iota(jnp.int32, scores.shape, 1)
    m0 = jnp.max(scores, axis=1, keepdims=True)
    i0 = jnp.min(jnp.where(scores >= m0, idx, E), axis=1, keepdims=True)
    oh0 = idx == i0
    s2 = jnp.where(oh0, _NEG, scores)
    m1 = jnp.max(s2, axis=1, keepdims=True)
    i1 = jnp.min(jnp.where(s2 >= m1, idx, E), axis=1, keepdims=True)
    oh1 = idx == i1
    p0 = 1.0 / (1.0 + jnp.exp(m1 - m0))
    p1 = 1.0 - p0
    g = jnp.exp(scores - m0)
    g = g / jnp.sum(g, axis=1, keepdims=True)
    avg_g = jnp.sum(g, axis=0) * (1.0 / T)
    counts_sel = jnp.sum(jnp.where(oh0 | oh1, 1.0, 0.0), axis=0)
    aux_ref[...] = jnp.reshape(
        E * jnp.sum(counts_sel * (1.0 / T) * avg_g), (1, 1))

    m_f = jnp.concatenate(
        [jnp.where(oh0, 1.0, 0.0), jnp.where(oh1, 1.0, 0.0)], axis=0
    )
    m_s[...] = m_f
    r_io = lax.broadcasted_iota(jnp.int32, (128, 128), 0)
    c_io = lax.broadcasted_iota(jnp.int32, (128, 128), 1)
    tril = jnp.where(r_io >= c_io, 1.0, 0.0)

    def cs_body(i, base):
        blk = m_s[pl.ds(i * 128, 128), :]
        c = jax.lax.dot_general(
            tril, blk, (((1,), (0,)), ((), ())),
            preferred_element_type=jnp.float32) + base
        mc_s[pl.ds(i * 128, 128), :] = c
        return lax.slice(c, (127, 0), (128, E))

    counts = lax.fori_loop(0, (2 * T) // 128, cs_body,
                           jnp.zeros((1, E), jnp.float32))

    nb = jnp.ceil(counts * (1.0 / BLK))
    r8 = lax.broadcasted_iota(jnp.int32, (E, E), 0)
    c8 = lax.broadcasted_iota(jnp.int32, (E, E), 1)
    upper_incl = jnp.where(r8 <= c8, 1.0, 0.0)
    incl_b = jax.lax.dot_general(
        nb, upper_incl, (((1,), (0,)), ((), ())),
        preferred_element_type=jnp.float32)
    excl_b = incl_b - nb
    seg_start = excl_b * float(BLK)

    mc = mc_s[...]
    pos_f = jnp.sum(m_s[...] * (mc - 1.0 + seg_start), axis=1, keepdims=True)
    pos_ref[...] = jnp.reshape(pos_f.astype(jnp.int32), (32, 128))

    t_io = lax.broadcasted_iota(jnp.int32, (T, 1), 0)
    tok_all = jnp.concatenate([t_io, t_io], axis=0)
    pos_i = pos_f.astype(jnp.int32)
    init_at_pos = lax.rem(pos_i * 3 + 128, T)
    tok_ref[...] = jnp.reshape(tok_all - init_at_pos, (32, 128))
    prob_ref[...] = jnp.reshape(jnp.concatenate([p0, p1], axis=0),
                                (32, 128))

    b_io = lax.broadcasted_iota(jnp.int32, (NB + 1, E), 0)
    excl_bi = excl_b.astype(jnp.int32)
    be = jnp.sum(jnp.where(b_io >= excl_bi, 1, 0), axis=1,
                 keepdims=True) - 1
    used = jnp.sum(nb, axis=1, keepdims=True).astype(jnp.int32)
    row_i = lax.broadcasted_iota(jnp.int32, (NB + 1, 1), 0)
    be_ref[...] = jnp.where(row_i == NB, used, be)


def _router(x_flat, Wg):
    return pl.pallas_call(
        _router_body,
        out_shape=(
            jax.ShapeDtypeStruct((32, 128), jnp.int32),
            jax.ShapeDtypeStruct((32, 128), jnp.int32),
            jax.ShapeDtypeStruct((32, 128), jnp.float32),
            jax.ShapeDtypeStruct((NB + 1, 1), jnp.int32),
            jax.ShapeDtypeStruct((1, 1), jnp.float32),
        ),
        in_specs=[
            pl.BlockSpec((T, D), lambda: (0, 0)),
            pl.BlockSpec((E, D), lambda: (0, 0)),
        ],
        out_specs=(
            pl.BlockSpec((32, 128), lambda: (0, 0)),
            pl.BlockSpec((32, 128), lambda: (0, 0)),
            pl.BlockSpec((32, 128), lambda: (0, 0)),
            pl.BlockSpec((NB + 1, 1), lambda: (0, 0)),
            pl.BlockSpec((1, 1), lambda: (0, 0)),
        ),
        scratch_shapes=[
            pltpu.VMEM((2 * T, E), jnp.float32),
            pltpu.VMEM((2 * T, E), jnp.float32),
        ],
    )(x_flat, Wg)


def _sc_mesh():
    return plsc.VectorSubcoreMesh(core_axis_name="c", subcore_axis_name="s")


_RPW = NPAD // NW
_GC = (64, 64, 56)


@functools.cache
def _make_sc_dispatch_gather():
    return functools.partial(
        pl.kernel, mesh=_sc_mesh(),
        out_type=(
            jax.ShapeDtypeStruct((NPAD, D), jnp.float32),
            jax.ShapeDtypeStruct((NPAD,), jnp.float32),
        ),
        scratch_types=[
            pltpu.VMEM((2, 128), jnp.int32),
            pltpu.VMEM((2, 128), jnp.int32),
            pltpu.VMEM((2, 128), jnp.float32),
            pltpu.VMEM((64,), jnp.int32),
            pltpu.VMEM((64,), jnp.int32),
            pltpu.VMEM((56,), jnp.int32),
            pltpu.VMEM((64, D), jnp.float32),
            pltpu.VMEM((64, D), jnp.float32),
            pltpu.MemorySpace.VMEM_SHARED((NPAD,), jnp.int32),
            pltpu.MemorySpace.VMEM_SHARED((NPAD,), jnp.float32),
            pltpu.SemaphoreType.DMA,
            pltpu.SemaphoreType.DMA,
        ],
    )(_sc_dispatch_gather_body)


def _sc_dispatch_gather(pos2, tok2, prob2, zi, zf, x_flat):
    return _make_sc_dispatch_gather()(pos2, tok2, prob2, zi, zf, x_flat)


def _sc_dispatch_gather_body(pos_hbm, tok_hbm, prob_hbm, zi_hbm, zf_hbm,
                             x_hbm, xs_hbm, wslot_hbm,
                             idx_v, tval_v, pval_v, gidx0, gidx1, gidx2,
                             buf0, buf1, shtok, shw, gsem0, gsem1):
    c = lax.axis_index("c")
    s = lax.axis_index("s")
    wid = s * 2 + c

    @pl.when(s == 0)
    def _zero():
        pltpu.sync_copy(zi_hbm, shtok)
        pltpu.sync_copy(zf_hbm, shw)

    plsc.subcore_barrier()
    pltpu.sync_copy(pos_hbm.at[pl.ds(s * 2, 2)], idx_v)
    pltpu.sync_copy(tok_hbm.at[pl.ds(s * 2, 2)], tval_v)
    pltpu.sync_copy(prob_hbm.at[pl.ds(s * 2, 2)], pval_v)
    for j in range(2):
        pltpu.sync_copy(tval_v.at[j], shtok.at[idx_v.at[j]], add=True)
        pltpu.sync_copy(pval_v.at[j], shw.at[idx_v.at[j]], add=True)
    plsc.subcore_barrier()

    @pl.when(wid == 0)
    def _tables_out():
        pltpu.sync_copy(shw, wslot_hbm)

    base = wid * _RPW
    gidx = (gidx0, gidx1, gidx2)
    bufs = (buf0, buf1, buf0)
    gsems = (gsem0, gsem1, gsem0)
    offs = (0, 64, 128)
    for i in range(3):
        pltpu.sync_copy(shtok.at[pl.ds(base + offs[i], _GC[i])], gidx[i])
    for i in range(3):
        b = bufs[i]
        dst = b if _GC[i] == 64 else b.at[pl.ds(0, _GC[i])]
        pltpu.async_copy(x_hbm.at[gidx[i]], dst, gsems[i]).wait()
        pltpu.sync_copy(dst, xs_hbm.at[pl.ds(base + offs[i], _GC[i])])


def _gmm_body(be_ref, xs_ref, ws_ref, w1_ref, b1_ref, w2_ref, b2_ref,
              w3_ref, b3_ref, o_ref):
    h = pl.program_id(0)
    b = pl.program_id(1)
    used = be_ref[NB]

    @pl.when(b < used)
    def _compute():
        x = xs_ref[...].astype(jnp.bfloat16)
        w1 = w1_ref[0].astype(jnp.bfloat16)
        w2 = w2_ref[0].astype(jnp.bfloat16)
        w3 = w3_ref[0].astype(jnp.bfloat16)
        a = jax.lax.dot_general(
            x, w1, (((1,), (1,)), ((), ())),
            preferred_element_type=jnp.float32) + b1_ref[0]
        bb = jax.lax.dot_general(
            x, w2, (((1,), (1,)), ((), ())),
            preferred_element_type=jnp.float32) + b2_ref[0]
        ws = ws_ref[...]
        hact = ((a * jax.nn.sigmoid(a) * bb) * ws).astype(jnp.bfloat16)
        y = jax.lax.dot_general(
            hact, w3, (((1,), (1,)), ((), ())),
            preferred_element_type=jnp.float32)
        row = b * BLK

        @pl.when(h == 0)
        def _first():
            o_ref[pl.ds(row, BLK), :] = y + ws * b3_ref[0]

        @pl.when(h != 0)
        def _rest():
            o_ref[pl.ds(row, BLK), :] += y


def _gmm(be, xs, ws, W1, b1, W2, b2, W3, b3):
    grid_spec = pltpu.PrefetchScalarGridSpec(
        num_scalar_prefetch=1,
        grid=(H // BH, NB),
        in_specs=[
            pl.BlockSpec((BLK, D), lambda h, b, be_r: (b, 0)),
            pl.BlockSpec((BLK, 1), lambda h, b, be_r: (b, 0)),
            pl.BlockSpec((1, BH, D), lambda h, b, be_r: (be_r[b], h, 0)),
            pl.BlockSpec((1, 1, BH), lambda h, b, be_r: (be_r[b], 0, h)),
            pl.BlockSpec((1, BH, D), lambda h, b, be_r: (be_r[b], h, 0)),
            pl.BlockSpec((1, 1, BH), lambda h, b, be_r: (be_r[b], 0, h)),
            pl.BlockSpec((1, D, BH), lambda h, b, be_r: (be_r[b], 0, h)),
            pl.BlockSpec((1, 1, D), lambda h, b, be_r: (be_r[b], 0, 0)),
        ],
        out_specs=pl.BlockSpec((NPAD, D), lambda h, b, be_r: (0, 0)),
    )
    return pl.pallas_call(
        _gmm_body,
        grid_spec=grid_spec,
        out_shape=jax.ShapeDtypeStruct((NPAD, D), jnp.float32),
        compiler_params=pltpu.CompilerParams(
            dimension_semantics=("arbitrary", "arbitrary"),
        ),
    )(be, xs, ws, W1, b1.reshape(E, 1, H), W2, b2.reshape(E, 1, H), W3,
      b3.reshape(E, 1, D))


_TPW = T // NW


@functools.cache
def _make_sc_combine():
    return functools.partial(
        pl.kernel, mesh=_sc_mesh(),
        out_type=jax.ShapeDtypeStruct((T, D), jnp.float32),
        scratch_types=[
            pltpu.VMEM((_TPW,), jnp.int32),
            pltpu.VMEM((_TPW,), jnp.int32),
            pltpu.VMEM((_TPW, D), jnp.float32),
            pltpu.VMEM((_TPW, D), jnp.float32),
            pltpu.SemaphoreType.DMA,
            pltpu.SemaphoreType.DMA,
        ],
    )(_sc_combine_body)


def _sc_combine(pos1d, ys):
    return _make_sc_combine()(pos1d, ys)


def _sc_combine_body(pos_hbm, ys_hbm, out_hbm,
                     idx0, idx1, buf0, buf1, sem0, sem1):
    wid = lax.axis_index("s") * 2 + lax.axis_index("c")
    base = wid * _TPW
    row = wid // 2
    col = (wid % 2) * _TPW
    pltpu.sync_copy(pos_hbm.at[row, pl.ds(col, _TPW)], idx0)
    pltpu.sync_copy(pos_hbm.at[16 + row, pl.ds(col, _TPW)], idx1)
    cp0 = pltpu.async_copy(ys_hbm.at[idx0], buf0, sem0)
    cp1 = pltpu.async_copy(ys_hbm.at[idx1], buf1, sem1)
    cp0.wait()
    cp1.wait()

    def rbody(r, cr):
        for j in range(D // 16):
            sl = pl.ds(j * 16, 16)
            buf0[r, sl] = buf0[r, sl] + buf1[r, sl]
        return cr

    lax.fori_loop(0, _TPW, rbody, 0)
    pltpu.sync_copy(buf0, out_hbm.at[pl.ds(base, _TPW)])


def kernel(x, Wg, W1, b1, W2, b2, W3, b3):
    B, S, _ = x.shape
    x_flat = x.reshape(T, D)

    pos, tok, prob, be, aux = _router(x_flat, Wg)
    xs, wslot = _sc_dispatch_gather(
        pos, tok, prob,
        (jnp.arange(NPAD, dtype=jnp.int32) * 3 + 128) % T,
        jnp.zeros((NPAD,), jnp.float32), x_flat)
    ys = _gmm(be.reshape(NB + 1), xs, wslot.reshape(NPAD, 1),
              W1, b1, W2, b2, W3, b3)
    out = _sc_combine(pos, ys)
    return out.reshape(B, S, D), aux[0, 0]

# --- scband reference (transcript-rebuilt; emitter-appended) ---
"""Pipeline reference for scband-mo-efeed-forward-33560874451471 (READ-ONLY COPY).

The authoritative reference and input builder live on the scoring server;
editing this copy changes nothing except your own understanding.
"""

import jax, jax.numpy as jnp
import numpy as np

E = 8
K = 2
D = 768
H = 3072

def setup_inputs(seed: int = 0) -> dict:
    key = jax.random.key(seed)
    ks = jax.random.split(key, 8)
    x = jax.random.normal(ks[0], (1, 2048, D), dtype=jnp.float32)
    Wg = jax.random.normal(ks[1], (E, D), dtype=jnp.float32) * 0.02
    W1 = jax.random.normal(ks[2], (E, H, D), dtype=jnp.float32) * 0.02
    b1 = jnp.zeros((E, H), dtype=jnp.float32)
    W2 = jax.random.normal(ks[3], (E, H, D), dtype=jnp.float32) * 0.02
    b2 = jnp.zeros((E, H), dtype=jnp.float32)
    W3 = jax.random.normal(ks[4], (E, D, H), dtype=jnp.float32) * 0.02
    b3 = jnp.zeros((E, D), dtype=jnp.float32)
    return {"x": x, "Wg": Wg, "W1": W1, "b1": b1, "W2": W2, "b2": b2, "W3": W3, "b3": b3}

def reference(x, Wg, W1, b1, W2, b2, W3, b3):
    # capacity_factor=8.0 -> capacity = int(8.0*T/E) = T, so capacity never binds
    # (torch randperm drop path is never taken), keeping the reference deterministic.
    B, S, _ = x.shape
    x_flat = x.reshape(-1, D)
    T = x_flat.shape[0]
    # Router
    scores = jnp.einsum('bsd,ed->bse', x, Wg)
    topk_scores, topk_idx = jax.lax.top_k(scores, K)
    topk_probs = jax.nn.softmax(topk_scores, axis=-1)
    tp = topk_probs.reshape(-1, K)
    ti = topk_idx.reshape(-1, K)
    out = jnp.zeros_like(x_flat)
    for e in range(E):
        mask = (ti == e)
        token_mask = mask.any(axis=-1)
        h = jax.nn.silu(x_flat @ W1[e].T + b1[e]) * (x_flat @ W2[e].T + b2[e])
        ye = h @ W3[e].T + b3[e]
        pos = jnp.argmax(mask.astype(jnp.int32), axis=-1)
        pe = jnp.take_along_axis(tp, pos[:, None], axis=-1)[:, 0]
        we = jnp.where(token_mask, pe, jnp.zeros_like(pe))
        out = out + ye * we[:, None]
    # Auxiliary load-balancing loss (Switch style)
    gate_probs = jax.nn.softmax(scores, axis=-1)
    expert_hit = (ti[:, :, None] == jnp.arange(E)[None, None, :]).any(axis=1)
    expert_counts = expert_hit.sum(axis=0).astype(jnp.float32)
    expert_fractions = expert_counts / float(T)
    avg_gate_probs = gate_probs.mean(axis=(0, 1))
    aux_loss = E * jnp.sum(expert_fractions * avg_gate_probs)
    return out.reshape(B, S, D), aux_loss

if __name__ == "__main__":
    import jax
    _d = setup_inputs()
    print(jax.jit(kernel)(*tuple(_d.values())))

</pallas_src>

<mosaic_0001>
#map = affine_map<(d0, d1) -> (0, 0)>
module attributes {stable_mosaic.version = 14 : i64} {
  func.func @_sc_combine_body(%arg0: i32, %arg1: i32, %arg2: memref<32x128xi32, #tpu.memory_space<hbm>>, %arg3: memref<5888x768xf32, #tpu.memory_space<hbm>>, %arg4: memref<2048x768xf32, #tpu.memory_space<hbm>>, %arg5: memref<64xi32, #tpu.memory_space<vmem>>, %arg6: memref<64xi32, #tpu.memory_space<vmem>>, %arg7: memref<64x768xf32, #tpu.memory_space<vmem>>, %arg8: memref<64x768xf32, #tpu.memory_space<vmem>>, %arg9: memref<!tpu.dma_semaphore, #tpu.memory_space<semaphore_mem>>, %arg10: memref<!tpu.dma_semaphore, #tpu.memory_space<semaphore_mem>>) attributes {dimension_semantics = [#tpu.dimension_semantics<core_parallel>, #tpu.dimension_semantics<subcore_parallel>], iteration_bounds = array<i64: 2, 16>, scalar_prefetch = 0 : i64, scratch_operands = 6 : i64, tpu.core_type = #tpu.core_type<sc_vector_subcore>, window_params = [{transform_indices = #map}, {transform_indices = #map}, {transform_indices = #map}]} {
    %mul3A = arith.constant 2 : i32
    %mul3A_0 = arith.muli %arg1, %mul3A : i32
    %add3A = arith.addi %mul3A_0, %arg0 : i32
    %mul3A_1 = arith.constant 64 : i32
    %mul3A_2 = arith.muli %add3A, %mul3A_1 : i32
    %jit3A = arith.constant 2 : i32
    %div3A = arith.divsi %add3A, %jit3A : i32
    %sign3A = arith.constant 0 : i32
    %sign3A_3 = arith.cmpi sgt, %add3A, %sign3A : i32
    %sign3A_4 = arith.extui %sign3A_3 : i1 to i32
    %sign3A_5 = arith.constant 0 : i32
    %sign3A_6 = arith.cmpi slt, %add3A, %sign3A_5 : i32
    %sign3A_7 = arith.extui %sign3A_6 : i1 to i32
    %sign3A_8 = arith.subi %sign3A_4, %sign3A_7 : i32
    %sign3A_9 = arith.constant 0 : i32
    %sign3A_10 = arith.cmpi sgt, %jit3A, %sign3A_9 : i32
    %sign3A_11 = arith.extui %sign3A_10 : i1 to i32
    %sign3A_12 = arith.constant 0 : i32
    %sign3A_13 = arith.cmpi slt, %jit3A, %sign3A_12 : i32
    %sign3A_14 = arith.extui %sign3A_13 : i1 to i32
    %sign3A_15 = arith.subi %sign3A_11, %sign3A_14 : i32
    %ne3A = arith.cmpi ne, %sign3A_8, %sign3A_15 : i32
    %rem3A = arith.remsi %add3A, %jit3A : i32
    %ne3A_16 = arith.constant 0 : i32
    %ne3A_17 = arith.cmpi ne, %rem3A, %ne3A_16 : i32
    %and3A = arith.andi %ne3A, %ne3A_17 : i1
    %sub3A = arith.constant 1 : i32
    %sub3A_18 = arith.subi %div3A, %sub3A : i32
    %select_n3A = arith.select %and3A, %sub3A_18, %div3A : i32
    %jit3A_19 = arith.constant 2 : i32
    %eq3A = arith.constant 0 : i32
    %eq3A_20 = arith.cmpi eq, %jit3A_19, %eq3A : i32
    %jit3A_21 = arith.constant 1 : i32
    %select_n3A_22 = arith.select %eq3A_20, %jit3A_21, %jit3A_19 : i32
    %rem3A_23 = arith.remsi %add3A, %select_n3A_22 : i32
    %ne3A_24 = arith.constant 0 : i32
    %ne3A_25 = arith.cmpi ne, %rem3A_23, %ne3A_24 : i32
    %lt3A = arith.constant 0 : i32
    %lt3A_26 = arith.cmpi slt, %rem3A_23, %lt3A : i32
    %lt3A_27 = arith.constant 0 : i32
    %lt3A_28 = arith.cmpi slt, %select_n3A_22, %lt3A_27 : i32
    %ne3A_29 = arith.xori %lt3A_26, %lt3A_28 : i1
    %and3A_30 = arith.andi %ne3A_29, %ne3A_25 : i1
    %add3A_31 = arith.addi %rem3A_23, %select_n3A_22 : i32
    %select_n3A_32 = arith.select %and3A_30, %add3A_31, %rem3A_23 : i32
    %mul3A_33 = arith.constant 64 : i32
    %mul3A_34 = arith.muli %select_n3A_32, %mul3A_33 : i32
    "tpu.region"() ({
      %run_scoped3A = tpu.sem_alloc : memref<!tpu.dma_semaphore, #tpu.memory_space<semaphore_mem>>
      %dma_start3A_52 = tpu.memref_slice %arg2[%select_n3A, %mul3A_34] : memref<32x128xi32, #tpu.memory_space<hbm>> -> memref<1x64xi32, #tpu.memory_space<hbm>>
      %dma_start3A_53 = tpu.memref_squeeze %dma_start3A_52 : memref<1x64xi32, #tpu.memory_space<hbm>> -> memref<64xi32, #tpu.memory_space<hbm>>
      %dma_start3A_54 = tpu.memref_slice %arg2[%select_n3A, %mul3A_34] : memref<32x128xi32, #tpu.memory_space<hbm>> -> memref<1x64xi32, #tpu.memory_space<hbm>>
      %dma_start3A_55 = tpu.memref_squeeze %dma_start3A_54 : memref<1x64xi32, #tpu.memory_space<hbm>> -> memref<64xi32, #tpu.memory_space<hbm>>
      tpu.enqueue_dma source(%dma_start3A_55 : memref<64xi32, #tpu.memory_space<hbm>>) target(%arg5 : memref<64xi32, #tpu.memory_space<vmem>>) target_semaphore(%run_scoped3A : memref<!tpu.dma_semaphore, #tpu.memory_space<semaphore_mem>>)
      %dma_wait3A_56 = tpu.memref_slice %arg2[%select_n3A, %mul3A_34] : memref<32x128xi32, #tpu.memory_space<hbm>> -> memref<1x64xi32, #tpu.memory_space<hbm>>
      %dma_wait3A_57 = tpu.memref_squeeze %dma_wait3A_56 : memref<1x64xi32, #tpu.memory_space<hbm>> -> memref<64xi32, #tpu.memory_space<hbm>>
      %dma_wait3A_58 = tpu.memref_slice %arg2[%select_n3A, %mul3A_34] : memref<32x128xi32, #tpu.memory_space<hbm>> -> memref<1x64xi32, #tpu.memory_space<hbm>>
      %dma_wait3A_59 = tpu.memref_squeeze %dma_wait3A_58 : memref<1x64xi32, #tpu.memory_space<hbm>> -> memref<64xi32, #tpu.memory_space<hbm>>
      tpu.wait_dma2 semaphore(%run_scoped3A : memref<!tpu.dma_semaphore, #tpu.memory_space<semaphore_mem>>) src(%dma_wait3A_59 : memref<64xi32, #tpu.memory_space<hbm>>) dst(%arg5 : memref<64xi32, #tpu.memory_space<vmem>>)
      tpu.yield
    }) : () -> ()
    %add3A_35 = arith.constant 16 : i32
    %add3A_36 = arith.addi %add3A_35, %select_n3A : i32
    "tpu.region"() ({
      %run_scoped3A = tpu.sem_alloc : memref<!tpu.dma_semaphore, #tpu.memory_space<semaphore_mem>>
      %dma_start3A_52 = tpu.memref_slice %arg2[%add3A_36, %mul3A_34] : memref<32x128xi32, #tpu.memory_space<hbm>> -> memref<1x64xi32, #tpu.memory_space<hbm>>
      %dma_start3A_53 = tpu.memref_squeeze %dma_start3A_52 : memref<1x64xi32, #tpu.memory_space<hbm>> -> memref<64xi32, #tpu.memory_space<hbm>>
      %dma_start3A_54 = tpu.memref_slice %arg2[%add3A_36, %mul3A_34] : memref<32x128xi32, #tpu.memory_space<hbm>> -> memref<1x64xi32, #tpu.memory_space<hbm>>
      %dma_start3A_55 = tpu.memref_squeeze %dma_start3A_54 : memref<1x64xi32, #tpu.memory_space<hbm>> -> memref<64xi32, #tpu.memory_space<hbm>>
      tpu.enqueue_dma source(%dma_start3A_55 : memref<64xi32, #tpu.memory_space<hbm>>) target(%arg6 : memref<64xi32, #tpu.memory_space<vmem>>) target_semaphore(%run_scoped3A : memref<!tpu.dma_semaphore, #tpu.memory_space<semaphore_mem>>)
      %dma_wait3A_56 = tpu.memref_slice %arg2[%add3A_36, %mul3A_34] : memref<32x128xi32, #tpu.memory_space<hbm>> -> memref<1x64xi32, #tpu.memory_space<hbm>>
      %dma_wait3A_57 = tpu.memref_squeeze %dma_wait3A_56 : memref<1x64xi32, #tpu.memory_space<hbm>> -> memref<64xi32, #tpu.memory_space<hbm>>
      %dma_wait3A_58 = tpu.memref_slice %arg2[%add3A_36, %mul3A_34] : memref<32x128xi32, #tpu.memory_space<hbm>> -> memref<1x64xi32, #tpu.memory_space<hbm>>
      %dma_wait3A_59 = tpu.memref_squeeze %dma_wait3A_58 : memref<1x64xi32, #tpu.memory_space<hbm>> -> memref<64xi32, #tpu.memory_space<hbm>>
      tpu.wait_dma2 semaphore(%run_scoped3A : memref<!tpu.dma_semaphore, #tpu.memory_space<semaphore_mem>>) src(%dma_wait3A_59 : memref<64xi32, #tpu.memory_space<hbm>>) dst(%arg6 : memref<64xi32, #tpu.memory_space<vmem>>)
      tpu.yield
    }) : () -> ()
    %dma_start3A = arith.constant 0 : i32
    %dma_start3A_37 = arith.constant 0 : i32
    %dma_start3A_38 = tpu.memref_slice %arg3[%dma_start3A, %dma_start3A_37] : memref<5888x768xf32, #tpu.memory_space<hbm>> -> memref<5888x768xf32, #tpu.memory_space<hbm>>
    tpu.enqueue_indirect_dma source(%dma_start3A_38 : memref<5888x768xf32, #tpu.memory_space<hbm>>) target(%arg7 : memref<64x768xf32, #tpu.memory_space<vmem>>) offsets(%arg5 : memref<64xi32, #tpu.memory_space<vmem>>) semaphore(%arg9 : memref<!tpu.dma_semaphore, #tpu.memory_space<semaphore_mem>>)
    %dma_start3A_39 = arith.constant 0 : i32
    %dma_start3A_40 = arith.constant 0 : i32
    %dma_start3A_41 = tpu.memref_slice %arg3[%dma_start3A_39, %dma_start3A_40] : memref<5888x768xf32, #tpu.memory_space<hbm>> -> memref<5888x768xf32, #tpu.memory_space<hbm>>
    tpu.enqueue_indirect_dma source(%dma_start3A_41 : memref<5888x768xf32, #tpu.memory_space<hbm>>) target(%arg8 : memref<64x768xf32, #tpu.memory_space<vmem>>) offsets(%arg6 : memref<64xi32, #tpu.memory_space<vmem>>) semaphore(%arg10 : memref<!tpu.dma_semaphore, #tpu.memory_space<semaphore_mem>>)
    %dma_wait3A = arith.constant 0 : i32
    %dma_wait3A_42 = arith.constant 0 : i32
    %dma_wait3A_43 = tpu.memref_slice %arg3[%dma_wait3A, %dma_wait3A_42] : memref<5888x768xf32, #tpu.memory_space<hbm>> -> memref<5888x768xf32, #tpu.memory_space<hbm>>
    tpu.wait_indirect_dma semaphore(%arg9 : memref<!tpu.dma_semaphore, #tpu.memory_space<semaphore_mem>>) src(%dma_wait3A_43 : memref<5888x768xf32, #tpu.memory_space<hbm>>) dst(%arg7 : memref<64x768xf32, #tpu.memory_space<vmem>>)
    %dma_wait3A_44 = arith.constant 0 : i32
    %dma_wait3A_45 = arith.constant 0 : i32
    %dma_wait3A_46 = tpu.memref_slice %arg3[%dma_wait3A_44, %dma_wait3A_45] : memref<5888x768xf32, #tpu.memory_space<hbm>> -> memref<5888x768xf32, #tpu.memory_space<hbm>>
    tpu.wait_indirect_dma semaphore(%arg10 : memref<!tpu.dma_semaphore, #tpu.memory_space<semaphore_mem>>) src(%dma_wait3A_46 : memref<5888x768xf32, #tpu.memory_space<hbm>>) dst(%arg8 : memref<64x768xf32, #tpu.memory_space<vmem>>)
    %scan3A = arith.constant 0 : i32
    %scan3A_47 = arith.constant 0 : i32
    %scan3A_48 = arith.constant 64 : i32
    %scan3A_49 = arith.addi %scan3A_47, %scan3A_48 : i32
    %scan3A_50 = arith.constant 1 : i32
    scf.for %scan3A_52 = %scan3A_47 to %scan3A_49 step %scan3A_50  : i32 {
      %get3A = arith.index_cast %scan3A_52 : i32 to index
      %get3A_53 = arith.constant 0 : index
      %get3A_54 = tpu.vector_load %arg7[%get3A, %get3A_53] {strides = array<i32>} : memref<64x768xf32, #tpu.memory_space<vmem>>, vector<1x16xf32>,
      %get3A_55 = vector.shape_cast %get3A_54 : vector<1x16xf32> to vector<16xf32>
      %get3A_56 = arith.index_cast %scan3A_52 : i32 to index
      %get3A_57 = arith.constant 0 : index
      %get3A_58 = tpu.vector_load %arg8[%get3A_56, %get3A_57] {strides = array<i32>} : memref<64x768xf32, #tpu.memory_space<vmem>>, vector<1x16xf32>,
      %get3A_59 = vector.shape_cast %get3A_58 : vector<1x16xf32> to vector<16xf32>
      %add3A_60 = arith.addf %get3A_55, %get3A_59 : vector<16xf32>
      %swap3A = arith.index_cast %scan3A_52 : i32 to index
      %swap3A_61 = arith.constant 0 : index
      %swap3A_62 = tpu.vector_load %arg7[%swap3A, %swap3A_61] {strides = array<i32>} : memref<64x768xf32, #tpu.memory_space<vmem>>, vector<1x16xf32>,
      %swap3A_63 = vector.shape_cast %swap3A_62 : vector<1x16xf32> to vector<16xf32>
      %swap3A_64 = vector.shape_cast %add3A_60 : vector<16xf32> to vector<1x16xf32>
      tpu.vector_store %arg7[%swap3A, %swap3A_61], %swap3A_64 {strides = array<i32>} : memref<64x768xf32, #tpu.memory_space<vmem>>, vector<1x16xf32>,
      %get3A_65 = arith.index_cast %scan3A_52 : i32 to index
      %get3A_66 = arith.constant 16 : index
      %get3A_67 = tpu.vector_load %arg7[%get3A_65, %get3A_66] {strides = array<i32>} : memref<64x768xf32, #tpu.memory_space<vmem>>, vector<1x16xf32>,
      %get3A_68 = vector.shape_cast %get3A_67 : vector<1x16xf32> to vector<16xf32>
      %get3A_69 = arith.index_cast %scan3A_52 : i32 to index
      %get3A_70 = arith.constant 16 : index
      %get3A_71 = tpu.vector_load %arg8[%get3A_69, %get3A_70] {strides = array<i32>} : memref<64x768xf32, #tpu.memory_space<vmem>>, vector<1x16xf32>,
      %get3A_72 = vector.shape_cast %get3A_71 : vector<1x16xf32> to vector<16xf32>
      %add3A_73 = arith.addf %get3A_68, %get3A_72 : vector<16xf32>
      %swap3A_74 = arith.index_cast %scan3A_52 : i32 to index
      %swap3A_75 = arith.constant 16 : index
      %swap3A_76 = tpu.vector_load %arg7[%swap3A_74, %swap3A_75] {strides = array<i32>} : memref<64x768xf32, #tpu.memory_space<vmem>>, vector<1x16xf32>,
      %swap3A_77 = vector.shape_cast %swap3A_76 : vector<1x16xf32> to vector<16xf32>
      %swap3A_78 = vector.shape_cast %add3A_73 : vector<16xf32> to vector<1x16xf32>
      tpu.vector_store %arg7[%swap3A_74, %swap3A_75], %swap3A_78 {strides = array<i32>} : memref<64x768xf32, #tpu.memory_space<vmem>>, vector<1x16xf32>,
      %get3A_79 = arith.index_cast %scan3A_52 : i32 to index
      %get3A_80 = arith.constant 32 : index
      %get3A_81 = tpu.vector_load %arg7[%get3A_79, %get3A_80] {strides = array<i32>} : memref<64x768xf32, #tpu.memory_space<vmem>>, vector<1x16xf32>,
      %get3A_82 = vector.shape_cast %get3A_81 : vector<1x16xf32> to vector<16xf32>
      %get3A_83 = arith.index_cast %scan3A_52 : i32 to index
      %get3A_84 = arith.constant 32 : index
      %get3A_85 = tpu.vector_load %arg8[%get3A_83, %get3A_84] {strides = array<i32>} : memref<64x768xf32, #tpu.memory_space<vmem>>, vector<1x16xf32>,
      %get3A_86 = vector.shape_cast %get3A_85 : vector<1x16xf32> to vector<16xf32>
      %add3A_87 = arith.addf %get3A_82, %get3A_86 : vector<16xf32>
      %swap3A_88 = arith.index_cast %scan3A_52 : i32 to index
      %swap3A_89 = arith.constant 32 : index
      %swap3A_90 = tpu.vector_load %arg7[%swap3A_88, %swap3A_89] {strides = array<i32>} : memref<64x768xf32, #tpu.memory_space<vmem>>, vector<1x16xf32>,
      %swap3A_91 = vector.shape_cast %swap3A_90 : vector<1x16xf32> to vector<16xf32>
      %swap3A_92 = vector.shape_cast %add3A_87 : vector<16xf32> to vector<1x16xf32>
      tpu.vector_store %arg7[%swap3A_88, %swap3A_89], %swap3A_92 {strides = array<i32>} : memref<64x768xf32, #tpu.memory_space<vmem>>, vector<1x16xf32>,
      %get3A_93 = arith.index_cast %scan3A_52 : i32 to index
      %get3A_94 = arith.constant 48 : index
      %get3A_95 = tpu.vector_load %arg7[%get3A_93, %get3A_94] {strides = array<i32>} : memref<64x768xf32, #tpu.memory_space<vmem>>, vector<1x16xf32>,
      %get3A_96 = vector.shape_cast %get3A_95 : vector<1x16xf32> to vector<16xf32>
      %get3A_97 = arith.index_cast %scan3A_52 : i32 to index
      %get3A_98 = arith.constant 48 : index
      %get3A_99 = tpu.vector_load %arg8[%get3A_97, %get3A_98] {strides = array<i32>} : memref<64x768xf32, #tpu.memory_space<vmem>>, vector<1x16xf32>,
      %get3A_100 = vector.shape_cast %get3A_99 : vector<1x16xf32> to vector<16xf32>
      %add3A_101 = arith.addf %get3A_96, %get3A_100 : vector<16xf32>
      %swap3A_102 = arith.index_cast %scan3A_52 : i32 to index
      %swap3A_103 = arith.constant 48 : index
      %swap3A_104 = tpu.vector_load %arg7[%swap3A_102, %swap3A_103] {strides = array<i32>} : memref<64x768xf32, #tpu.memory_space<vmem>>, vector<1x16xf32>,
      %swap3A_105 = vector.shape_cast %swap3A_104 : vector<1x16xf32> to vector<16xf32>
      %swap3A_106 = vector.shape_cast %add3A_101 : vector<16xf32> to vector<1x16xf32>
      tpu.vector_store %arg7[%swap3A_102, %swap3A_103], %swap3A_106 {strides = array<i32>} : memref<64x768xf32, #tpu.memory_space<vmem>>, vector<1x16xf32>,
      %get3A_107 = arith.index_cast %scan3A_52 : i32 to index
      %get3A_108 = arith.constant 64 : index
      %get3A_109 = tpu.vector_load %arg7[%get3A_107, %get3A_108] {strides = array<i32>} : memref<64x768xf32, #tpu.memory_space<vmem>>, vector<1x16xf32>,
      %get3A_110 = vector.shape_cast %get3A_109 : vector<1x16xf32> to vector<16xf32>
      %get3A_111 = arith.index_cast %scan3A_52 : i32 to index
      %get3A_112 = arith.constant 64 : index
      %get3A_113 = tpu.vector_load %arg8[%get3A_111, %get3A_112] {strides = array<i32>} : memref<64x768xf32, #tpu.memory_space<vmem>>, vector<1x16xf32>,
      %get3A_114 = vector.shape_cast %get3A_113 : vector<1x16xf32> to vector<16xf32>
      %add3A_115 = arith.addf %get3A_110, %get3A_114 : vector<16xf32>
      %swap3A_116 = arith.index_cast %scan3A_52 : i32 to index
      %swap3A_117 = arith.constant 64 : index
      %swap3A_118 = tpu.vector_load %arg7[%swap3A_116, %swap3A_117] {strides = array<i32>} : memref<64x768xf32, #tpu.memory_space<vmem>>, vector<1x16xf32>,
      %swap3A_119 = vector.shape_cast %swap3A_118 : vector<1x16xf32> to vector<16xf32>
      %swap3A_120 = vector.shape_cast %add3A_115 : vector<16xf32> to vector<1x16xf32>
      tpu.vector_store %arg7[%swap3A_116, %swap3A_117], %swap3A_120 {strides = array<i32>} : memref<64x768xf32, #tpu.memory_space<vmem>>, vector<1x16xf32>,
      %get3A_121 = arith.index_cast %scan3A_52 : i32 to index
      %get3A_122 = arith.constant 80 : index
      %get3A_123 = tpu.vector_load %arg7[%get3A_121, %get3A_122] {strides = array<i32>} : memref<64x768xf32, #tpu.memory_space<vmem>>, vector<1x16xf32>,
      %get3A_124 = vector.shape_cast %get3A_123 : vector<1x16xf32> to vector<16xf32>
      %get3A_125 = arith.index_cast %scan3A_52 : i32 to index
      %get3A_126 = arith.constant 80 : index
      %get3A_127 = tpu.vector_load %arg8[%get3A_125, %get3A_126] {strides = array<i32>} : memref<64x768xf32, #tpu.memory_space<vmem>>, vector<1x16xf32>,
      %get3A_128 = vector.shape_cast %get3A_127 : vector<1x16xf32> to vector<16xf32>
      %add3A_129 = arith.addf %get3A_124, %get3A_128 : vector<16xf32>
      %swap3A_130 = arith.index_cast %scan3A_52 : i32 to index
      %swap3A_131 = arith.constant 80 : index
      %swap3A_132 = tpu.vector_load %arg7[%swap3A_130, %swap3A_131] {strides = array<i32>} : memref<64x768xf32, #tpu.memory_space<vmem>>, vector<1x16xf32>,
      %swap3A_133 = vector.shape_cast %swap3A_132 : vector<1x16xf32> to vector<16xf32>
      %swap3A_134 = vector.shape_cast %add3A_129 : vector<16xf32> to vector<1x16xf32>
      tpu.vector_store %arg7[%swap3A_130, %swap3A_131], %swap3A_134 {strides = array<i32>} : memref<64x768xf32, #tpu.memory_space<vmem>>, vector<1x16xf32>,
      %get3A_135 = arith.index_cast %scan3A_52 : i32 to index
      %get3A_136 = arith.constant 96 : index
      %get3A_137 = tpu.vector_load %arg7[%get3A_135, %get3A_136] {strides = array<i32>} : memref<64x768xf32, #tpu.memory_space<vmem>>, vector<1x16xf32>,
      %get3A_138 = vector.shape_cast %get3A_137 : vector<1x16xf32> to vector<16xf32>
      %get3A_139 = arith.index_cast %scan3A_52 : i32 to index
      %get3A_140 = arith.constant 96 : index
      %get3A_141 = tpu.vector_load %arg8[%get3A_139, %get3A_140] {strides = array<i32>} : memref<64x768xf32, #tpu.memory_space<vmem>>, vector<1x16xf32>,
      %get3A_142 = vector.shape_cast %get3A_141 : vector<1x16xf32> to vector<16xf32>
      %add3A_143 = arith.addf %get3A_138, %get3A_142 : vector<16xf32>
      %swap3A_144 = arith.index_cast %scan3A_52 : i32 to index
      %swap3A_145 = arith.constant 96 : index
      %swap3A_146 = tpu.vector_load %arg7[%swap3A_144, %swap3A_145] {strides = array<i32>} : memref<64x768xf32, #tpu.memory_space<vmem>>, vector<1x16xf32>,
      %swap3A_147 = vector.shape_cast %swap3A_146 : vector<1x16xf32> to vector<16xf32>
      %swap3A_148 = vector.shape_cast %add3A_143 : vector<16xf32> to vector<1x16xf32>
      tpu.vector_store %arg7[%swap3A_144, %swap3A_145], %swap3A_148 {strides = array<i32>} : memref<64x768xf32, #tpu.memory_space<vmem>>, vector<1x16xf32>,
      %get3A_149 = arith.index_cast %scan3A_52 : i32 to index
      %get3A_150 = arith.constant 112 : index
      %get3A_151 = tpu.vector_load %arg7[%get3A_149, %get3A_150] {strides = array<i32>} : memref<64x768xf32, #tpu.memory_space<vmem>>, vector<1x16xf32>,
      %get3A_152 = vector.shape_cast %get3A_151 : vector<1x16xf32> to vector<16xf32>
      %get3A_153 = arith.index_cast %scan3A_52 : i32 to index
      %get3A_154 = arith.constant 112 : index
      %get3A_155 = tpu.vector_load %arg8[%get3A_153, %get3A_154] {strides = array<i32>} : memref<64x768xf32, #tpu.memory_space<vmem>>, vector<1x16xf32>,
      %get3A_156 = vector.shape_cast %get3A_155 : vector<1x16xf32> to vector<16xf32>
      %add3A_157 = arith.addf %get3A_152, %get3A_156 : vector<16xf32>
      %swap3A_158 = arith.index_cast %scan3A_52 : i32 to index
      %swap3A_159 = arith.constant 112 : index
      %swap3A_160 = tpu.vector_load %arg7[%swap3A_158, %swap3A_159] {strides = array<i32>} : memref<64x768xf32, #tpu.memory_space<vmem>>, vector<1x16xf32>,
      %swap3A_161 = vector.shape_cast %swap3A_160 : vector<1x16xf32> to vector<16xf32>
      %swap3A_162 = vector.shape_cast %add3A_157 : vector<16xf32> to vector<1x16xf32>
      tpu.vector_store %arg7[%swap3A_158, %swap3A_159], %swap3A_162 {strides = array<i32>} : memref<64x768xf32, #tpu.memory_space<vmem>>, vector<1x16xf32>,
      %get3A_163 = arith.index_cast %scan3A_52 : i32 to index
      %get3A_164 = arith.constant 128 : index
      %get3A_165 = tpu.vector_load %arg7[%get3A_163, %get3A_164] {strides = array<i32>} : memref<64x768xf32, #tpu.memory_space<vmem>>, vector<1x16xf32>,
      %get3A_166 = vector.shape_cast %get3A_165 : vector<1x16xf32> to vector<16xf32>
      %get3A_167 = arith.index_cast %scan3A_52 : i32 to index
      %get3A_168 = arith.constant 128 : index
      %get3A_169 = tpu.vector_load %arg8[%get3A_167, %get3A_168] {strides = array<i32>} : memref<64x768xf32, #tpu.memory_space<vmem>>, vector<1x16xf32>,
      %get3A_170 = vector.shape_cast %get3A_169 : vector<1x16xf32> to vector<16xf32>
      %add3A_171 = arith.addf %get3A_166, %get3A_170 : vector<16xf32>
      %swap3A_172 = arith.index_cast %scan3A_52 : i32 to index
      %swap3A_173 = arith.constant 128 : index
      %swap3A_174 = tpu.vector_load %arg7[%swap3A_172, %swap3A_173] {strides = array<i32>} : memref<64x768xf32, #tpu.memory_space<vmem>>, vector<1x16xf32>,
      %swap3A_175 = vector.shape_cast %swap3A_174 : vector<1x16xf32> to vector<16xf32>
      %swap3A_176 = vector.shape_cast %add3A_171 : vector<16xf32> to vector<1x16xf32>
      tpu.vector_store %arg7[%swap3A_172, %swap3A_173], %swap3A_176 {strides = array<i32>} : memref<64x768xf32, #tpu.memory_space<vmem>>, vector<1x16xf32>,
      %get3A_177 = arith.index_cast %scan3A_52 : i32 to index
      %get3A_178 = arith.constant 144 : index
      %get3A_179 = tpu.vector_load %arg7[%get3A_177, %get3A_178] {strides = array<i32>} : memref<64x768xf32, #tpu.memory_space<vmem>>, vector<1x16xf32>,
      %get3A_180 = vector.shape_cast %get3A_179 : vector<1x16xf32> to vector<16xf32>
      %get3A_181 = arith.index_cast %scan3A_52 : i32 to index
      %get3A_182 = arith.constant 144 : index
      %get3A_183 = tpu.vector_load %arg8[%get3A_181, %get3A_182] {strides = array<i32>} : memref<64x768xf32, #tpu.memory_space<vmem>>, vector<1x16xf32>,
      %get3A_184 = vector.shape_cast %get3A_183 : vector<1x16xf32> to vector<16xf32>
      %add3A_185 = arith.addf %get3A_180, %get3A_184 : vector<16xf32>
      %swap3A_186 = arith.index_cast %scan3A_52 : i32 to index
      %swap3A_187 = arith.constant 144 : index
      %swap3A_188 = tpu.vector_load %arg7[%swap3A_186, %swap3A_187] {strides = array<i32>} : memref<64x768xf32, #tpu.memory_space<vmem>>, vector<1x16xf32>,
      %swap3A_189 = vector.shape_cast %swap3A_188 : vector<1x16xf32> to vector<16xf32>
      %swap3A_190 = vector.shape_cast %add3A_185 : vector<16xf32> to vector<1x16xf32>
      tpu.vector_store %arg7[%swap3A_186, %swap3A_187], %swap3A_190 {strides = array<i32>} : memref<64x768xf32, #tpu.memory_space<vmem>>, vector<1x16xf32>,
      %get3A_191 = arith.index_cast %scan3A_52 : i32 to index
      %get3A_192 = arith.constant 160 : index
      %get3A_193 = tpu.vector_load %arg7[%get3A_191, %get3A_192] {strides = array<i32>} : memref<64x768xf32, #tpu.memory_space<vmem>>, vector<1x16xf32>,
      %get3A_194 = vector.shape_cast %get3A_193 : vector<1x16xf32> to vector<16xf32>
      %get3A_195 = arith.index_cast %scan3A_52 : i32 to index
      %get3A_196 = arith.constant 160 : index
      %get3A_197 = tpu.vector_load %arg8[%get3A_195, %get3A_196] {strides = array<i32>} : memref<64x768xf32, #tpu.memory_space<vmem>>, vector<1x16xf32>,
      %get3A_198 = vector.shape_cast %get3A_197 : vector<1x16xf32> to vector<16xf32>
      %add3A_199 = arith.addf %get3A_194, %get3A_198 : vector<16xf32>
      %swap3A_200 = arith.index_cast %scan3A_52 : i32 to index
      %swap3A_201 = arith.constant 160 : index
      %swap3A_202 = tpu.vector_load %arg7[%swap3A_200, %swap3A_201] {strides = array<i32>} : memref<64x768xf32, #tpu.memory_space<vmem>>, vector<1x16xf32>,
      %swap3A_203 = vector.shape_cast %swap3A_202 : vector<1x16xf32> to vector<16xf32>
      %swap3A_204 = vector.shape_cast %add3A_199 : vector<16xf32> to vector<1x16xf32>
      tpu.vector_store %arg7[%swap3A_200, %swap3A_201], %swap3A_204 {strides = array<i32>} : memref<64x768xf32, #tpu.memory_space<vmem>>, vector<1x16xf32>,
      %get3A_205 = arith.index_cast %scan3A_52 : i32 to index
      %get3A_206 = arith.constant 176 : index
      %get3A_207 = tpu.vector_load %arg7[%get3A_205, %get3A_206] {strides = array<i32>} : memref<64x768xf32, #tpu.memory_space<vmem>>, vector<1x16xf32>,
      %get3A_208 = vector.shape_cast %get3A_207 : vector<1x16xf32> to vector<16xf32>
      %get3A_209 = arith.index_cast %scan3A_52 : i32 to index
      %get3A_210 = arith.constant 176 : index
      %get3A_211 = tpu.vector_load %arg8[%get3A_209, %get3A_210] {strides = array<i32>} : memref<64x768xf32, #tpu.memory_space<vmem>>, vector<1x16xf32>,
      %get3A_212 = vector.shape_cast %get3A_211 : vector<1x16xf32> to vector<16xf32>
      %add3A_213 = arith.addf %get3A_208, %get3A_212 : vector<16xf32>
      %swap3A_214 = arith.index_cast %scan3A_52 : i32 to index
      %swap3A_215 = arith.constant 176 : index
      %swap3A_216 = tpu.vector_load %arg7[%swap3A_214, %swap3A_215] {strides = array<i32>} : memref<64x768xf32, #tpu.memory_space<vmem>>, vector<1x16xf32>,
      %swap3A_217 = vector.shape_cast %swap3A_216 : vector<1x16xf32> to vector<16xf32>
      %swap3A_218 = vector.shape_cast %add3A_213 : vector<16xf32> to vector<1x16xf32>
      tpu.vector_store %arg7[%swap3A_214, %swap3A_215], %swap3A_218 {strides = array<i32>} : memref<64x768xf32, #tpu.memory_space<vmem>>, vector<1x16xf32>,
      %get3A_219 = arith.index_cast %scan3A_52 : i32 to index
      %get3A_220 = arith.constant 192 : index
      %get3A_221 = tpu.vector_load %arg7[%get3A_219, %get3A_220] {strides = array<i32>} : memref<64x768xf32, #tpu.memory_space<vmem>>, vector<1x16xf32>,
      %get3A_222 = vector.shape_cast %get3A_221 : vector<1x16xf32> to vector<16xf32>
      %get3A_223 = arith.index_cast %scan3A_52 : i32 to index
      %get3A_224 = arith.constant 192 : index
      %get3A_225 = tpu.vector_load %arg8[%get3A_223, %get3A_224] {strides = array<i32>} : memref<64x768xf32, #tpu.memory_space<vmem>>, vector<1x16xf32>,
      %get3A_226 = vector.shape_cast %get3A_225 : vector<1x16xf32> to vector<16xf32>
      %add3A_227 = arith.addf %get3A_222, %get3A_226 : vector<16xf32>
      %swap3A_228 = arith.index_cast %scan3A_52 : i32 to index
      %swap3A_229 = arith.constant 192 : index
      %swap3A_230 = tpu.vector_load %arg7[%swap3A_228, %swap3A_229] {strides = array<i32>} : memref<64x768xf32, #tpu.memory_space<vmem>>, vector<1x16xf32>,
      %swap3A_231 = vector.shape_cast %swap3A_230 : vector<1x16xf32> to vector<16xf32>
      %swap3A_232 = vector.shape_cast %add3A_227 : vector<16xf32> to vector<1x16xf32>
      tpu.vector_store %arg7[%swap3A_228, %swap3A_229], %swap3A_232 {strides = array<i32>} : memref<64x768xf32, #tpu.memory_space<vmem>>, vector<1x16xf32>,
      %get3A_233 = arith.index_cast %scan3A_52 : i32 to index
      %get3A_234 = arith.constant 208 : index
      %get3A_235 = tpu.vector_load %arg7[%get3A_233, %get3A_234] {strides = array<i32>} : memref<64x768xf32, #tpu.memory_space<vmem>>, vector<1x16xf32>,
      %get3A_236 = vector.shape_cast %get3A_235 : vector<1x16xf32> to vector<16xf32>
      %get3A_237 = arith.index_cast %scan3A_52 : i32 to index
      %get3A_238 = arith.constant 208 : index
      %get3A_239 = tpu.vector_load %arg8[%get3A_237, %get3A_238] {strides = array<i32>} : memref<64x768xf32, #tpu.memory_space<vmem>>, vector<1x16xf32>,
      %get3A_240 = vector.shape_cast %get3A_239 : vector<1x16xf32> to vector<16xf32>
      %add3A_241 = arith.addf %get3A_236, %get3A_240 : vector<16xf32>
      %swap3A_242 = arith.index_cast %scan3A_52 : i32 to index
      %swap3A_243 = arith.constant 208 : index
      %swap3A_244 = tpu.vector_load %arg7[%swap3A_242, %swap3A_243] {strides = array<i32>} : memref<64x768xf32, #tpu.memory_space<vmem>>, vector<1x16xf32>,
      %swap3A_245 = vector.shape_cast %swap3A_244 : vector<1x16xf32> to vector<16xf32>
      %swap3A_246 = vector.shape_cast %add3A_241 : vector<16xf32> to vector<1x16xf32>
      tpu.vector_store %arg7[%swap3A_242, %swap3A_243], %swap3A_246 {strides = array<i32>} : memref<64x768xf32, #tpu.memory_space<vmem>>, vector<1x16xf32>,
      %get3A_247 = arith.index_cast %scan3A_52 : i32 to index
      %get3A_248 = arith.constant 224 : index
      %get3A_249 = tpu.vector_load %arg7[%get3A_247, %get3A_248] {strides = array<i32>} : memref<64x768xf32, #tpu.memory_space<vmem>>, vector<1x16xf32>,
      %get3A_250 = vector.shape_cast %get3A_249 : vector<1x16xf32> to vector<16xf32>
      %get3A_251 = arith.index_cast %scan3A_52 : i32 to index
      %get3A_252 = arith.constant 224 : index
      %get3A_253 = tpu.vector_load %arg8[%get3A_251, %get3A_252] {strides = array<i32>} : memref<64x768xf32, #tpu.memory_space<vmem>>, vector<1x16xf32>,
      %get3A_254 = vector.shape_cast %get3A_253 : vector<1x16xf32> to vector<16xf32>
      %add3A_255 = arith.addf %get3A_250, %get3A_254 : vector<16xf32>
      %swap3A_256 = arith.index_cast %scan3A_52 : i32 to index
      %swap3A_257 = arith.constant 224 : index
      %swap3A_258 = tpu.vector_load %arg7[%swap3A_256, %swap3A_257] {strides = array<i32>} : memref<64x768xf32, #tpu.memory_space<vmem>>, vector<1x16xf32>,
      %swap3A_259 = vector.shape_cast %swap3A_258 : vector<1x16xf32> to vector<16xf32>
      %swap3A_260 = vector.shape_cast %add3A_255 : vector<16xf32> to vector<1x16xf32>
      tpu.vector_store %arg7[%swap3A_256, %swap3A_257], %swap3A_260 {strides = array<i32>} : memref<64x768xf32, #tpu.memory_space<vmem>>, vector<1x16xf32>,
      %get3A_261 = arith.index_cast %scan3A_52 : i32 to index
      %get3A_262 = arith.constant 240 : index
      %get3A_263 = tpu.vector_load %arg7[%get3A_261, %get3A_262] {strides = array<i32>} : memref<64x768xf32, #tpu.memory_space<vmem>>, vector<1x16xf32>,
      %get3A_264 = vector.shape_cast %get3A_263 : vector<1x16xf32> to vector<16xf32>
      %get3A_265 = arith.index_cast %scan3A_52 : i32 to index
      %get3A_266 = arith.constant 240 : index
      %get3A_267 = tpu.vector_load %arg8[%get3A_265, %get3A_266] {strides = array<i32>} : memref<64x768xf32, #tpu.memory_space<vmem>>, vector<1x16xf32>,
      %get3A_268 = vector.shape_cast %get3A_267 : vector<1x16xf32> to vector<16xf32>
      %add3A_269 = arith.addf %get3A_264, %get3A_268 : vector<16xf32>
      %swap3A_270 = arith.index_cast %scan3A_52 : i32 to index
      %swap3A_271 = arith.constant 240 : index
      %swap3A_272 = tpu.vector_load %arg7[%swap3A_270, %swap3A_271] {strides = array<i32>} : memref<64x768xf32, #tpu.memory_space<vmem>>, vector<1x16xf32>,
      %swap3A_273 = vector.shape_cast %swap3A_272 : vector<1x16xf32> to vector<16xf32>
      %swap3A_274 = vector.shape_cast %add3A_269 : vector<16xf32> to vector<1x16xf32>
      tpu.vector_store %arg7[%swap3A_270, %swap3A_271], %swap3A_274 {strides = array<i32>} : memref<64x768xf32, #tpu.memory_space<vmem>>, vector<1x16xf32>,
      %get3A_275 = arith.index_cast %scan3A_52 : i32 to index
      %get3A_276 = arith.constant 256 : index
      %get3A_277 = tpu.vector_load %arg7[%get3A_275, %get3A_276] {strides = array<i32>} : memref<64x768xf32, #tpu.memory_space<vmem>>, vector<1x16xf32>,
      %get3A_278 = vector.shape_cast %get3A_277 : vector<1x16xf32> to vector<16xf32>
      %get3A_279 = arith.index_cast %scan3A_52 : i32 to index
      %get3A_280 = arith.constant 256 : index
      %get3A_281 = tpu.vector_load %arg8[%get3A_279, %get3A_280] {strides = array<i32>} : memref<64x768xf32, #tpu.memory_space<vmem>>, vector<1x16xf32>,
      %get3A_282 = vector.shape_cast %get3A_281 : vector<1x16xf32> to vector<16xf32>
      %add3A_283 = arith.addf %get3A_278, %get3A_282 : vector<16xf32>
      %swap3A_284 = arith.index_cast %scan3A_52 : i32 to index
      %swap3A_285 = arith.constant 256 : index
      %swap3A_286 = tpu.vector_load %arg7[%swap3A_284, %swap3A_285] {strides = array<i32>} : memref<64x768xf32, #tpu.memory_space<vmem>>, vector<1x16xf32>,
      %swap3A_287 = vector.shape_cast %swap3A_286 : vector<1x16xf32> to vector<16xf32>
      %swap3A_288 = vector.shape_cast %add3A_283 : vector<16xf32> to vector<1x16xf32>
      tpu.vector_store %arg7[%swap3A_284, %swap3A_285], %swap3A_288 {strides = array<i32>} : memref<64x768xf32, #tpu.memory_space<vmem>>, vector<1x16xf32>,
      %get3A_289 = arith.index_cast %scan3A_52 : i32 to index
      %get3A_290 = arith.constant 272 : index
      %get3A_291 = tpu.vector_load %arg7[%get3A_289, %get3A_290] {strides = array<i32>} : memref<64x768xf32, #tpu.memory_space<vmem>>, vector<1x16xf32>,
      %get3A_292 = vector.shape_cast %get3A_291 : vector<1x16xf32> to vector<16xf32>
      %get3A_293 = arith.index_cast %scan3A_52 : i32 to index
      %get3A_294 = arith.constant 272 : index
      %get3A_295 = tpu.vector_load %arg8[%get3A_293, %get3A_294] {strides = array<i32>} : memref<64x768xf32, #tpu.memory_space<vmem>>, vector<1x16xf32>,
      %get3A_296 = vector.shape_cast %get3A_295 : vector<1x16xf32> to vector<16xf32>
      %add3A_297 = arith.addf %get3A_292, %get3A_296 : vector<16xf32>
      %swap3A_298 = arith.index_cast %scan3A_52 : i32 to index
      %swap3A_299 = arith.constant 272 : index
      %swap3A_300 = tpu.vector_load %arg7[%swap3A_298, %swap3A_299] {strides = array<i32>} : memref<64x768xf32, #tpu.memory_space<vmem>>, vector<1x16xf32>,
      %swap3A_301 = vector.shape_cast %swap3A_300 : vector<1x16xf32> to vector<16xf32>
      %swap3A_302 = vector.shape_cast %add3A_297 : vector<16xf32> to vector<1x16xf32>
      tpu.vector_store %arg7[%swap3A_298, %swap3A_299], %swap3A_302 {strides = array<i32>} : memref<64x768xf32, #tpu.memory_space<vmem>>, vector<1x16xf32>,
      %get3A_303 = arith.index_cast %scan3A_52 : i32 to index
      %get3A_304 = arith.constant 288 : index
      %get3A_305 = tpu.vector_load %arg7[%get3A_303, %get3A_304] {strides = array<i32>} : memref<64x768xf32, #tpu.memory_space<vmem>>, vector<1x16xf32>,
      %get3A_306 = vector.shape_cast %get3A_305 : vector<1x16xf32> to vector<16xf32>
      %get3A_307 = arith.index_cast %scan3A_52 : i32 to index
      %get3A_308 = arith.constant 288 : index
      %get3A_309 = tpu.vector_load %arg8[%get3A_307, %get3A_308] {strides = array<i32>} : memref<64x768xf32, #tpu.memory_space<vmem>>, vector<1x16xf32>,
      %get3A_310 = vector.shape_cast %get3A_309 : vector<1x16xf32> to vector<16xf32>
      %add3A_311 = arith.addf %get3A_306, %get3A_310 : vector<16xf32>
      %swap3A_312 = arith.index_cast %scan3A_52 : i32 to index
      %swap3A_313 = arith.constant 288 : index
      %swap3A_314 = tpu.vector_load %arg7[%swap3A_312, %swap3A_313] {strides = array<i32>} : memref<64x768xf32, #tpu.memory_space<vmem>>, vector<1x16xf32>,
      %swap3A_315 = vector.shape_cast %swap3A_314 : vector<1x16xf32> to vector<16xf32>
      %swap3A_316 = vector.shape_cast %add3A_311 : vector<16xf32> to vector<1x16xf32>
      tpu.vector_store %arg7[%swap3A_312, %swap3A_313], %swap3A_316 {strides = array<i32>} : memref<64x768xf32, #tpu.memory_space<vmem>>, vector<1x16xf32>,
      %get3A_317 = arith.index_cast %scan3A_52 : i32 to index
      %get3A_318 = arith.constant 304 : index
      %get3A_319 = tpu.vector_load %arg7[%get3A_317, %get3A_318] {strides = array<i32>} : memref<64x768xf32, #tpu.memory_space<vmem>>, vector<1x16xf32>,
      %get3A_320 = vector.shape_cast %get3A_319 : vector<1x16xf32> to vector<16xf32>
      %get3A_321 = arith.index_cast %scan3A_52 : i32 to index
      %get3A_322 = arith.constant 304 : index
      %get3A_323 = tpu.vector_load %arg8[%get3A_321, %get3A_322] {strides = array<i32>} : memref<64x768xf32, #tpu.memory_space<vmem>>, vector<1x16xf32>,
      %get3A_324 = vector.shape_cast %get3A_323 : vector<1x16xf32> to vector<16xf32>
      %add3A_325 = arith.addf %get3A_320, %get3A_324 : vector<16xf32>
      %swap3A_326 = arith.index_cast %scan3A_52 : i32 to index
      %swap3A_327 = arith.constant 304 : index
      %swap3A_328 = tpu.vector_load %arg7[%swap3A_326, %swap3A_327] {strides = array<i32>} : memref<64x768xf32, #tpu.memory_space<vmem>>, vector<1x16xf32>,
      %swap3A_329 = vector.shape_cast %swap3A_328 : vector<1x16xf32> to vector<16xf32>
      %swap3A_330 = vector.shape_cast %add3A_325 : vector<16xf32> to vector<1x16xf32>
      tpu.vector_store %arg7[%swap3A_326, %swap3A_327], %swap3A_330 {strides = array<i32>} : memref<64x768xf32, #tpu.memory_space<vmem>>, vector<1x16xf32>,
      %get3A_331 = arith.index_cast %scan3A_52 : i32 to index
      %get3A_332 = arith.constant 320 : index
      %get3A_333 = tpu.vector_load %arg7[%get3A_331, %get3A_332] {strides = array<i32>} : memref<64x768xf32, #tpu.memory_space<vmem>>, vector<1x16xf32>,
      %get3A_334 = vector.shape_cast %get3A_333 : vector<1x16xf32> to vector<16xf32>
      %get3A_335 = arith.index_cast %scan3A_52 : i32 to index
      %get3A_336 = arith.constant 320 : index
      %get3A_337 = tpu.vector_load %arg8[%get3A_335, %get3A_336] {strides = array<i32>} : memref<64x768xf32, #tpu.memory_space<vmem>>, vector<1x16xf32>,
      %get3A_338 = vector.shape_cast %get3A_337 : vector<1x16xf32> to vector<16xf32>
      %add3A_339 = arith.addf %get3A_334, %get3A_338 : vector<16xf32>
      %swap3A_340 = arith.index_cast %scan3A_52 : i32 to index
      %swap3A_341 = arith.constant 320 : index
      %swap3A_342 = tpu.vector_load %arg7[%swap3A_340, %swap3A_341] {strides = array<i32>} : memref<64x768xf32, #tpu.memory_space<vmem>>, vector<1x16xf32>,
      %swap3A_343 = vector.shape_cast %swap3A_342 : vector<1x16xf32> to vector<16xf32>
      %swap3A_344 = vector.shape_cast %add3A_339 : vector<16xf32> to vector<1x16xf32>
      tpu.vector_store %arg7[%swap3A_340, %swap3A_341], %swap3A_344 {strides = array<i32>} : memref<64x768xf32, #tpu.memory_space<vmem>>, vector<1x16xf32>,
      %get3A_345 = arith.index_cast %scan3A_52 : i32 to index
      %get3A_346 = arith.constant 336 : index
      %get3A_347 = tpu.vector_load %arg7[%get3A_345, %get3A_346] {strides = array<i32>} : memref<64x768xf32, #tpu.memory_space<vmem>>, vector<1x16xf32>,
      %get3A_348 = vector.shape_cast %get3A_347 : vector<1x16xf32> to vector<16xf32>
      %get3A_349 = arith.index_cast %scan3A_52 : i32 to index
      %get3A_350 = arith.constant 336 : index
      %get3A_351 = tpu.vector_load %arg8[%get3A_349, %get3A_350] {strides = array<i32>} : memref<64x768xf32, #tpu.memory_space<vmem>>, vector<1x16xf32>,
      %get3A_352 = vector.shape_cast %get3A_351 : vector<1x16xf32> to vector<16xf32>
      %add3A_353 = arith.addf %get3A_348, %get3A_352 : vector<16xf32>
      %swap3A_354 = arith.index_cast %scan3A_52 : i32 to index
      %swap3A_355 = arith.constant 336 : index
      %swap3A_356 = tpu.vector_load %arg7[%swap3A_354, %swap3A_355] {strides = array<i32>} : memref<64x768xf32, #tpu.memory_space<vmem>>, vector<1x16xf32>,
      %swap3A_357 = vector.shape_cast %swap3A_356 : vector<1x16xf32> to vector<16xf32>
      %swap3A_358 = vector.shape_cast %add3A_353 : vector<16xf32> to vector<1x16xf32>
      tpu.vector_store %arg7[%swap3A_354, %swap3A_355], %swap3A_358 {strides = array<i32>} : memref<64x768xf32, #tpu.memory_space<vmem>>, vector<1x16xf32>,
      %get3A_359 = arith.index_cast %scan3A_52 : i32 to index
      %get3A_360 = arith.constant 352 : index
      %get3A_361 = tpu.vector_load %arg7[%get3A_359, %get3A_360] {strides = array<i32>} : memref<64x768xf32, #tpu.memory_space<vmem>>, vector<1x16xf32>,
      %get3A_362 = vector.shape_cast %get3A_361 : vector<1x16xf32> to vector<16xf32>
      %get3A_363 = arith.index_cast %scan3A_52 : i32 to index
      %get3A_364 = arith.constant 352 : index
      %get3A_365 = tpu.vector_load %arg8[%get3A_363, %get3A_364] {strides = array<i32>} : memref<64x768xf32, #tpu.memory_space<vmem>>, vector<1x16xf32>,
      %get3A_366 = vector.shape_cast %get3A_365 : vector<1x16xf32> to vector<16xf32>
      %add3A_367 = arith.addf %get3A_362, %get3A_366 : vector<16xf32>
      %swap3A_368 = arith.index_cast %scan3A_52 : i32 to index
      %swap3A_369 = arith.constant 352 : index
      %swap3A_370 = tpu.vector_load %arg7[%swap3A_368, %swap3A_369] {strides = array<i32>} : memref<64x768xf32, #tpu.memory_space<vmem>>, vector<1x16xf32>,
      %swap3A_371 = vector.shape_cast %swap3A_370 : vector<1x16xf32> to vector<16xf32>
      %swap3A_372 = vector.shape_cast %add3A_367 : vector<16xf32> to vector<1x16xf32>
      tpu.vector_store %arg7[%swap3A_368, %swap3A_369], %swap3A_372 {strides = array<i32>} : memref<64x768xf32, #tpu.memory_space<vmem>>, vector<1x16xf32>,
      %get3A_373 = arith.index_cast %scan3A_52 : i32 to index
      %get3A_374 = arith.constant 368 : index
      %get3A_375 = tpu.vector_load %arg7[%get3A_373, %get3A_374] {strides = array<i32>} : memref<64x768xf32, #tpu.memory_space<vmem>>, vector<1x16xf32>,
      %get3A_376 = vector.shape_cast %get3A_375 : vector<1x16xf32> to vector<16xf32>
      %get3A_377 = arith.index_cast %scan3A_52 : i32 to index
      %get3A_378 = arith.constant 368 : index
      %get3A_379 = tpu.vector_load %arg8[%get3A_377, %get3A_378] {strides = array<i32>} : memref<64x768xf32, #tpu.memory_space<vmem>>, vector<1x16xf32>,
      %get3A_380 = vector.shape_cast %get3A_379 : vector<1x16xf32> to vector<16xf32>
      %add3A_381 = arith.addf %get3A_376, %get3A_380 : vector<16xf32>
      %swap3A_382 = arith.index_cast %scan3A_52 : i32 to index
      %swap3A_383 = arith.constant 368 : index
      %swap3A_384 = tpu.vector_load %arg7[%swap3A_382, %swap3A_383] {strides = array<i32>} : memref<64x768xf32, #tpu.memory_space<vmem>>, vector<1x16xf32>,
      %swap3A_385 = vector.shape_cast %swap3A_384 : vector<1x16xf32> to vector<16xf32>
      %swap3A_386 = vector.shape_cast %add3A_381 : vector<16xf32> to vector<1x16xf32>
      tpu.vector_store %arg7[%swap3A_382, %swap3A_383], %swap3A_386 {strides = array<i32>} : memref<64x768xf32, #tpu.memory_space<vmem>>, vector<1x16xf32>,
      %get3A_387 = arith.index_cast %scan3A_52 : i32 to index
      %get3A_388 = arith.constant 384 : index
      %get3A_389 = tpu.vector_load %arg7[%get3A_387, %get3A_388] {strides = array<i32>} : memref<64x768xf32, #tpu.memory_space<vmem>>, vector<1x16xf32>,
      %get3A_390 = vector.shape_cast %get3A_389 : vector<1x16xf32> to vector<16xf32>
      %get3A_391 = arith.index_cast %scan3A_52 : i32 to index
      %get3A_392 = arith.constant 384 : index
      %get3A_393 = tpu.vector_load %arg8[%get3A_391, %get3A_392] {strides = array<i32>} : memref<64x768xf32, #tpu.memory_space<vmem>>, vector<1x16xf32>,
      %get3A_394 = vector.shape_cast %get3A_393 : vector<1x16xf32> to vector<16xf32>
      %add3A_395 = arith.addf %get3A_390, %get3A_394 : vector<16xf32>
      %swap3A_396 = arith.index_cast %scan3A_52 : i32 to index
      %swap3A_397 = arith.constant 384 : index
      %swap3A_398 = tpu.vector_load %arg7[%swap3A_396, %swap3A_397] {strides = array<i32>} : memref<64x768xf32, #tpu.memory_space<vmem>>, vector<1x16xf32>,
      %swap3A_399 = vector.shape_cast %swap3A_398 : vector<1x16xf32> to vector<16xf32>
      %swap3A_400 = vector.shape_cast %add3A_395 : vector<16xf32> to vector<1x16xf32>
      tpu.vector_store %arg7[%swap3A_396, %swap3A_397], %swap3A_400 {strides = array<i32>} : memref<64x768xf32, #tpu.memory_space<vmem>>, vector<1x16xf32>,
      %get3A_401 = arith.index_cast %scan3A_52 : i32 to index
      %get3A_402 = arith.constant 400 : index
      %get3A_403 = tpu.vector_load %arg7[%get3A_401, %get3A_402] {strides = array<i32>} : memref<64x768xf32, #tpu.memory_space<vmem>>, vector<1x16xf32>,
      %get3A_404 = vector.shape_cast %get3A_403 : vector<1x16xf32> to vector<16xf32>
      %get3A_405 = arith.index_cast %scan3A_52 : i32 to index
      %get3A_406 = arith.constant 400 : index
      %get3A_407 = tpu.vector_load %arg8[%get3A_405, %get3A_406] {strides = array<i32>} : memref<64x768xf32, #tpu.memory_space<vmem>>, vector<1x16xf32>,
      %get3A_408 = vector.shape_cast %get3A_407 : vector<1x16xf32> to vector<16xf32>
      %add3A_409 = arith.addf %get3A_404, %get3A_408 : vector<16xf32>
      %swap3A_410 = arith.index_cast %scan3A_52 : i32 to index
      %swap3A_411 = arith.constant 400 : index
      %swap3A_412 = tpu.vector_load %arg7[%swap3A_410, %swap3A_411] {strides = array<i32>} : memref<64x768xf32, #tpu.memory_space<vmem>>, vector<1x16xf32>,
      %swap3A_413 = vector.shape_cast %swap3A_412 : vector<1x16xf32> to vector<16xf32>
      %swap3A_414 = vector.shape_cast %add3A_409 : vector<16xf32> to vector<1x16xf32>
      tpu.vector_store %arg7[%swap3A_410, %swap3A_411], %swap3A_414 {strides = array<i32>} : memref<64x768xf32, #tpu.memory_space<vmem>>, vector<1x16xf32>,
      %get3A_415 = arith.index_cast %scan3A_52 : i32 to index
      %get3A_416 = arith.constant 416 : index
      %get3A_417 = tpu.vector_load %arg7[%get3A_415, %get3A_416] {strides = array<i32>} : memref<64x768xf32, #tpu.memory_space<vmem>>, vector<1x16xf32>,
      %get3A_418 = vector.shape_cast %get3A_417 : vector<1x16xf32> to vector<16xf32>
      %get3A_419 = arith.index_cast %scan3A_52 : i32 to index
      %get3A_420 = arith.constant 416 : index
      %get3A_421 = tpu.vector_load %arg8[%get3A_419, %get3A_420] {strides = array<i32>} : memref<64x768xf32, #tpu.memory_space<vmem>>, vector<1x16xf32>,
      %get3A_422 = vector.shape_cast %get3A_421 : vector<1x16xf32> to vector<16xf32>
      %add3A_423 = arith.addf %get3A_418, %get3A_422 : vector<16xf32>
      %swap3A_424 = arith.index_cast %scan3A_52 : i32 to index
      %swap3A_425 = arith.constant 416 : index
      %swap3A_426 = tpu.vector_load %arg7[%swap3A_424, %swap3A_425] {strides = array<i32>} : memref<64x768xf32, #tpu.memory_space<vmem>>, vector<1x16xf32>,
      %swap3A_427 = vector.shape_cast %swap3A_426 : vector<1x16xf32> to vector<16xf32>
      %swap3A_428 = vector.shape_cast %add3A_423 : vector<16xf32> to vector<1x16xf32>
      tpu.vector_store %arg7[%swap3A_424, %swap3A_425], %swap3A_428 {strides = array<i32>} : memref<64x768xf32, #tpu.memory_space<vmem>>, vector<1x16xf32>,
      %get3A_429 = arith.index_cast %scan3A_52 : i32 to index
      %get3A_430 = arith.constant 432 : index
      %get3A_431 = tpu.vector_load %arg7[%get3A_429, %get3A_430] {strides = array<i32>} : memref<64x768xf32, #tpu.memory_space<vmem>>, vector<1x16xf32>,
      %get3A_432 = vector.shape_cast %get3A_431 : vector<1x16xf32> to vector<16xf32>
      %get3A_433 = arith.index_cast %scan3A_52 : i32 to index
      %get3A_434 = arith.constant 432 : index
      %get3A_435 = tpu.vector_load %arg8[%get3A_433, %get3A_434] {strides = array<i32>} : memref<64x768xf32, #tpu.memory_space<vmem>>, vector<1x16xf32>,
      %get3A_436 = vector.shape_cast %get3A_435 : vector<1x16xf32> to vector<16xf32>
      %add3A_437 = arith.addf %get3A_432, %get3A_436 : vector<16xf32>
      %swap3A_438 = arith.index_cast %scan3A_52 : i32 to index
      %swap3A_439 = arith.constant 432 : index
      %swap3A_440 = tpu.vector_load %arg7[%swap3A_438, %swap3A_439] {strides = array<i32>} : memref<64x768xf32, #tpu.memory_space<vmem>>, vector<1x16xf32>,
      %swap3A_441 = vector.shape_cast %swap3A_440 : vector<1x16xf32> to vector<16xf32>
      %swap3A_442 = vector.shape_cast %add3A_437 : vector<16xf32> to vector<1x16xf32>
      tpu.vector_store %arg7[%swap3A_438, %swap3A_439], %swap3A_442 {strides = array<i32>} : memref<64x768xf32, #tpu.memory_space<vmem>>, vector<1x16xf32>,
      %get3A_443 = arith.index_cast %scan3A_52 : i32 to index
      %get3A_444 = arith.constant 448 : index
      %get3A_445 = tpu.vector_load %arg7[%get3A_443, %get3A_444] {strides = array<i32>} : memref<64x768xf32, #tpu.memory_space<vmem>>, vector<1x16xf32>,
      %get3A_446 = vector.shape_cast %get3A_445 : vector<1x16xf32> to vector<16xf32>
      %get3A_447 = arith.index_cast %scan3A_52 : i32 to index
      %get3A_448 = arith.constant 448 : index
      %get3A_449 = tpu.vector_load %arg8[%get3A_447, %get3A_448] {strides = array<i32>} : memref<64x768xf32, #tpu.memory_space<vmem>>, vector<1x16xf32>,
      %get3A_450 = vector.shape_cast %get3A_449 : vector<1x16xf32> to vector<16xf32>
      %add3A_451 = arith.addf %get3A_446, %get3A_450 : vector<16xf32>
      %swap3A_452 = arith.index_cast %scan3A_52 : i32 to index
      %swap3A_453 = arith.constant 448 : index
      %swap3A_454 = tpu.vector_load %arg7[%swap3A_452, %swap3A_453] {strides = array<i32>} : memref<64x768xf32, #tpu.memory_space<vmem>>, vector<1x16xf32>,
      %swap3A_455 = vector.shape_cast %swap3A_454 : vector<1x16xf32> to vector<16xf32>
      %swap3A_456 = vector.shape_cast %add3A_451 : vector<16xf32> to vector<1x16xf32>
      tpu.vector_store %arg7[%swap3A_452, %swap3A_453], %swap3A_456 {strides = array<i32>} : memref<64x768xf32, #tpu.memory_space<vmem>>, vector<1x16xf32>,
      %get3A_457 = arith.index_cast %scan3A_52 : i32 to index
      %get3A_458 = arith.constant 464 : index
      %get3A_459 = tpu.vector_load %arg7[%get3A_457, %get3A_458] {strides = array<i32>} : memref<64x768xf32, #tpu.memory_space<vmem>>, vector<1x16xf32>,
      %get3A_460 = vector.shape_cast %get3A_459 : vector<1x16xf32> to vector<16xf32>
      %get3A_461 = arith.index_cast %scan3A_52 : i32 to index
      %get3A_462 = arith.constant 464 : index
      %get3A_463 = tpu.vector_load %arg8[%get3A_461, %get3A_462] {strides = array<i32>} : memref<64x768xf32, #tpu.memory_space<vmem>>, vector<1x16xf32>,
      %get3A_464 = vector.shape_cast %get3A_463 : vector<1x16xf32> to vector<16xf32>
      %add3A_465 = arith.addf %get3A_460, %get3A_464 : vector<16xf32>
      %swap3A_466 = arith.index_cast %scan3A_52 : i32 to index
      %swap3A_467 = arith.constant 464 : index
      %swap3A_468 = tpu.vector_load %arg7[%swap3A_466, %swap3A_467] {strides = array<i32>} : memref<64x768xf32, #tpu.memory_space<vmem>>, vector<1x16xf32>,
      %swap3A_469 = vector.shape_cast %swap3A_468 : vector<1x16xf32> to vector<16xf32>
      %swap3A_470 = vector.shape_cast %add3A_465 : vector<16xf32> to vector<1x16xf32>
      tpu.vector_store %arg7[%swap3A_466, %swap3A_467], %swap3A_470 {strides = array<i32>} : memref<64x768xf32, #tpu.memory_space<vmem>>, vector<1x16xf32>,
      %get3A_471 = arith.index_cast %scan3A_52 : i32 to index
      %get3A_472 = arith.constant 480 : index
      %get3A_473 = tpu.vector_load %arg7[%get3A_471, %get3A_472] {strides = array<i32>} : memref<64x768xf32, #tpu.memory_space<vmem>>, vector<1x16xf32>,
      %get3A_474 = vector.shape_cast %get3A_473 : vector<1x16xf32> to vector<16xf32>
      %get3A_475 = arith.index_cast %scan3A_52 : i32 to index
      %get3A_476 = arith.constant 480 : index
      %get3A_477 = tpu.vector_load %arg8[%get3A_475, %get3A_476] {strides = array<i32>} : memref<64x768xf32, #tpu.memory_space<vmem>>, vector<1x16xf32>,
      %get3A_478 = vector.shape_cast %get3A_477 : vector<1x16xf32> to vector<16xf32>
      %add3A_479 = arith.addf %get3A_474, %get3A_478 : vector<16xf32>
      %swap3A_480 = arith.index_cast %scan3A_52 : i32 to index
      %swap3A_481 = arith.constant 480 : index
      %swap3A_482 = tpu.vector_load %arg7[%swap3A_480, %swap3A_481] {strides = array<i32>} : memref<64x768xf32, #tpu.memory_space<vmem>>, vector<1x16xf32>,
      %swap3A_483 = vector.shape_cast %swap3A_482 : vector<1x16xf32> to vector<16xf32>
      %swap3A_484 = vector.shape_cast %add3A_479 : vector<16xf32> to vector<1x16xf32>
      tpu.vector_store %arg7[%swap3A_480, %swap3A_481], %swap3A_484 {strides = array<i32>} : memref<64x768xf32, #tpu.memory_space<vmem>>, vector<1x16xf32>,
      %get3A_485 = arith.index_cast %scan3A_52 : i32 to index
      %get3A_486 = arith.constant 496 : index
      %get3A_487 = tpu.vector_load %arg7[%get3A_485, %get3A_486] {strides = array<i32>} : memref<64x768xf32, #tpu.memory_space<vmem>>, vector<1x16xf32>,
      %get3A_488 = vector.shape_cast %get3A_487 : vector<1x16xf32> to vector<16xf32>
      %get3A_489 = arith.index_cast %scan3A_52 : i32 to index
      %get3A_490 = arith.constant 496 : index
      %get3A_491 = tpu.vector_load %arg8[%get3A_489, %get3A_490] {strides = array<i32>} : memref<64x768xf32, #tpu.memory_space<vmem>>, vector<1x16xf32>,
      %get3A_492 = vector.shape_cast %get3A_491 : vector<1x16xf32> to vector<16xf32>
      %add3A_493 = arith.addf %get3A_488, %get3A_492 : vector<16xf32>
      %swap3A_494 = arith.index_cast %scan3A_52 : i32 to index
      %swap3A_495 = arith.constant 496 : index
      %swap3A_496 = tpu.vector_load %arg7[%swap3A_494, %swap3A_495] {strides = array<i32>} : memref<64x768xf32, #tpu.memory_space<vmem>>, vector<1x16xf32>,
      %swap3A_497 = vector.shape_cast %swap3A_496 : vector<1x16xf32> to vector<16xf32>
      %swap3A_498 = vector.shape_cast %add3A_493 : vector<16xf32> to vector<1x16xf32>
      tpu.vector_store %arg7[%swap3A_494, %swap3A_495], %swap3A_498 {strides = array<i32>} : memref<64x768xf32, #tpu.memory_space<vmem>>, vector<1x16xf32>,
      %get3A_499 = arith.index_cast %scan3A_52 : i32 to index
      %get3A_500 = arith.constant 512 : index
      %get3A_501 = tpu.vector_load %arg7[%get3A_499, %get3A_500] {strides = array<i32>} : memref<64x768xf32, #tpu.memory_space<vmem>>, vector<1x16xf32>,
      %get3A_502 = vector.shape_cast %get3A_501 : vector<1x16xf32> to vector<16xf32>
      %get3A_503 = arith.index_cast %scan3A_52 : i32 to index
      %get3A_504 = arith.constant 512 : index
      %get3A_505 = tpu.vector_load %arg8[%get3A_503, %get3A_504] {strides = array<i32>} : memref<64x768xf32, #tpu.memory_space<vmem>>, vector<1x16xf32>,
      %get3A_506 = vector.shape_cast %get3A_505 : vector<1x16xf32> to vector<16xf32>
      %add3A_507 = arith.addf %get3A_502, %get3A_506 : vector<16xf32>
      %swap3A_508 = arith.index_cast %scan3A_52 : i32 to index
      %swap3A_509 = arith.constant 512 : index
      %swap3A_510 = tpu.vector_load %arg7[%swap3A_508, %swap3A_509] {strides = array<i32>} : memref<64x768xf32, #tpu.memory_space<vmem>>, vector<1x16xf32>,
      %swap3A_511 = vector.shape_cast %swap3A_510 : vector<1x16xf32> to vector<16xf32>
      %swap3A_512 = vector.shape_cast %add3A_507 : vector<16xf32> to vector<1x16xf32>
      tpu.vector_store %arg7[%swap3A_508, %swap3A_509], %swap3A_512 {strides = array<i32>} : memref<64x768xf32, #tpu.memory_space<vmem>>, vector<1x16xf32>,
      %get3A_513 = arith.index_cast %scan3A_52 : i32 to index
      %get3A_514 = arith.constant 528 : index
      %get3A_515 = tpu.vector_load %arg7[%get3A_513, %get3A_514] {strides = array<i32>} : memref<64x768xf32, #tpu.memory_space<vmem>>, vector<1x16xf32>,
      %get3A_516 = vector.shape_cast %get3A_515 : vector<1x16xf32> to vector<16xf32>
      %get3A_517 = arith.index_cast %scan3A_52 : i32 to index
      %get3A_518 = arith.constant 528 : index
      %get3A_519 = tpu.vector_load %arg8[%get3A_517, %get3A_518] {strides = array<i32>} : memref<64x768xf32, #tpu.memory_space<vmem>>, vector<1x16xf32>,
      %get3A_520 = vector.shape_cast %get3A_519 : vector<1x16xf32> to vector<16xf32>
      %add3A_521 = arith.addf %get3A_516, %get3A_520 : vector<16xf32>
      %swap3A_522 = arith.index_cast %scan3A_52 : i32 to index
      %swap3A_523 = arith.constant 528 : index
      %swap3A_524 = tpu.vector_load %arg7[%swap3A_522, %swap3A_523] {strides = array<i32>} : memref<64x768xf32, #tpu.memory_space<vmem>>, vector<1x16xf32>,
      %swap3A_525 = vector.shape_cast %swap3A_524 : vector<1x16xf32> to vector<16xf32>
      %swap3A_526 = vector.shape_cast %add3A_521 : vector<16xf32> to vector<1x16xf32>
      tpu.vector_store %arg7[%swap3A_522, %swap3A_523], %swap3A_526 {strides = array<i32>} : memref<64x768xf32, #tpu.memory_space<vmem>>, vector<1x16xf32>,
      %get3A_527 = arith.index_cast %scan3A_52 : i32 to index
      %get3A_528 = arith.constant 544 : index
      %get3A_529 = tpu.vector_load %arg7[%get3A_527, %get3A_528] {strides = array<i32>} : memref<64x768xf32, #tpu.memory_space<vmem>>, vector<1x16xf32>,
      %get3A_530 = vector.shape_cast %get3A_529 : vector<1x16xf32> to vector<16xf32>
      %get3A_531 = arith.index_cast %scan3A_52 : i32 to index
      %get3A_532 = arith.constant 544 : index
      %get3A_533 = tpu.vector_load %arg8[%get3A_531, %get3A_532] {strides = array<i32>} : memref<64x768xf32, #tpu.memory_space<vmem>>, vector<1x16xf32>,
      %get3A_534 = vector.shape_cast %get3A_533 : vector<1x16xf32> to vector<16xf32>
      %add3A_535 = arith.addf %get3A_530, %get3A_534 : vector<16xf32>
      %swap3A_536 = arith.index_cast %scan3A_52 : i32 to index
      %swap3A_537 = arith.constant 544 : index
      %swap3A_538 = tpu.vector_load %arg7[%swap3A_536, %swap3A_537] {strides = array<i32>} : memref<64x768xf32, #tpu.memory_space<vmem>>, vector<1x16xf32>,
      %swap3A_539 = vector.shape_cast %swap3A_538 : vector<1x16xf32> to vector<16xf32>
      %swap3A_540 = vector.shape_cast %add3A_535 : vector<16xf32> to vector<1x16xf32>
      tpu.vector_store %arg7[%swap3A_536, %swap3A_537], %swap3A_540 {strides = array<i32>} : memref<64x768xf32, #tpu.memory_space<vmem>>, vector<1x16xf32>,
      %get3A_541 = arith.index_cast %scan3A_52 : i32 to index
      %get3A_542 = arith.constant 560 : index
      %get3A_543 = tpu.vector_load %arg7[%get3A_541, %get3A_542] {strides = array<i32>} : memref<64x768xf32, #tpu.memory_space<vmem>>, vector<1x16xf32>,
      %get3A_544 = vector.shape_cast %get3A_543 : vector<1x16xf32> to vector<16xf32>
      %get3A_545 = arith.index_cast %scan3A_52 : i32 to index
      %get3A_546 = arith.constant 560 : index
      %get3A_547 = tpu.vector_load %arg8[%get3A_545, %get3A_546] {strides = array<i32>} : memref<64x768xf32, #tpu.memory_space<vmem>>, vector<1x16xf32>,
      %get3A_548 = vector.shape_cast %get3A_547 : vector<1x16xf32> to vector<16xf32>
      %add3A_549 = arith.addf %get3A_544, %get3A_548 : vector<16xf32>
      %swap3A_550 = arith.index_cast %scan3A_52 : i32 to index
      %swap3A_551 = arith.constant 560 : index
      %swap3A_552 = tpu.vector_load %arg7[%swap3A_550, %swap3A_551] {strides = array<i32>} : memref<64x768xf32, #tpu.memory_space<vmem>>, vector<1x16xf32>,
      %swap3A_553 = vector.shape_cast %swap3A_552 : vector<1x16xf32> to vector<16xf32>
      %swap3A_554 = vector.shape_cast %add3A_549 : vector<16xf32> to vector<1x16xf32>
      tpu.vector_store %arg7[%swap3A_550, %swap3A_551], %swap3A_554 {strides = array<i32>} : memref<64x768xf32, #tpu.memory_space<vmem>>, vector<1x16xf32>,
      %get3A_555 = arith.index_cast %scan3A_52 : i32 to index
      %get3A_556 = arith.constant 576 : index
      %get3A_557 = tpu.vector_load %arg7[%get3A_555, %get3A_556] {strides = array<i32>} : memref<64x768xf32, #tpu.memory_space<vmem>>, vector<1x16xf32>,
      %get3A_558 = vector.shape_cast %get3A_557 : vector<1x16xf32> to vector<16xf32>
      %get3A_559 = arith.index_cast %scan3A_52 : i32 to index
      %get3A_560 = arith.constant 576 : index
      %get3A_561 = tpu.vector_load %arg8[%get3A_559, %get3A_560] {strides = array<i32>} : memref<64x768xf32, #tpu.memory_space<vmem>>, vector<1x16xf32>,
      %get3A_562 = vector.shape_cast %get3A_561 : vector<1x16xf32> to vector<16xf32>
      %add3A_563 = arith.addf %get3A_558, %get3A_562 : vector<16xf32>
      %swap3A_564 = arith.index_cast %scan3A_52 : i32 to index
      %swap3A_565 = arith.constant 576 : index
      %swap3A_566 = tpu.vector_load %arg7[%swap3A_564, %swap3A_565] {strides = array<i32>} : memref<64x768xf32, #tpu.memory_space<vmem>>, vector<1x16xf32>,
      %swap3A_567 = vector.shape_cast %swap3A_566 : vector<1x16xf32> to vector<16xf32>
      %swap3A_568 = vector.shape_cast %add3A_563 : vector<16xf32> to vector<1x16xf32>
      tpu.vector_store %arg7[%swap3A_564, %swap3A_565], %swap3A_568 {strides = array<i32>} : memref<64x768xf32, #tpu.memory_space<vmem>>, vector<1x16xf32>,
      %get3A_569 = arith.index_cast %scan3A_52 : i32 to index
      %get3A_570 = arith.constant 592 : index
      %get3A_571 = tpu.vector_load %arg7[%get3A_569, %get3A_570] {strides = array<i32>} : memref<64x768xf32, #tpu.memory_space<vmem>>, vector<1x16xf32>,
      %get3A_572 = vector.shape_cast %get3A_571 : vector<1x16xf32> to vector<16xf32>
      %get3A_573 = arith.index_cast %scan3A_52 : i32 to index
      %get3A_574 = arith.constant 592 : index
      %get3A_575 = tpu.vector_load %arg8[%get3A_573, %get3A_574] {strides = array<i32>} : memref<64x768xf32, #tpu.memory_space<vmem>>, vector<1x16xf32>,
      %get3A_576 = vector.shape_cast %get3A_575 : vector<1x16xf32> to vector<16xf32>
      %add3A_577 = arith.addf %get3A_572, %get3A_576 : vector<16xf32>
      %swap3A_578 = arith.index_cast %scan3A_52 : i32 to index
      %swap3A_579 = arith.constant 592 : index
      %swap3A_580 = tpu.vector_load %arg7[%swap3A_578, %swap3A_579] {strides = array<i32>} : memref<64x768xf32, #tpu.memory_space<vmem>>, vector<1x16xf32>,
      %swap3A_581 = vector.shape_cast %swap3A_580 : vector<1x16xf32> to vector<16xf32>
      %swap3A_582 = vector.shape_cast %add3A_577 : vector<16xf32> to vector<1x16xf32>
      tpu.vector_store %arg7[%swap3A_578, %swap3A_579], %swap3A_582 {strides = array<i32>} : memref<64x768xf32, #tpu.memory_space<vmem>>, vector<1x16xf32>,
      %get3A_583 = arith.index_cast %scan3A_52 : i32 to index
      %get3A_584 = arith.constant 608 : index
      %get3A_585 = tpu.vector_load %arg7[%get3A_583, %get3A_584] {strides = array<i32>} : memref<64x768xf32, #tpu.memory_space<vmem>>, vector<1x16xf32>,
      %get3A_586 = vector.shape_cast %get3A_585 : vector<1x16xf32> to vector<16xf32>
      %get3A_587 = arith.index_cast %scan3A_52 : i32 to index
      %get3A_588 = arith.constant 608 : index
      %get3A_589 = tpu.vector_load %arg8[%get3A_587, %get3A_588] {strides = array<i32>} : memref<64x768xf32, #tpu.memory_space<vmem>>, vector<1x16xf32>,
      %get3A_590 = vector.shape_cast %get3A_589 : vector<1x16xf32> to vector<16xf32>
      %add3A_591 = arith.addf %get3A_586, %get3A_590 : vector<16xf32>
      %swap3A_592 = arith.index_cast %scan3A_52 : i32 to index
      %swap3A_593 = arith.constant 608 : index
      %swap3A_594 = tpu.vector_load %arg7[%swap3A_592, %swap3A_593] {strides = array<i32>} : memref<64x768xf32, #tpu.memory_space<vmem>>, vector<1x16xf32>,
      %swap3A_595 = vector.shape_cast %swap3A_594 : vector<1x16xf32> to vector<16xf32>
      %swap3A_596 = vector.shape_cast %add3A_591 : vector<16xf32> to vector<1x16xf32>
      tpu.vector_store %arg7[%swap3A_592, %swap3A_593], %swap3A_596 {strides = array<i32>} : memref<64x768xf32, #tpu.memory_space<vmem>>, vector<1x16xf32>,
      %get3A_597 = arith.index_cast %scan3A_52 : i32 to index
      %get3A_598 = arith.constant 624 : index
      %get3A_599 = tpu.vector_load %arg7[%get3A_597, %get3A_598] {strides = array<i32>} : memref<64x768xf32, #tpu.memory_space<vmem>>, vector<1x16xf32>,
      %get3A_600 = vector.shape_cast %get3A_599 : vector<1x16xf32> to vector<16xf32>
      %get3A_601 = arith.index_cast %scan3A_52 : i32 to index
      %get3A_602 = arith.constant 624 : index
      %get3A_603 = tpu.vector_load %arg8[%get3A_601, %get3A_602] {strides = array<i32>} : memref<64x768xf32, #tpu.memory_space<vmem>>, vector<1x16xf32>,
      %get3A_604 = vector.shape_cast %get3A_603 : vector<1x16xf32> to vector<16xf32>
      %add3A_605 = arith.addf %get3A_600, %get3A_604 : vector<16xf32>
      %swap3A_606 = arith.index_cast %scan3A_52 : i32 to index
      %swap3A_607 = arith.constant 624 : index
      %swap3A_608 = tpu.vector_load %arg7[%swap3A_606, %swap3A_607] {strides = array<i32>} : memref<64x768xf32, #tpu.memory_space<vmem>>, vector<1x16xf32>,
      %swap3A_609 = vector.shape_cast %swap3A_608 : vector<1x16xf32> to vector<16xf32>
      %swap3A_610 = vector.shape_cast %add3A_605 : vector<16xf32> to vector<1x16xf32>
      tpu.vector_store %arg7[%swap3A_606, %swap3A_607], %swap3A_610 {strides = array<i32>} : memref<64x768xf32, #tpu.memory_space<vmem>>, vector<1x16xf32>,
      %get3A_611 = arith.index_cast %scan3A_52 : i32 to index
      %get3A_612 = arith.constant 640 : index
      %get3A_613 = tpu.vector_load %arg7[%get3A_611, %get3A_612] {strides = array<i32>} : memref<64x768xf32, #tpu.memory_space<vmem>>, vector<1x16xf32>,
      %get3A_614 = vector.shape_cast %get3A_613 : vector<1x16xf32> to vector<16xf32>
      %get3A_615 = arith.index_cast %scan3A_52 : i32 to index
      %get3A_616 = arith.constant 640 : index
      %get3A_617 = tpu.vector_load %arg8[%get3A_615, %get3A_616] {strides = array<i32>} : memref<64x768xf32, #tpu.memory_space<vmem>>, vector<1x16xf32>,
      %get3A_618 = vector.shape_cast %get3A_617 : vector<1x16xf32> to vector<16xf32>
      %add3A_619 = arith.addf %get3A_614, %get3A_618 : vector<16xf32>
      %swap3A_620 = arith.index_cast %scan3A_52 : i32 to index
      %swap3A_621 = arith.constant 640 : index
      %swap3A_622 = tpu.vector_load %arg7[%swap3A_620, %swap3A_621] {strides = array<i32>} : memref<64x768xf32, #tpu.memory_space<vmem>>, vector<1x16xf32>,
      %swap3A_623 = vector.shape_cast %swap3A_622 : vector<1x16xf32> to vector<16xf32>
      %swap3A_624 = vector.shape_cast %add3A_619 : vector<16xf32> to vector<1x16xf32>
      tpu.vector_store %arg7[%swap3A_620, %swap3A_621], %swap3A_624 {strides = array<i32>} : memref<64x768xf32, #tpu.memory_space<vmem>>, vector<1x16xf32>,
      %get3A_625 = arith.index_cast %scan3A_52 : i32 to index
      %get3A_626 = arith.constant 656 : index
      %get3A_627 = tpu.vector_load %arg7[%get3A_625, %get3A_626] {strides = array<i32>} : memref<64x768xf32, #tpu.memory_space<vmem>>, vector<1x16xf32>,
      %get3A_628 = vector.shape_cast %get3A_627 : vector<1x16xf32> to vector<16xf32>
      %get3A_629 = arith.index_cast %scan3A_52 : i32 to index
      %get3A_630 = arith.constant 656 : index
      %get3A_631 = tpu.vector_load %arg8[%get3A_629, %get3A_630] {strides = array<i32>} : memref<64x768xf32, #tpu.memory_space<vmem>>, vector<1x16xf32>,
      %get3A_632 = vector.shape_cast %get3A_631 : vector<1x16xf32> to vector<16xf32>
      %add3A_633 = arith.addf %get3A_628, %get3A_632 : vector<16xf32>
      %swap3A_634 = arith.index_cast %scan3A_52 : i32 to index
      %swap3A_635 = arith.constant 656 : index
      %swap3A_636 = tpu.vector_load %arg7[%swap3A_634, %swap3A_635] {strides = array<i32>} : memref<64x768xf32, #tpu.memory_space<vmem>>, vector<1x16xf32>,
      %swap3A_637 = vector.shape_cast %swap3A_636 : vector<1x16xf32> to vector<16xf32>
      %swap3A_638 = vector.shape_cast %add3A_633 : vector<16xf32> to vector<1x16xf32>
      tpu.vector_store %arg7[%swap3A_634, %swap3A_635], %swap3A_638 {strides = array<i32>} : memref<64x768xf32, #tpu.memory_space<vmem>>, vector<1x16xf32>,
      %get3A_639 = arith.index_cast %scan3A_52 : i32 to index
      %get3A_640 = arith.constant 672 : index
      %get3A_641 = tpu.vector_load %arg7[%get3A_639, %get3A_640] {strides = array<i32>} : memref<64x768xf32, #tpu.memory_space<vmem>>, vector<1x16xf32>,
      %get3A_642 = vector.shape_cast %get3A_641 : vector<1x16xf32> to vector<16xf32>
      %get3A_643 = arith.index_cast %scan3A_52 : i32 to index
      %get3A_644 = arith.constant 672 : index
      %get3A_645 = tpu.vector_load %arg8[%get3A_643, %get3A_644] {strides = array<i32>} : memref<64x768xf32, #tpu.memory_space<vmem>>, vector<1x16xf32>,
      %get3A_646 = vector.shape_cast %get3A_645 : vector<1x16xf32> to vector<16xf32>
      %add3A_647 = arith.addf %get3A_642, %get3A_646 : vector<16xf32>
      %swap3A_648 = arith.index_cast %scan3A_52 : i32 to index
      %swap3A_649 = arith.constant 672 : index
      %swap3A_650 = tpu.vector_load %arg7[%swap3A_648, %swap3A_649] {strides = array<i32>} : memref<64x768xf32, #tpu.memory_space<vmem>>, vector<1x16xf32>,
      %swap3A_651 = vector.shape_cast %swap3A_650 : vector<1x16xf32> to vector<16xf32>
      %swap3A_652 = vector.shape_cast %add3A_647 : vector<16xf32> to vector<1x16xf32>
      tpu.vector_store %arg7[%swap3A_648, %swap3A_649], %swap3A_652 {strides = array<i32>} : memref<64x768xf32, #tpu.memory_space<vmem>>, vector<1x16xf32>,
      %get3A_653 = arith.index_cast %scan3A_52 : i32 to index
      %get3A_654 = arith.constant 688 : index
      %get3A_655 = tpu.vector_load %arg7[%get3A_653, %get3A_654] {strides = array<i32>} : memref<64x768xf32, #tpu.memory_space<vmem>>, vector<1x16xf32>,
      %get3A_656 = vector.shape_cast %get3A_655 : vector<1x16xf32> to vector<16xf32>
      %get3A_657 = arith.index_cast %scan3A_52 : i32 to index
      %get3A_658 = arith.constant 688 : index
      %get3A_659 = tpu.vector_load %arg8[%get3A_657, %get3A_658] {strides = array<i32>} : memref<64x768xf32, #tpu.memory_space<vmem>>, vector<1x16xf32>,
      %get3A_660 = vector.shape_cast %get3A_659 : vector<1x16xf32> to vector<16xf32>
      %add3A_661 = arith.addf %get3A_656, %get3A_660 : vector<16xf32>
      %swap3A_662 = arith.index_cast %scan3A_52 : i32 to index
      %swap3A_663 = arith.constant 688 : index
      %swap3A_664 = tpu.vector_load %arg7[%swap3A_662, %swap3A_663] {strides = array<i32>} : memref<64x768xf32, #tpu.memory_space<vmem>>, vector<1x16xf32>,
      %swap3A_665 = vector.shape_cast %swap3A_664 : vector<1x16xf32> to vector<16xf32>
      %swap3A_666 = vector.shape_cast %add3A_661 : vector<16xf32> to vector<1x16xf32>
      tpu.vector_store %arg7[%swap3A_662, %swap3A_663], %swap3A_666 {strides = array<i32>} : memref<64x768xf32, #tpu.memory_space<vmem>>, vector<1x16xf32>,
      %get3A_667 = arith.index_cast %scan3A_52 : i32 to index
      %get3A_668 = arith.constant 704 : index
      %get3A_669 = tpu.vector_load %arg7[%get3A_667, %get3A_668] {strides = array<i32>} : memref<64x768xf32, #tpu.memory_space<vmem>>, vector<1x16xf32>,
      %get3A_670 = vector.shape_cast %get3A_669 : vector<1x16xf32> to vector<16xf32>
      %get3A_671 = arith.index_cast %scan3A_52 : i32 to index
      %get3A_672 = arith.constant 704 : index
      %get3A_673 = tpu.vector_load %arg8[%get3A_671, %get3A_672] {strides = array<i32>} : memref<64x768xf32, #tpu.memory_space<vmem>>, vector<1x16xf32>,
      %get3A_674 = vector.shape_cast %get3A_673 : vector<1x16xf32> to vector<16xf32>
      %add3A_675 = arith.addf %get3A_670, %get3A_674 : vector<16xf32>
      %swap3A_676 = arith.index_cast %scan3A_52 : i32 to index
      %swap3A_677 = arith.constant 704 : index
      %swap3A_678 = tpu.vector_load %arg7[%swap3A_676, %swap3A_677] {strides = array<i32>} : memref<64x768xf32, #tpu.memory_space<vmem>>, vector<1x16xf32>,
      %swap3A_679 = vector.shape_cast %swap3A_678 : vector<1x16xf32> to vector<16xf32>
      %swap3A_680 = vector.shape_cast %add3A_675 : vector<16xf32> to vector<1x16xf32>
      tpu.vector_store %arg7[%swap3A_676, %swap3A_677], %swap3A_680 {strides = array<i32>} : memref<64x768xf32, #tpu.memory_space<vmem>>, vector<1x16xf32>,
      %get3A_681 = arith.index_cast %scan3A_52 : i32 to index
      %get3A_682 = arith.constant 720 : index
      %get3A_683 = tpu.vector_load %arg7[%get3A_681, %get3A_682] {strides = array<i32>} : memref<64x768xf32, #tpu.memory_space<vmem>>, vector<1x16xf32>,
      %get3A_684 = vector.shape_cast %get3A_683 : vector<1x16xf32> to vector<16xf32>
      %get3A_685 = arith.index_cast %scan3A_52 : i32 to index
      %get3A_686 = arith.constant 720 : index
      %get3A_687 = tpu.vector_load %arg8[%get3A_685, %get3A_686] {strides = array<i32>} : memref<64x768xf32, #tpu.memory_space<vmem>>, vector<1x16xf32>,
      %get3A_688 = vector.shape_cast %get3A_687 : vector<1x16xf32> to vector<16xf32>
      %add3A_689 = arith.addf %get3A_684, %get3A_688 : vector<16xf32>
      %swap3A_690 = arith.index_cast %scan3A_52 : i32 to index
      %swap3A_691 = arith.constant 720 : index
      %swap3A_692 = tpu.vector_load %arg7[%swap3A_690, %swap3A_691] {strides = array<i32>} : memref<64x768xf32, #tpu.memory_space<vmem>>, vector<1x16xf32>,
      %swap3A_693 = vector.shape_cast %swap3A_692 : vector<1x16xf32> to vector<16xf32>
      %swap3A_694 = vector.shape_cast %add3A_689 : vector<16xf32> to vector<1x16xf32>
      tpu.vector_store %arg7[%swap3A_690, %swap3A_691], %swap3A_694 {strides = array<i32>} : memref<64x768xf32, #tpu.memory_space<vmem>>, vector<1x16xf32>,
      %get3A_695 = arith.index_cast %scan3A_52 : i32 to index
      %get3A_696 = arith.constant 736 : index
      %get3A_697 = tpu.vector_load %arg7[%get3A_695, %get3A_696] {strides = array<i32>} : memref<64x768xf32, #tpu.memory_space<vmem>>, vector<1x16xf32>,
      %get3A_698 = vector.shape_cast %get3A_697 : vector<1x16xf32> to vector<16xf32>
      %get3A_699 = arith.index_cast %scan3A_52 : i32 to index
      %get3A_700 = arith.constant 736 : index
      %get3A_701 = tpu.vector_load %arg8[%get3A_699, %get3A_700] {strides = array<i32>} : memref<64x768xf32, #tpu.memory_space<vmem>>, vector<1x16xf32>,
      %get3A_702 = vector.shape_cast %get3A_701 : vector<1x16xf32> to vector<16xf32>
      %add3A_703 = arith.addf %get3A_698, %get3A_702 : vector<16xf32>
      %swap3A_704 = arith.index_cast %scan3A_52 : i32 to index
      %swap3A_705 = arith.constant 736 : index
      %swap3A_706 = tpu.vector_load %arg7[%swap3A_704, %swap3A_705] {strides = array<i32>} : memref<64x768xf32, #tpu.memory_space<vmem>>, vector<1x16xf32>,
      %swap3A_707 = vector.shape_cast %swap3A_706 : vector<1x16xf32> to vector<16xf32>
      %swap3A_708 = vector.shape_cast %add3A_703 : vector<16xf32> to vector<1x16xf32>
      tpu.vector_store %arg7[%swap3A_704, %swap3A_705], %swap3A_708 {strides = array<i32>} : memref<64x768xf32, #tpu.memory_space<vmem>>, vector<1x16xf32>,
      %get3A_709 = arith.index_cast %scan3A_52 : i32 to index
      %get3A_710 = arith.constant 752 : index
      %get3A_711 = tpu.vector_load %arg7[%get3A_709, %get3A_710] {strides = array<i32>} : memref<64x768xf32, #tpu.memory_space<vmem>>, vector<1x16xf32>,
      %get3A_712 = vector.shape_cast %get3A_711 : vector<1x16xf32> to vector<16xf32>
      %get3A_713 = arith.index_cast %scan3A_52 : i32 to index
      %get3A_714 = arith.constant 752 : index
      %get3A_715 = tpu.vector_load %arg8[%get3A_713, %get3A_714] {strides = array<i32>} : memref<64x768xf32, #tpu.memory_space<vmem>>, vector<1x16xf32>,
      %get3A_716 = vector.shape_cast %get3A_715 : vector<1x16xf32> to vector<16xf32>
      %add3A_717 = arith.addf %get3A_712, %get3A_716 : vector<16xf32>
      %swap3A_718 = arith.index_cast %scan3A_52 : i32 to index
      %swap3A_719 = arith.constant 752 : index
      %swap3A_720 = tpu.vector_load %arg7[%swap3A_718, %swap3A_719] {strides = array<i32>} : memref<64x768xf32, #tpu.memory_space<vmem>>, vector<1x16xf32>,
      %swap3A_721 = vector.shape_cast %swap3A_720 : vector<1x16xf32> to vector<16xf32>
      %swap3A_722 = vector.shape_cast %add3A_717 : vector<16xf32> to vector<1x16xf32>
      tpu.vector_store %arg7[%swap3A_718, %swap3A_719], %swap3A_722 {strides = array<i32>} : memref<64x768xf32, #tpu.memory_space<vmem>>, vector<1x16xf32>,
    }
    %scan3A_51 = arith.constant 64 : i32
    "tpu.region"() ({
      %run_scoped3A = tpu.sem_alloc : memref<!tpu.dma_semaphore, #tpu.memory_space<semaphore_mem>>
      %dma_start3A_52 = arith.constant 0 : i32
      %dma_start3A_53 = tpu.memref_slice %arg4[%mul3A_2, %dma_start3A_52] : memref<2048x768xf32, #tpu.memory_space<hbm>> -> memref<64x768xf32, #tpu.memory_space<hbm>>
      %dma_start3A_54 = arith.constant 0 : i32
      %dma_start3A_55 = tpu.memref_slice %arg4[%mul3A_2, %dma_start3A_54] : memref<2048x768xf32, #tpu.memory_space<hbm>> -> memref<64x768xf32, #tpu.memory_space<hbm>>
      tpu.enqueue_dma source(%arg7 : memref<64x768xf32, #tpu.memory_space<vmem>>) target(%dma_start3A_55 : memref<64x768xf32, #tpu.memory_space<hbm>>) target_semaphore(%run_scoped3A : memref<!tpu.dma_semaphore, #tpu.memory_space<semaphore_mem>>)
      %dma_wait3A_56 = arith.constant 0 : i32
      %dma_wait3A_57 = tpu.memref_slice %arg4[%mul3A_2, %dma_wait3A_56] : memref<2048x768xf32, #tpu.memory_space<hbm>> -> memref<64x768xf32, #tpu.memory_space<hbm>>
      %dma_wait3A_58 = arith.constant 0 : i32
      %dma_wait3A_59 = tpu.memref_slice %arg4[%mul3A_2, %dma_wait3A_58] : memref<2048x768xf32, #tpu.memory_space<hbm>> -> memref<64x768xf32, #tpu.memory_space<hbm>>
      tpu.wait_dma2 semaphore(%run_scoped3A : memref<!tpu.dma_semaphore, #tpu.memory_space<semaphore_mem>>) src(%arg7 : memref<64x768xf32, #tpu.memory_space<vmem>>) dst(%dma_wait3A_59 : memref<64x768xf32, #tpu.memory_space<hbm>>)
      tpu.yield
    }) : () -> ()
    return
  }
}

#map = affine_map<(d0, d1) -> (0, 0)>
#map1 = affine_map<(d0, d1) -> (0)>
module attributes {stable_mosaic.version = 14 : i64} {
  func.func @_sc_dispatch_gather_body(%arg0: i32, %arg1: i32, %arg2: memref<32x128xi32, #tpu.memory_space<hbm>>, %arg3: memref<32x128xi32, #tpu.memory_space<hbm>>, %arg4: memref<32x128xf32, #tpu.memory_space<hbm>>, %arg5: memref<5888xi32, #tpu.memory_space<hbm>>, %arg6: memref<5888xf32, #tpu.memory_space<hbm>>, %arg7: memref<2048x768xf32, #tpu.memory_space<hbm>>, %arg8: memref<5888x768xf32, #tpu.memory_space<hbm>>, %arg9: memref<5888xf32, #tpu.memory_space<hbm>>, %arg10: memref<2x128xi32, #tpu.memory_space<vmem>>, %arg11: memref<2x128xi32, #tpu.memory_space<vmem>>, %arg12: memref<2x128xf32, #tpu.memory_space<vmem>>, %arg13: memref<64xi32, #tpu.memory_space<vmem>>, %arg14: memref<64xi32, #tpu.memory_space<vmem>>, %arg15: memref<56xi32, #tpu.memory_space<vmem>>, %arg16: memref<64x768xf32, #tpu.memory_space<vmem>>, %arg17: memref<64x768xf32, #tpu.memory_space<vmem>>, %arg18: memref<5888xi32, #tpu.memory_space<vmem_shared>>, %arg19: memref<5888xf32, #tpu.memory_space<vmem_shared>>, %arg20: memref<!tpu.dma_semaphore, #tpu.memory_space<semaphore_mem>>, %arg21: memref<!tpu.dma_semaphore, #tpu.memory_space<semaphore_mem>>) attributes {dimension_semantics = [#tpu.dimension_semantics<core_parallel>, #tpu.dimension_semantics<subcore_parallel>], iteration_bounds = array<i64: 2, 16>, scalar_prefetch = 0 : i64, scratch_operands = 12 : i64, tpu.core_type = #tpu.core_type<sc_vector_subcore>, window_params = [{transform_indices = #map}, {transform_indices = #map}, {transform_indices = #map}, {transform_indices = #map1}, {transform_indices = #map1}, {transform_indices = #map}, {transform_indices = #map}, {transform_indices = #map1}]} {
    %mul3A = arith.constant 2 : i32
    %mul3A_0 = arith.muli %arg1, %mul3A : i32
    %add3A = arith.addi %mul3A_0, %arg0 : i32
    %eq3A = arith.constant 0 : i32
    %eq3A_1 = arith.cmpi eq, %arg1, %eq3A : i32
    %convert_element_type3A = arith.extui %eq3A_1 : i1 to i32
    %cond3A = arith.constant 0 : i32
    %cond3A_2 = arith.cmpi ne, %convert_element_type3A, %cond3A : i32
    scf.if %cond3A_2 {
      "tpu.region"() ({
        %run_scoped3A_58 = tpu.sem_alloc : memref<!tpu.dma_semaphore, #tpu.memory_space<semaphore_mem>>
        tpu.enqueue_dma source(%arg5 : memref<5888xi32, #tpu.memory_space<hbm>>) target(%arg18 : memref<5888xi32, #tpu.memory_space<vmem_shared>>) target_semaphore(%run_scoped3A_58 : memref<!tpu.dma_semaphore, #tpu.memory_space<semaphore_mem>>)
        tpu.wait_dma2 semaphore(%run_scoped3A_58 : memref<!tpu.dma_semaphore, #tpu.memory_space<semaphore_mem>>) src(%arg5 : memref<5888xi32, #tpu.memory_space<hbm>>) dst(%arg18 : memref<5888xi32, #tpu.memory_space<vmem_shared>>)
        tpu.yield
      }) : () -> ()
      "tpu.region"() ({
        %run_scoped3A_58 = tpu.sem_alloc : memref<!tpu.dma_semaphore, #tpu.memory_space<semaphore_mem>>
        tpu.enqueue_dma source(%arg6 : memref<5888xf32, #tpu.memory_space<hbm>>) target(%arg19 : memref<5888xf32, #tpu.memory_space<vmem_shared>>) target_semaphore(%run_scoped3A_58 : memref<!tpu.dma_semaphore, #tpu.memory_space<semaphore_mem>>)
        tpu.wait_dma2 semaphore(%run_scoped3A_58 : memref<!tpu.dma_semaphore, #tpu.memory_space<semaphore_mem>>) src(%arg6 : memref<5888xf32, #tpu.memory_space<hbm>>) dst(%arg19 : memref<5888xf32, #tpu.memory_space<vmem_shared>>)
        tpu.yield
      }) : () -> ()
    } else {
    }
    %barrier3A = arith.constant 0 : index
    tpu.barrier barrier_id(%barrier3A)
    %mul3A_3 = arith.constant 2 : i32
    %mul3A_4 = arith.muli %arg1, %mul3A_3 : i32
    "tpu.region"() ({
      %run_scoped3A_58 = tpu.sem_alloc : memref<!tpu.dma_semaphore, #tpu.memory_space<semaphore_mem>>
      %dma_start3A_59 = arith.constant 0 : i32
      %dma_start3A_60 = tpu.memref_slice %arg2[%mul3A_4, %dma_start3A_59] : memref<32x128xi32, #tpu.memory_space<hbm>> -> memref<2x128xi32, #tpu.memory_space<hbm>>
      %dma_start3A_61 = arith.constant 0 : i32
      %dma_start3A_62 = tpu.memref_slice %arg2[%mul3A_4, %dma_start3A_61] : memref<32x128xi32, #tpu.memory_space<hbm>> -> memref<2x128xi32, #tpu.memory_space<hbm>>
      tpu.enqueue_dma source(%dma_start3A_62 : memref<2x128xi32, #tpu.memory_space<hbm>>) target(%arg10 : memref<2x128xi32, #tpu.memory_space<vmem>>) target_semaphore(%run_scoped3A_58 : memref<!tpu.dma_semaphore, #tpu.memory_space<semaphore_mem>>)
      %dma_wait3A_63 = arith.constant 0 : i32
      %dma_wait3A_64 = tpu.memref_slice %arg2[%mul3A_4, %dma_wait3A_63] : memref<32x128xi32, #tpu.memory_space<hbm>> -> memref<2x128xi32, #tpu.memory_space<hbm>>
      %dma_wait3A_65 = arith.constant 0 : i32
      %dma_wait3A_66 = tpu.memref_slice %arg2[%mul3A_4, %dma_wait3A_65] : memref<32x128xi32, #tpu.memory_space<hbm>> -> memref<2x128xi32, #tpu.memory_space<hbm>>
      tpu.wait_dma2 semaphore(%run_scoped3A_58 : memref<!tpu.dma_semaphore, #tpu.memory_space<semaphore_mem>>) src(%dma_wait3A_66 : memref<2x128xi32, #tpu.memory_space<hbm>>) dst(%arg10 : memref<2x128xi32, #tpu.memory_space<vmem>>)
      tpu.yield
    }) : () -> ()
    %mul3A_5 = arith.constant 2 : i32
    %mul3A_6 = arith.muli %arg1, %mul3A_5 : i32
    "tpu.region"() ({
      %run_scoped3A_58 = tpu.sem_alloc : memref<!tpu.dma_semaphore, #tpu.memory_space<semaphore_mem>>
      %dma_start3A_59 = arith.constant 0 : i32
      %dma_start3A_60 = tpu.memref_slice %arg3[%mul3A_6, %dma_start3A_59] : memref<32x128xi32, #tpu.memory_space<hbm>> -> memref<2x128xi32, #tpu.memory_space<hbm>>
      %dma_start3A_61 = arith.constant 0 : i32
      %dma_start3A_62 = tpu.memref_slice %arg3[%mul3A_6, %dma_start3A_61] : memref<32x128xi32, #tpu.memory_space<hbm>> -> memref<2x128xi32, #tpu.memory_space<hbm>>
      tpu.enqueue_dma source(%dma_start3A_62 : memref<2x128xi32, #tpu.memory_space<hbm>>) target(%arg11 : memref<2x128xi32, #tpu.memory_space<vmem>>) target_semaphore(%run_scoped3A_58 : memref<!tpu.dma_semaphore, #tpu.memory_space<semaphore_mem>>)
      %dma_wait3A_63 = arith.constant 0 : i32
      %dma_wait3A_64 = tpu.memref_slice %arg3[%mul3A_6, %dma_wait3A_63] : memref<32x128xi32, #tpu.memory_space<hbm>> -> memref<2x128xi32, #tpu.memory_space<hbm>>
      %dma_wait3A_65 = arith.constant 0 : i32
      %dma_wait3A_66 = tpu.memref_slice %arg3[%mul3A_6, %dma_wait3A_65] : memref<32x128xi32, #tpu.memory_space<hbm>> -> memref<2x128xi32, #tpu.memory_space<hbm>>
      tpu.wait_dma2 semaphore(%run_scoped3A_58 : memref<!tpu.dma_semaphore, #tpu.memory_space<semaphore_mem>>) src(%dma_wait3A_66 : memref<2x128xi32, #tpu.memory_space<hbm>>) dst(%arg11 : memref<2x128xi32, #tpu.memory_space<vmem>>)
      tpu.yield
    }) : () -> ()
    %mul3A_7 = arith.constant 2 : i32
    %mul3A_8 = arith.muli %arg1, %mul3A_7 : i32
    "tpu.region"() ({
      %run_scoped3A_58 = tpu.sem_alloc : memref<!tpu.dma_semaphore, #tpu.memory_space<semaphore_mem>>
      %dma_start3A_59 = arith.constant 0 : i32
      %dma_start3A_60 = tpu.memref_slice %arg4[%mul3A_8, %dma_start3A_59] : memref<32x128xf32, #tpu.memory_space<hbm>> -> memref<2x128xf32, #tpu.memory_space<hbm>>
      %dma_start3A_61 = arith.constant 0 : i32
      %dma_start3A_62 = tpu.memref_slice %arg4[%mul3A_8, %dma_start3A_61] : memref<32x128xf32, #tpu.memory_space<hbm>> -> memref<2x128xf32, #tpu.memory_space<hbm>>
      tpu.enqueue_dma source(%dma_start3A_62 : memref<2x128xf32, #tpu.memory_space<hbm>>) target(%arg12 : memref<2x128xf32, #tpu.memory_space<vmem>>) target_semaphore(%run_scoped3A_58 : memref<!tpu.dma_semaphore, #tpu.memory_space<semaphore_mem>>)
      %dma_wait3A_63 = arith.constant 0 : i32
      %dma_wait3A_64 = tpu.memref_slice %arg4[%mul3A_8, %dma_wait3A_63] : memref<32x128xf32, #tpu.memory_space<hbm>> -> memref<2x128xf32, #tpu.memory_space<hbm>>
      %dma_wait3A_65 = arith.constant 0 : i32
      %dma_wait3A_66 = tpu.memref_slice %arg4[%mul3A_8, %dma_wait3A_65] : memref<32x128xf32, #tpu.memory_space<hbm>> -> memref<2x128xf32, #tpu.memory_space<hbm>>
      tpu.wait_dma2 semaphore(%run_scoped3A_58 : memref<!tpu.dma_semaphore, #tpu.memory_space<semaphore_mem>>) src(%dma_wait3A_66 : memref<2x128xf32, #tpu.memory_space<hbm>>) dst(%arg12 : memref<2x128xf32, #tpu.memory_space<vmem>>)
      tpu.yield
    }) : () -> ()
    %run_scoped3A = arith.constant 0 : i32
    %run_scoped3A_9 = arith.constant 0 : i32
    "tpu.region"() ({
      %run_scoped3A_58 = tpu.sem_alloc : memref<!tpu.dma_semaphore, #tpu.memory_space<semaphore_mem>>
      %dma_start3A_59 = arith.constant 0 : i32
      %dma_start3A_60 = tpu.memref_slice %arg11[%run_scoped3A, %dma_start3A_59] : memref<2x128xi32, #tpu.memory_space<vmem>> -> memref<1x128xi32, #tpu.memory_space<vmem>>
      %dma_start3A_61 = tpu.memref_squeeze %dma_start3A_60 : memref<1x128xi32, #tpu.memory_space<vmem>> -> memref<128xi32, #tpu.memory_space<vmem>>
      %dma_start3A_62 = arith.constant 0 : i32
      %dma_start3A_63 = tpu.memref_slice %arg10[%run_scoped3A_9, %dma_start3A_62] : memref<2x128xi32, #tpu.memory_space<vmem>> -> memref<1x128xi32, #tpu.memory_space<vmem>>
      %dma_start3A_64 = tpu.memref_squeeze %dma_start3A_63 : memref<1x128xi32, #tpu.memory_space<vmem>> -> memref<128xi32, #tpu.memory_space<vmem>>
      %dma_start3A_65 = arith.constant 0 : i32
      %dma_start3A_66 = tpu.memref_slice %arg18[%dma_start3A_65] : memref<5888xi32, #tpu.memory_space<vmem_shared>> -> memref<5888xi32, #tpu.memory_space<vmem_shared>>
      tpu.enqueue_indirect_dma source(%dma_start3A_61 : memref<128xi32, #tpu.memory_space<vmem>>) target(%dma_start3A_66 : memref<5888xi32, #tpu.memory_space<vmem_shared>>) offsets(%dma_start3A_64 : memref<128xi32, #tpu.memory_space<vmem>>) semaphore(%run_scoped3A_58 : memref<!tpu.dma_semaphore, #tpu.memory_space<semaphore_mem>>) {add = true}
      %dma_wait3A_67 = arith.constant 0 : i32
      %dma_wait3A_68 = tpu.memref_slice %arg11[%run_scoped3A, %dma_wait3A_67] : memref<2x128xi32, #tpu.memory_space<vmem>> -> memref<1x128xi32, #tpu.memory_space<vmem>>
      %dma_wait3A_69 = tpu.memref_squeeze %dma_wait3A_68 : memref<1x128xi32, #tpu.memory_space<vmem>> -> memref<128xi32, #tpu.memory_space<vmem>>
      %dma_wait3A_70 = arith.constant 0 : i32
      %dma_wait3A_71 = tpu.memref_slice %arg10[%run_scoped3A_9, %dma_wait3A_70] : memref<2x128xi32, #tpu.memory_space<vmem>> -> memref<1x128xi32, #tpu.memory_space<vmem>>
      %dma_wait3A_72 = tpu.memref_squeeze %dma_wait3A_71 : memref<1x128xi32, #tpu.memory_space<vmem>> -> memref<128xi32, #tpu.memory_space<vmem>>
      %dma_wait3A_73 = arith.constant 0 : i32
      %dma_wait3A_74 = tpu.memref_slice %arg18[%dma_wait3A_73] : memref<5888xi32, #tpu.memory_space<vmem_shared>> -> memref<5888xi32, #tpu.memory_space<vmem_shared>>
      tpu.wait_indirect_dma semaphore(%run_scoped3A_58 : memref<!tpu.dma_semaphore, #tpu.memory_space<semaphore_mem>>) src(%dma_wait3A_69 : memref<128xi32, #tpu.memory_space<vmem>>) dst(%dma_wait3A_74 : memref<5888xi32, #tpu.memory_space<vmem_shared>>)
      tpu.yield
    }) : () -> ()
    %run_scoped3A_10 = arith.constant 0 : i32
    %run_scoped3A_11 = arith.constant 0 : i32
    "tpu.region"() ({
      %run_scoped3A_58 = tpu.sem_alloc : memref<!tpu.dma_semaphore, #tpu.memory_space<semaphore_mem>>
      %dma_start3A_59 = arith.constant 0 : i32
      %dma_start3A_60 = tpu.memref_slice %arg12[%run_scoped3A_10, %dma_start3A_59] : memref<2x128xf32, #tpu.memory_space<vmem>> -> memref<1x128xf32, #tpu.memory_space<vmem>>
      %dma_start3A_61 = tpu.memref_squeeze %dma_start3A_60 : memref<1x128xf32, #tpu.memory_space<vmem>> -> memref<128xf32, #tpu.memory_space<vmem>>
      %dma_start3A_62 = arith.constant 0 : i32
      %dma_start3A_63 = tpu.memref_slice %arg10[%run_scoped3A_11, %dma_start3A_62] : memref<2x128xi32, #tpu.memory_space<vmem>> -> memref<1x128xi32, #tpu.memory_space<vmem>>
      %dma_start3A_64 = tpu.memref_squeeze %dma_start3A_63 : memref<1x128xi32, #tpu.memory_space<vmem>> -> memref<128xi32, #tpu.memory_space<vmem>>
      %dma_start3A_65 = arith.constant 0 : i32
      %dma_start3A_66 = tpu.memref_slice %arg19[%dma_start3A_65] : memref<5888xf32, #tpu.memory_space<vmem_shared>> -> memref<5888xf32, #tpu.memory_space<vmem_shared>>
      tpu.enqueue_indirect_dma source(%dma_start3A_61 : memref<128xf32, #tpu.memory_space<vmem>>) target(%dma_start3A_66 : memref<5888xf32, #tpu.memory_space<vmem_shared>>) offsets(%dma_start3A_64 : memref<128xi32, #tpu.memory_space<vmem>>) semaphore(%run_scoped3A_58 : memref<!tpu.dma_semaphore, #tpu.memory_space<semaphore_mem>>) {add = true}
      %dma_wait3A_67 = arith.constant 0 : i32
      %dma_wait3A_68 = tpu.memref_slice %arg12[%run_scoped3A_10, %dma_wait3A_67] : memref<2x128xf32, #tpu.memory_space<vmem>> -> memref<1x128xf32, #tpu.memory_space<vmem>>
      %dma_wait3A_69 = tpu.memref_squeeze %dma_wait3A_68 : memref<1x128xf32, #tpu.memory_space<vmem>> -> memref<128xf32, #tpu.memory_space<vmem>>
      %dma_wait3A_70 = arith.constant 0 : i32
      %dma_wait3A_71 = tpu.memref_slice %arg10[%run_scoped3A_11, %dma_wait3A_70] : memref<2x128xi32, #tpu.memory_space<vmem>> -> memref<1x128xi32, #tpu.memory_space<vmem>>
      %dma_wait3A_72 = tpu.memref_squeeze %dma_wait3A_71 : memref<1x128xi32, #tpu.memory_space<vmem>> -> memref<128xi32, #tpu.memory_space<vmem>>
      %dma_wait3A_73 = arith.constant 0 : i32
      %dma_wait3A_74 = tpu.memref_slice %arg19[%dma_wait3A_73] : memref<5888xf32, #tpu.memory_space<vmem_shared>> -> memref<5888xf32, #tpu.memory_space<vmem_shared>>
      tpu.wait_indirect_dma semaphore(%run_scoped3A_58 : memref<!tpu.dma_semaphore, #tpu.memory_space<semaphore_mem>>) src(%dma_wait3A_69 : memref<128xf32, #tpu.memory_space<vmem>>) dst(%dma_wait3A_74 : memref<5888xf32, #tpu.memory_space<vmem_shared>>)
      tpu.yield
    }) : () -> ()
    %run_scoped3A_12 = arith.constant 1 : i32
    %run_scoped3A_13 = arith.constant 1 : i32
    "tpu.region"() ({
      %run_scoped3A_58 = tpu.sem_alloc : memref<!tpu.dma_semaphore, #tpu.memory_space<semaphore_mem>>
      %dma_start3A_59 = arith.constant 0 : i32
      %dma_start3A_60 = tpu.memref_slice %arg11[%run_scoped3A_12, %dma_start3A_59] : memref<2x128xi32, #tpu.memory_space<vmem>> -> memref<1x128xi32, #tpu.memory_space<vmem>>
      %dma_start3A_61 = tpu.memref_squeeze %dma_start3A_60 : memref<1x128xi32, #tpu.memory_space<vmem>> -> memref<128xi32, #tpu.memory_space<vmem>>
      %dma_start3A_62 = arith.constant 0 : i32
      %dma_start3A_63 = tpu.memref_slice %arg10[%run_scoped3A_13, %dma_start3A_62] : memref<2x128xi32, #tpu.memory_space<vmem>> -> memref<1x128xi32, #tpu.memory_space<vmem>>
      %dma_start3A_64 = tpu.memref_squeeze %dma_start3A_63 : memref<1x128xi32, #tpu.memory_space<vmem>> -> memref<128xi32, #tpu.memory_space<vmem>>
      %dma_start3A_65 = arith.constant 0 : i32
      %dma_start3A_66 = tpu.memref_slice %arg18[%dma_start3A_65] : memref<5888xi32, #tpu.memory_space<vmem_shared>> -> memref<5888xi32, #tpu.memory_space<vmem_shared>>
      tpu.enqueue_indirect_dma source(%dma_start3A_61 : memref<128xi32, #tpu.memory_space<vmem>>) target(%dma_start3A_66 : memref<5888xi32, #tpu.memory_space<vmem_shared>>) offsets(%dma_start3A_64 : memref<128xi32, #tpu.memory_space<vmem>>) semaphore(%run_scoped3A_58 : memref<!tpu.dma_semaphore, #tpu.memory_space<semaphore_mem>>) {add = true}
      %dma_wait3A_67 = arith.constant 0 : i32
      %dma_wait3A_68 = tpu.memref_slice %arg11[%run_scoped3A_12, %dma_wait3A_67] : memref<2x128xi32, #tpu.memory_space<vmem>> -> memref<1x128xi32, #tpu.memory_space<vmem>>
      %dma_wait3A_69 = tpu.memref_squeeze %dma_wait3A_68 : memref<1x128xi32, #tpu.memory_space<vmem>> -> memref<128xi32, #tpu.memory_space<vmem>>
      %dma_wait3A_70 = arith.constant 0 : i32
      %dma_wait3A_71 = tpu.memref_slice %arg10[%run_scoped3A_13, %dma_wait3A_70] : memref<2x128xi32, #tpu.memory_space<vmem>> -> memref<1x128xi32, #tpu.memory_space<vmem>>
      %dma_wait3A_72 = tpu.memref_squeeze %dma_wait3A_71 : memref<1x128xi32, #tpu.memory_space<vmem>> -> memref<128xi32, #tpu.memory_space<vmem>>
      %dma_wait3A_73 = arith.constant 0 : i32
      %dma_wait3A_74 = tpu.memref_slice %arg18[%dma_wait3A_73] : memref<5888xi32, #tpu.memory_space<vmem_shared>> -> memref<5888xi32, #tpu.memory_space<vmem_shared>>
      tpu.wait_indirect_dma semaphore(%run_scoped3A_58 : memref<!tpu.dma_semaphore, #tpu.memory_space<semaphore_mem>>) src(%dma_wait3A_69 : memref<128xi32, #tpu.memory_space<vmem>>) dst(%dma_wait3A_74 : memref<5888xi32, #tpu.memory_space<vmem_shared>>)
      tpu.yield
    }) : () -> ()
    %run_scoped3A_14 = arith.constant 1 : i32
    %run_scoped3A_15 = arith.constant 1 : i32
    "tpu.region"() ({
      %run_scoped3A_58 = tpu.sem_alloc : memref<!tpu.dma_semaphore, #tpu.memory_space<semaphore_mem>>
      %dma_start3A_59 = arith.constant 0 : i32
      %dma_start3A_60 = tpu.memref_slice %arg12[%run_scoped3A_14, %dma_start3A_59] : memref<2x128xf32, #tpu.memory_space<vmem>> -> memref<1x128xf32, #tpu.memory_space<vmem>>
      %dma_start3A_61 = tpu.memref_squeeze %dma_start3A_60 : memref<1x128xf32, #tpu.memory_space<vmem>> -> memref<128xf32, #tpu.memory_space<vmem>>
      %dma_start3A_62 = arith.constant 0 : i32
      %dma_start3A_63 = tpu.memref_slice %arg10[%run_scoped3A_15, %dma_start3A_62] : memref<2x128xi32, #tpu.memory_space<vmem>> -> memref<1x128xi32, #tpu.memory_space<vmem>>
      %dma_start3A_64 = tpu.memref_squeeze %dma_start3A_63 : memref<1x128xi32, #tpu.memory_space<vmem>> -> memref<128xi32, #tpu.memory_space<vmem>>
      %dma_start3A_65 = arith.constant 0 : i32
      %dma_start3A_66 = tpu.memref_slice %arg19[%dma_start3A_65] : memref<5888xf32, #tpu.memory_space<vmem_shared>> -> memref<5888xf32, #tpu.memory_space<vmem_shared>>
      tpu.enqueue_indirect_dma source(%dma_start3A_61 : memref<128xf32, #tpu.memory_space<vmem>>) target(%dma_start3A_66 : memref<5888xf32, #tpu.memory_space<vmem_shared>>) offsets(%dma_start3A_64 : memref<128xi32, #tpu.memory_space<vmem>>) semaphore(%run_scoped3A_58 : memref<!tpu.dma_semaphore, #tpu.memory_space<semaphore_mem>>) {add = true}
      %dma_wait3A_67 = arith.constant 0 : i32
      %dma_wait3A_68 = tpu.memref_slice %arg12[%run_scoped3A_14, %dma_wait3A_67] : memref<2x128xf32, #tpu.memory_space<vmem>> -> memref<1x128xf32, #tpu.memory_space<vmem>>
      %dma_wait3A_69 = tpu.memref_squeeze %dma_wait3A_68 : memref<1x128xf32, #tpu.memory_space<vmem>> -> memref<128xf32, #tpu.memory_space<vmem>>
      %dma_wait3A_70 = arith.constant 0 : i32
      %dma_wait3A_71 = tpu.memref_slice %arg10[%run_scoped3A_15, %dma_wait3A_70] : memref<2x128xi32, #tpu.memory_space<vmem>> -> memref<1x128xi32, #tpu.memory_space<vmem>>
      %dma_wait3A_72 = tpu.memref_squeeze %dma_wait3A_71 : memref<1x128xi32, #tpu.memory_space<vmem>> -> memref<128xi32, #tpu.memory_space<vmem>>
      %dma_wait3A_73 = arith.constant 0 : i32
      %dma_wait3A_74 = tpu.memref_slice %arg19[%dma_wait3A_73] : memref<5888xf32, #tpu.memory_space<vmem_shared>> -> memref<5888xf32, #tpu.memory_space<vmem_shared>>
      tpu.wait_indirect_dma semaphore(%run_scoped3A_58 : memref<!tpu.dma_semaphore, #tpu.memory_space<semaphore_mem>>) src(%dma_wait3A_69 : memref<128xf32, #tpu.memory_space<vmem>>) dst(%dma_wait3A_74 : memref<5888xf32, #tpu.memory_space<vmem_shared>>)
      tpu.yield
    }) : () -> ()
    %barrier3A_16 = arith.constant 0 : index
    tpu.barrier barrier_id(%barrier3A_16)
    %eq3A_17 = arith.constant 0 : i32
    %eq3A_18 = arith.cmpi eq, %add3A, %eq3A_17 : i32
    %convert_element_type3A_19 = arith.extui %eq3A_18 : i1 to i32
    %cond3A_20 = arith.constant 0 : i32
    %cond3A_21 = arith.cmpi ne, %convert_element_type3A_19, %cond3A_20 : i32
    scf.if %cond3A_21 {
      "tpu.region"() ({
        %run_scoped3A_58 = tpu.sem_alloc : memref<!tpu.dma_semaphore, #tpu.memory_space<semaphore_mem>>
        tpu.enqueue_dma source(%arg19 : memref<5888xf32, #tpu.memory_space<vmem_shared>>) target(%arg9 : memref<5888xf32, #tpu.memory_space<hbm>>) target_semaphore(%run_scoped3A_58 : memref<!tpu.dma_semaphore, #tpu.memory_space<semaphore_mem>>)
        tpu.wait_dma2 semaphore(%run_scoped3A_58 : memref<!tpu.dma_semaphore, #tpu.memory_space<semaphore_mem>>) src(%arg19 : memref<5888xf32, #tpu.memory_space<vmem_shared>>) dst(%arg9 : memref<5888xf32, #tpu.memory_space<hbm>>)
        tpu.yield
      }) : () -> ()
    } else {
    }
    %mul3A_22 = arith.constant 184 : i32
    %mul3A_23 = arith.muli %add3A, %mul3A_22 : i32
    %add3A_24 = arith.constant 0 : i32
    %add3A_25 = arith.addi %mul3A_23, %add3A_24 : i32
    "tpu.region"() ({
      %run_scoped3A_58 = tpu.sem_alloc : memref<!tpu.dma_semaphore, #tpu.memory_space<semaphore_mem>>
      %dma_start3A_59 = tpu.memref_slice %arg18[%add3A_25] : memref<5888xi32, #tpu.memory_space<vmem_shared>> -> memref<64xi32, #tpu.memory_space<vmem_shared>>
      %dma_start3A_60 = tpu.memref_slice %arg18[%add3A_25] : memref<5888xi32, #tpu.memory_space<vmem_shared>> -> memref<64xi32, #tpu.memory_space<vmem_shared>>
      tpu.enqueue_dma source(%dma_start3A_60 : memref<64xi32, #tpu.memory_space<vmem_shared>>) target(%arg13 : memref<64xi32, #tpu.memory_space<vmem>>) target_semaphore(%run_scoped3A_58 : memref<!tpu.dma_semaphore, #tpu.memory_space<semaphore_mem>>)
      %dma_wait3A_61 = tpu.memref_slice %arg18[%add3A_25] : memref<5888xi32, #tpu.memory_space<vmem_shared>> -> memref<64xi32, #tpu.memory_space<vmem_shared>>
      %dma_wait3A_62 = tpu.memref_slice %arg18[%add3A_25] : memref<5888xi32, #tpu.memory_space<vmem_shared>> -> memref<64xi32, #tpu.memory_space<vmem_shared>>
      tpu.wait_dma2 semaphore(%run_scoped3A_58 : memref<!tpu.dma_semaphore, #tpu.memory_space<semaphore_mem>>) src(%dma_wait3A_62 : memref<64xi32, #tpu.memory_space<vmem_shared>>) dst(%arg13 : memref<64xi32, #tpu.memory_space<vmem>>)
      tpu.yield
    }) : () -> ()
    %add3A_26 = arith.constant 64 : i32
    %add3A_27 = arith.addi %mul3A_23, %add3A_26 : i32
    "tpu.region"() ({
      %run_scoped3A_58 = tpu.sem_alloc : memref<!tpu.dma_semaphore, #tpu.memory_space<semaphore_mem>>
      %dma_start3A_59 = tpu.memref_slice %arg18[%add3A_27] : memref<5888xi32, #tpu.memory_space<vmem_shared>> -> memref<64xi32, #tpu.memory_space<vmem_shared>>
      %dma_start3A_60 = tpu.memref_slice %arg18[%add3A_27] : memref<5888xi32, #tpu.memory_space<vmem_shared>> -> memref<64xi32, #tpu.memory_space<vmem_shared>>
      tpu.enqueue_dma source(%dma_start3A_60 : memref<64xi32, #tpu.memory_space<vmem_shared>>) target(%arg14 : memref<64xi32, #tpu.memory_space<vmem>>) target_semaphore(%run_scoped3A_58 : memref<!tpu.dma_semaphore, #tpu.memory_space<semaphore_mem>>)
      %dma_wait3A_61 = tpu.memref_slice %arg18[%add3A_27] : memref<5888xi32, #tpu.memory_space<vmem_shared>> -> memref<64xi32, #tpu.memory_space<vmem_shared>>
      %dma_wait3A_62 = tpu.memref_slice %arg18[%add3A_27] : memref<5888xi32, #tpu.memory_space<vmem_shared>> -> memref<64xi32, #tpu.memory_space<vmem_shared>>
      tpu.wait_dma2 semaphore(%run_scoped3A_58 : memref<!tpu.dma_semaphore, #tpu.memory_space<semaphore_mem>>) src(%dma_wait3A_62 : memref<64xi32, #tpu.memory_space<vmem_shared>>) dst(%arg14 : memref<64xi32, #tpu.memory_space<vmem>>)
      tpu.yield
    }) : () -> ()
    %add3A_28 = arith.constant 128 : i32
    %add3A_29 = arith.addi %mul3A_23, %add3A_28 : i32
    "tpu.region"() ({
      %run_scoped3A_58 = tpu.sem_alloc : memref<!tpu.dma_semaphore, #tpu.memory_space<semaphore_mem>>
      %dma_start3A_59 = tpu.memref_slice %arg18[%add3A_29] : memref<5888xi32, #tpu.memory_space<vmem_shared>> -> memref<56xi32, #tpu.memory_space<vmem_shared>>
      %dma_start3A_60 = tpu.memref_slice %arg18[%add3A_29] : memref<5888xi32, #tpu.memory_space<vmem_shared>> -> memref<56xi32, #tpu.memory_space<vmem_shared>>
      tpu.enqueue_dma source(%dma_start3A_60 : memref<56xi32, #tpu.memory_space<vmem_shared>>) target(%arg15 : memref<56xi32, #tpu.memory_space<vmem>>) target_semaphore(%run_scoped3A_58 : memref<!tpu.dma_semaphore, #tpu.memory_space<semaphore_mem>>)
      %dma_wait3A_61 = tpu.memref_slice %arg18[%add3A_29] : memref<5888xi32, #tpu.memory_space<vmem_shared>> -> memref<56xi32, #tpu.memory_space<vmem_shared>>
      %dma_wait3A_62 = tpu.memref_slice %arg18[%add3A_29] : memref<5888xi32, #tpu.memory_space<vmem_shared>> -> memref<56xi32, #tpu.memory_space<vmem_shared>>
      tpu.wait_dma2 semaphore(%run_scoped3A_58 : memref<!tpu.dma_semaphore, #tpu.memory_space<semaphore_mem>>) src(%dma_wait3A_62 : memref<56xi32, #tpu.memory_space<vmem_shared>>) dst(%arg15 : memref<56xi32, #tpu.memory_space<vmem>>)
      tpu.yield
    }) : () -> ()
    %dma_start3A = arith.constant 0 : i32
    %dma_start3A_30 = arith.constant 0 : i32
    %dma_start3A_31 = tpu.memref_slice %arg7[%dma_start3A, %dma_start3A_30] : memref<2048x768xf32, #tpu.memory_space<hbm>> -> memref<2048x768xf32, #tpu.memory_space<hbm>>
    tpu.enqueue_indirect_dma source(%dma_start3A_31 : memref<2048x768xf32, #tpu.memory_space<hbm>>) target(%arg16 : memref<64x768xf32, #tpu.memory_space<vmem>>) offsets(%arg13 : memref<64xi32, #tpu.memory_space<vmem>>) semaphore(%arg20 : memref<!tpu.dma_semaphore, #tpu.memory_space<semaphore_mem>>)
    %dma_wait3A = arith.constant 0 : i32
    %dma_wait3A_32 = arith.constant 0 : i32
    %dma_wait3A_33 = tpu.memref_slice %arg7[%dma_wait3A, %dma_wait3A_32] : memref<2048x768xf32, #tpu.memory_space<hbm>> -> memref<2048x768xf32, #tpu.memory_space<hbm>>
    tpu.wait_indirect_dma semaphore(%arg20 : memref<!tpu.dma_semaphore, #tpu.memory_space<semaphore_mem>>) src(%dma_wait3A_33 : memref<2048x768xf32, #tpu.memory_space<hbm>>) dst(%arg16 : memref<64x768xf32, #tpu.memory_space<vmem>>)
    %add3A_34 = arith.constant 0 : i32
    %add3A_35 = arith.addi %mul3A_23, %add3A_34 : i32
    "tpu.region"() ({
      %run_scoped3A_58 = tpu.sem_alloc : memref<!tpu.dma_semaphore, #tpu.memory_space<semaphore_mem>>
      %dma_start3A_59 = arith.constant 0 : i32
      %dma_start3A_60 = tpu.memref_slice %arg8[%add3A_35, %dma_start3A_59] : memref<5888x768xf32, #tpu.memory_space<hbm>> -> memref<64x768xf32, #tpu.memory_space<hbm>>
      %dma_start3A_61 = arith.constant 0 : i32
      %dma_start3A_62 = tpu.memref_slice %arg8[%add3A_35, %dma_start3A_61] : memref<5888x768xf32, #tpu.memory_space<hbm>> -> memref<64x768xf32, #tpu.memory_space<hbm>>
      tpu.enqueue_dma source(%arg16 : memref<64x768xf32, #tpu.memory_space<vmem>>) target(%dma_start3A_62 : memref<64x768xf32, #tpu.memory_space<hbm>>) target_semaphore(%run_scoped3A_58 : memref<!tpu.dma_semaphore, #tpu.memory_space<semaphore_mem>>)
      %dma_wait3A_63 = arith.constant 0 : i32
      %dma_wait3A_64 = tpu.memref_slice %arg8[%add3A_35, %dma_wait3A_63] : memref<5888x768xf32, #tpu.memory_space<hbm>> -> memref<64x768xf32, #tpu.memory_space<hbm>>
      %dma_wait3A_65 = arith.constant 0 : i32
      %dma_wait3A_66 = tpu.memref_slice %arg8[%add3A_35, %dma_wait3A_65] : memref<5888x768xf32, #tpu.memory_space<hbm>> -> memref<64x768xf32, #tpu.memory_space<hbm>>
      tpu.wait_dma2 semaphore(%run_scoped3A_58 : memref<!tpu.dma_semaphore, #tpu.memory_space<semaphore_mem>>) src(%arg16 : memref<64x768xf32, #tpu.memory_space<vmem>>) dst(%dma_wait3A_66 : memref<64x768xf32, #tpu.memory_space<hbm>>)
      tpu.yield
    }) : () -> ()
    %dma_start3A_36 = arith.constant 0 : i32
    %dma_start3A_37 = arith.constant 0 : i32
    %dma_start3A_38 = tpu.memref_slice %arg7[%dma_start3A_36, %dma_start3A_37] : memref<2048x768xf32, #tpu.memory_space<hbm>> -> memref<2048x768xf32, #tpu.memory_space<hbm>>
    tpu.enqueue_indirect_dma source(%dma_start3A_38 : memref<2048x768xf32, #tpu.memory_space<hbm>>) target(%arg17 : memref<64x768xf32, #tpu.memory_space<vmem>>) offsets(%arg14 : memref<64xi32, #tpu.memory_space<vmem>>) semaphore(%arg21 : memref<!tpu.dma_semaphore, #tpu.memory_space<semaphore_mem>>)
    %dma_wait3A_39 = arith.constant 0 : i32
    %dma_wait3A_40 = arith.constant 0 : i32
    %dma_wait3A_41 = tpu.memref_slice %arg7[%dma_wait3A_39, %dma_wait3A_40] : memref<2048x768xf32, #tpu.memory_space<hbm>> -> memref<2048x768xf32, #tpu.memory_space<hbm>>
    tpu.wait_indirect_dma semaphore(%arg21 : memref<!tpu.dma_semaphore, #tpu.memory_space<semaphore_mem>>) src(%dma_wait3A_41 : memref<2048x768xf32, #tpu.memory_space<hbm>>) dst(%arg17 : memref<64x768xf32, #tpu.memory_space<vmem>>)
    %add3A_42 = arith.constant 64 : i32
    %add3A_43 = arith.addi %mul3A_23, %add3A_42 : i32
    "tpu.region"() ({
      %run_scoped3A_58 = tpu.sem_alloc : memref<!tpu.dma_semaphore, #tpu.memory_space<semaphore_mem>>
      %dma_start3A_59 = arith.constant 0 : i32
      %dma_start3A_60 = tpu.memref_slice %arg8[%add3A_43, %dma_start3A_59] : memref<5888x768xf32, #tpu.memory_space<hbm>> -> memref<64x768xf32, #tpu.memory_space<hbm>>
      %dma_start3A_61 = arith.constant 0 : i32
      %dma_start3A_62 = tpu.memref_slice %arg8[%add3A_43, %dma_start3A_61] : memref<5888x768xf32, #tpu.memory_space<hbm>> -> memref<64x768xf32, #tpu.memory_space<hbm>>
      tpu.enqueue_dma source(%arg17 : memref<64x768xf32, #tpu.memory_space<vmem>>) target(%dma_start3A_62 : memref<64x768xf32, #tpu.memory_space<hbm>>) target_semaphore(%run_scoped3A_58 : memref<!tpu.dma_semaphore, #tpu.memory_space<semaphore_mem>>)
      %dma_wait3A_63 = arith.constant 0 : i32
      %dma_wait3A_64 = tpu.memref_slice %arg8[%add3A_43, %dma_wait3A_63] : memref<5888x768xf32, #tpu.memory_space<hbm>> -> memref<64x768xf32, #tpu.memory_space<hbm>>
      %dma_wait3A_65 = arith.constant 0 : i32
      %dma_wait3A_66 = tpu.memref_slice %arg8[%add3A_43, %dma_wait3A_65] : memref<5888x768xf32, #tpu.memory_space<hbm>> -> memref<64x768xf32, #tpu.memory_space<hbm>>
      tpu.wait_dma2 semaphore(%run_scoped3A_58 : memref<!tpu.dma_semaphore, #tpu.memory_space<semaphore_mem>>) src(%arg17 : memref<64x768xf32, #tpu.memory_space<vmem>>) dst(%dma_wait3A_66 : memref<64x768xf32, #tpu.memory_space<hbm>>)
      tpu.yield
    }) : () -> ()
    %dma_start3A_44 = arith.constant 0 : i32
    %dma_start3A_45 = arith.constant 0 : i32
    %dma_start3A_46 = tpu.memref_slice %arg16[%dma_start3A_44, %dma_start3A_45] : memref<64x768xf32, #tpu.memory_space<vmem>> -> memref<56x768xf32, #tpu.memory_space<vmem>>
    %dma_start3A_47 = arith.constant 0 : i32
    %dma_start3A_48 = arith.constant 0 : i32
    %dma_start3A_49 = tpu.memref_slice %arg7[%dma_start3A_47, %dma_start3A_48] : memref<2048x768xf32, #tpu.memory_space<hbm>> -> memref<2048x768xf32, #tpu.memory_space<hbm>>
    tpu.enqueue_indirect_dma source(%dma_start3A_49 : memref<2048x768xf32, #tpu.memory_space<hbm>>) target(%dma_start3A_46 : memref<56x768xf32, #tpu.memory_space<vmem>>) offsets(%arg15 : memref<56xi32, #tpu.memory_space<vmem>>) semaphore(%arg20 : memref<!tpu.dma_semaphore, #tpu.memory_space<semaphore_mem>>)
    %dma_wait3A_50 = arith.constant 0 : i32
    %dma_wait3A_51 = arith.constant 0 : i32
    %dma_wait3A_52 = tpu.memref_slice %arg16[%dma_wait3A_50, %dma_wait3A_51] : memref<64x768xf32, #tpu.memory_space<vmem>> -> memref<56x768xf32, #tpu.memory_space<vmem>>
    %dma_wait3A_53 = arith.constant 0 : i32
    %dma_wait3A_54 = arith.constant 0 : i32
    %dma_wait3A_55 = tpu.memref_slice %arg7[%dma_wait3A_53, %dma_wait3A_54] : memref<2048x768xf32, #tpu.memory_space<hbm>> -> memref<2048x768xf32, #tpu.memory_space<hbm>>
    tpu.wait_indirect_dma semaphore(%arg20 : memref<!tpu.dma_semaphore, #tpu.memory_space<semaphore_mem>>) src(%dma_wait3A_55 : memref<2048x768xf32, #tpu.memory_space<hbm>>) dst(%dma_wait3A_52 : memref<56x768xf32, #tpu.memory_space<vmem>>)
    %add3A_56 = arith.constant 128 : i32
    %add3A_57 = arith.addi %mul3A_23, %add3A_56 : i32
    "tpu.region"() ({
      %run_scoped3A_58 = tpu.sem_alloc : memref<!tpu.dma_semaphore, #tpu.memory_space<semaphore_mem>>
      %dma_start3A_59 = arith.constant 0 : i32
      %dma_start3A_60 = arith.constant 0 : i32
      %dma_start3A_61 = tpu.memref_slice %arg16[%dma_start3A_59, %dma_start3A_60] : memref<64x768xf32, #tpu.memory_space<vmem>> -> memref<56x768xf32, #tpu.memory_space<vmem>>
      %dma_start3A_62 = arith.constant 0 : i32
      %dma_start3A_63 = tpu.memref_slice %arg8[%add3A_57, %dma_start3A_62] : memref<5888x768xf32, #tpu.memory_space<hbm>> -> memref<56x768xf32, #tpu.memory_space<hbm>>
      %dma_start3A_64 = arith.constant 0 : i32
      %dma_start3A_65 = tpu.memref_slice %arg8[%add3A_57, %dma_start3A_64] : memref<5888x768xf32, #tpu.memory_space<hbm>> -> memref<56x768xf32, #tpu.memory_space<hbm>>
      %dma_start3A_66 = arith.constant 0 : i32
      %dma_start3A_67 = arith.constant 0 : i32
      %dma_start3A_68 = tpu.memref_slice %arg16[%dma_start3A_66, %dma_start3A_67] : memref<64x768xf32, #tpu.memory_space<vmem>> -> memref<56x768xf32, #tpu.memory_space<vmem>>
      tpu.enqueue_dma source(%dma_start3A_68 : memref<56x768xf32, #tpu.memory_space<vmem>>) target(%dma_start3A_65 : memref<56x768xf32, #tpu.memory_space<hbm>>) target_semaphore(%run_scoped3A_58 : memref<!tpu.dma_semaphore, #tpu.memory_space<semaphore_mem>>)
      %dma_wait3A_69 = arith.constant 0 : i32
      %dma_wait3A_70 = arith.constant 0 : i32
      %dma_wait3A_71 = tpu.memref_slice %arg16[%dma_wait3A_69, %dma_wait3A_70] : memref<64x768xf32, #tpu.memory_space<vmem>> -> memref<56x768xf32, #tpu.memory_space<vmem>>
      %dma_wait3A_72 = arith.constant 0 : i32
      %dma_wait3A_73 = tpu.memref_slice %arg8[%add3A_57, %dma_wait3A_72] : memref<5888x768xf32, #tpu.memory_space<hbm>> -> memref<56x768xf32, #tpu.memory_space<hbm>>
      %dma_wait3A_74 = arith.constant 0 : i32
      %dma_wait3A_75 = tpu.memref_slice %arg8[%add3A_57, %dma_wait3A_74] : memref<5888x768xf32, #tpu.memory_space<hbm>> -> memref<56x768xf32, #tpu.memory_space<hbm>>
      %dma_wait3A_76 = arith.constant 0 : i32
      %dma_wait3A_77 = arith.constant 0 : i32
      %dma_wait3A_78 = tpu.memref_slice %arg16[%dma_wait3A_76, %dma_wait3A_77] : memref<64x768xf32, #tpu.memory_space<vmem>> -> memref<56x768xf32, #tpu.memory_space<vmem>>
      tpu.wait_dma2 semaphore(%run_scoped3A_58 : memref<!tpu.dma_semaphore, #tpu.memory_space<semaphore_mem>>) src(%dma_wait3A_78 : memref<56x768xf32, #tpu.memory_space<vmem>>) dst(%dma_wait3A_75 : memref<56x768xf32, #tpu.memory_space<hbm>>)
      tpu.yield
    }) : () -> ()
    return
  }
}

module attributes {stable_mosaic.version = 14 : i64} {
  func.func @_router_body(%arg0: memref<2048x768xf32, #tpu.memory_space<vmem>>, %arg1: memref<8x768xf32, #tpu.memory_space<vmem>>, %arg2: memref<32x128xi32, #tpu.memory_space<vmem>>, %arg3: memref<32x128xi32, #tpu.memory_space<vmem>>, %arg4: memref<32x128xf32, #tpu.memory_space<vmem>>, %arg5: memref<24x1xi32, #tpu.memory_space<vmem>>, %arg6: memref<1x1xf32, #tpu.memory_space<vmem>>, %arg7: memref<4096x8xf32, #tpu.memory_space<vmem>>, %arg8: memref<4096x8xf32, #tpu.memory_space<vmem>>) attributes {dimension_semantics = [], scalar_prefetch = 0 : i64, scratch_operands = 2 : i64, tpu.core_type = #tpu.core_type<tc>} {
    %get3A = arith.constant 0 : index
    %get3A_0 = arith.constant 0 : index
    %get3A_1 = vector.load %arg0[%get3A, %get3A_0] : memref<2048x768xf32, #tpu.memory_space<vmem>>, vector<2048x768xf32>
    %get3A_2 = arith.constant 0 : index
    %get3A_3 = arith.constant 0 : index
    %get3A_4 = vector.load %arg1[%get3A_2, %get3A_3] : memref<8x768xf32, #tpu.memory_space<vmem>>, vector<8x768xf32>
    %dot_general3A = arith.constant dense<0.000000e+00> : vector<2048x8xf32>
    %dot_general3A_5 = tpu.matmul %get3A_1, %get3A_4, %dot_general3A {dimension_numbers = #tpu.dot_dimension_numbers<[1], [1], [0], [0], [0, 0, 1, 0], [], []>, transpose_lhs_hint = false} : vector<2048x768xf32>, vector<8x768xf32>, vector<2048x8xf32> -> vector<2048x8xf32>
    %iota3A = tpu.iota {dimensions = array<i32: 1>} : vector<2048x8xi32>
    %reduce_max3A = arith.constant dense<0xFF800000> : vector<2048xf32>
    %reduce_max3A_6 = vector.multi_reduction <maximumf>, %dot_general3A_5, %reduce_max3A [1] : vector<2048x8xf32> to vector<2048xf32>
    %broadcast_in_dim3A = vector.shape_cast %reduce_max3A_6 : vector<2048xf32> to vector<2048x1xf32>
    %ge3A = vector.broadcast %broadcast_in_dim3A : vector<2048x1xf32> to vector<2048x8xf32>
    %ge3A_7 = arith.cmpf oge, %dot_general3A_5, %ge3A : vector<2048x8xf32>
    %jit3A = arith.constant 8 : i32
    %broadcast_in_dim3A_8 = vector.broadcast %jit3A : i32 to vector<2048x8xi32>
    %select_n3A = arith.select %ge3A_7, %iota3A, %broadcast_in_dim3A_8 : vector<2048x8xi1>, vector<2048x8xi32>
    %reduce_min3A = arith.constant dense<2147483647> : vector<2048xi32>
    %reduce_min3A_9 = vector.multi_reduction <minsi>, %select_n3A, %reduce_min3A [1] : vector<2048x8xi32> to vector<2048xi32>
    %broadcast_in_dim3A_10 = vector.shape_cast %reduce_min3A_9 : vector<2048xi32> to vector<2048x1xi32>
    %eq3A = vector.broadcast %broadcast_in_dim3A_10 : vector<2048x1xi32> to vector<2048x8xi32>
    %eq3A_11 = arith.cmpi eq, %iota3A, %eq3A : vector<2048x8xi32>
    %jit3A_12 = arith.constant -1.000000e+30 : f32
    %broadcast_in_dim3A_13 = vector.broadcast %jit3A_12 : f32 to vector<2048x8xf32>
    %select_n3A_14 = arith.select %eq3A_11, %broadcast_in_dim3A_13, %dot_general3A_5 : vector<2048x8xi1>, vector<2048x8xf32>
    %reduce_max3A_15 = arith.constant dense<0xFF800000> : vector<2048xf32>
    %reduce_max3A_16 = vector.multi_reduction <maximumf>, %select_n3A_14, %reduce_max3A_15 [1] : vector<2048x8xf32> to vector<2048xf32>
    %broadcast_in_dim3A_17 = vector.shape_cast %reduce_max3A_16 : vector<2048xf32> to vector<2048x1xf32>
    %ge3A_18 = vector.broadcast %broadcast_in_dim3A_17 : vector<2048x1xf32> to vector<2048x8xf32>
    %ge3A_19 = arith.cmpf oge, %select_n3A_14, %ge3A_18 : vector<2048x8xf32>
    %jit3A_20 = arith.constant 8 : i32
    %broadcast_in_dim3A_21 = vector.broadcast %jit3A_20 : i32 to vector<2048x8xi32>
    %select_n3A_22 = arith.select %ge3A_19, %iota3A, %broadcast_in_dim3A_21 : vector<2048x8xi1>, vector<2048x8xi32>
    %reduce_min3A_23 = arith.constant dense<2147483647> : vector<2048xi32>
    %reduce_min3A_24 = vector.multi_reduction <minsi>, %select_n3A_22, %reduce_min3A_23 [1] : vector<2048x8xi32> to vector<2048xi32>
    %broadcast_in_dim3A_25 = vector.shape_cast %reduce_min3A_24 : vector<2048xi32> to vector<2048x1xi32>
    %eq3A_26 = vector.broadcast %broadcast_in_dim3A_25 : vector<2048x1xi32> to vector<2048x8xi32>
    %eq3A_27 = arith.cmpi eq, %iota3A, %eq3A_26 : vector<2048x8xi32>
    %sub3A = arith.subf %broadcast_in_dim3A_17, %broadcast_in_dim3A : vector<2048x1xf32>
    %exp3A = math.exp %sub3A : vector<2048x1xf32>
    %add3A = arith.constant 1.000000e+00 : f32
    %add3A_28 = vector.broadcast %add3A : f32 to vector<2048x1xf32>
    %add3A_29 = arith.addf %add3A_28, %exp3A : vector<2048x1xf32>
    %div3A = arith.constant 1.000000e+00 : f32
    %div3A_30 = vector.broadcast %div3A : f32 to vector<2048x1xf32>
    %div3A_31 = arith.divf %div3A_30, %add3A_29 : vector<2048x1xf32>
    %sub3A_32 = arith.constant 1.000000e+00 : f32
    %sub3A_33 = vector.broadcast %sub3A_32 : f32 to vector<2048x1xf32>
    %sub3A_34 = arith.subf %sub3A_33, %div3A_31 : vector<2048x1xf32>
    %sub3A_35 = vector.broadcast %broadcast_in_dim3A : vector<2048x1xf32> to vector<2048x8xf32>
    %sub3A_36 = arith.subf %dot_general3A_5, %sub3A_35 : vector<2048x8xf32>
    %exp3A_37 = math.exp %sub3A_36 : vector<2048x8xf32>
    %reduce_sum3A = arith.constant dense<0.000000e+00> : vector<2048xf32>
    %reduce_sum3A_38 = vector.multi_reduction <add>, %exp3A_37, %reduce_sum3A [1] : vector<2048x8xf32> to vector<2048xf32>
    %broadcast_in_dim3A_39 = vector.shape_cast %reduce_sum3A_38 : vector<2048xf32> to vector<2048x1xf32>
    %div3A_40 = vector.broadcast %broadcast_in_dim3A_39 : vector<2048x1xf32> to vector<2048x8xf32>
    %div3A_41 = arith.divf %exp3A_37, %div3A_40 : vector<2048x8xf32>
    %reduce_sum3A_42 = arith.constant dense<0.000000e+00> : vector<8xf32>
    %reduce_sum3A_43 = vector.multi_reduction <add>, %div3A_41, %reduce_sum3A_42 [0] : vector<2048x8xf32> to vector<8xf32>
    %mul3A = arith.constant 4.8828125E-4 : f32
    %mul3A_44 = vector.broadcast %mul3A : f32 to vector<8xf32>
    %mul3A_45 = arith.mulf %reduce_sum3A_43, %mul3A_44 : vector<8xf32>
    %or3A = arith.ori %eq3A_11, %eq3A_27 : vector<2048x8xi1>
    %jit3A_46 = arith.constant 1.000000e+00 : f32
    %jit3A_47 = arith.constant 0.000000e+00 : f32
    %broadcast_in_dim3A_48 = vector.broadcast %jit3A_46 : f32 to vector<2048x8xf32>
    %broadcast_in_dim3A_49 = vector.broadcast %jit3A_47 : f32 to vector<2048x8xf32>
    %select_n3A_50 = arith.select %or3A, %broadcast_in_dim3A_48, %broadcast_in_dim3A_49 : vector<2048x8xi1>, vector<2048x8xf32>
    %reduce_sum3A_51 = arith.constant dense<0.000000e+00> : vector<8xf32>
    %reduce_sum3A_52 = vector.multi_reduction <add>, %select_n3A_50, %reduce_sum3A_51 [0] : vector<2048x8xf32> to vector<8xf32>
    %mul3A_53 = arith.constant 4.8828125E-4 : f32
    %mul3A_54 = vector.broadcast %mul3A_53 : f32 to vector<8xf32>
    %mul3A_55 = arith.mulf %reduce_sum3A_52, %mul3A_54 : vector<8xf32>
    %mul3A_56 = arith.mulf %mul3A_55, %mul3A_45 : vector<8xf32>
    %reduce_sum3A_57 = vector.shape_cast %mul3A_56 : vector<8xf32> to vector<1x8xf32>
    %reduce_sum3A_58 = arith.constant dense<0.000000e+00> : vector<1xf32>
    %reduce_sum3A_59 = vector.multi_reduction <add>, %reduce_sum3A_57, %reduce_sum3A_58 [1] : vector<1x8xf32> to vector<1xf32>
    %reduce_sum3A_60 = vector.shape_cast %reduce_sum3A_59 : vector<1xf32> to vector<1x1xf32>
    %reduce_sum3A_61 = vector.extract %reduce_sum3A_60[0, 0] : f32 from vector<1x1xf32>
    %mul3A_62 = arith.constant 8.000000e+00 : f32
    %mul3A_63 = arith.mulf %mul3A_62, %reduce_sum3A_61 : f32
    %reshape3A = vector.broadcast %mul3A_63 : f32 to vector<1x1xf32>
    %swap3A = arith.constant 0 : index
    %swap3A_64 = arith.constant 0 : index
    %swap3A_65 = vector.load %arg6[%swap3A, %swap3A_64] : memref<1x1xf32, #tpu.memory_space<vmem>>, vector<1x1xf32>
    tpu.vector_store %arg6[%swap3A, %swap3A_64], %reshape3A {strides = array<i32>} : memref<1x1xf32, #tpu.memory_space<vmem>>, vector<1x1xf32>,
    %jit3A_66 = arith.constant 1.000000e+00 : f32
    %jit3A_67 = arith.constant 0.000000e+00 : f32
    %broadcast_in_dim3A_68 = vector.broadcast %jit3A_66 : f32 to vector<2048x8xf32>
    %broadcast_in_dim3A_69 = vector.broadcast %jit3A_67 : f32 to vector<2048x8xf32>
    %select_n3A_70 = arith.select %eq3A_11, %broadcast_in_dim3A_68, %broadcast_in_dim3A_69 : vector<2048x8xi1>, vector<2048x8xf32>
    %jit3A_71 = arith.constant 1.000000e+00 : f32
    %jit3A_72 = arith.constant 0.000000e+00 : f32
    %broadcast_in_dim3A_73 = vector.broadcast %jit3A_71 : f32 to vector<2048x8xf32>
    %broadcast_in_dim3A_74 = vector.broadcast %jit3A_72 : f32 to vector<2048x8xf32>
    %select_n3A_75 = arith.select %eq3A_27, %broadcast_in_dim3A_73, %broadcast_in_dim3A_74 : vector<2048x8xi1>, vector<2048x8xf32>
    %concatenate3A = tpu.concatenate %select_n3A_70, %select_n3A_75 in 0 : vector<2048x8xf32>, vector<2048x8xf32> -> vector<4096x8xf32>
    %swap3A_76 = arith.constant 0 : index
    %swap3A_77 = arith.constant 0 : index
    %swap3A_78 = vector.load %arg7[%swap3A_76, %swap3A_77] : memref<4096x8xf32, #tpu.memory_space<vmem>>, vector<4096x8xf32>
    tpu.vector_store %arg7[%swap3A_76, %swap3A_77], %concatenate3A {strides = array<i32>} : memref<4096x8xf32, #tpu.memory_space<vmem>>, vector<4096x8xf32>,
    %iota3A_79 = tpu.iota {dimensions = array<i32: 0>} : vector<128x128xi32>
    %iota3A_80 = tpu.iota {dimensions = array<i32: 1>} : vector<128x128xi32>
    %ge3A_81 = arith.cmpi sge, %iota3A_79, %iota3A_80 : vector<128x128xi32>
    %jit3A_82 = arith.constant 1.000000e+00 : f32
    %jit3A_83 = arith.constant 0.000000e+00 : f32
    %broadcast_in_dim3A_84 = vector.broadcast %jit3A_82 : f32 to vector<128x128xf32>
    %broadcast_in_dim3A_85 = vector.broadcast %jit3A_83 : f32 to vector<128x128xf32>
    %select_n3A_86 = arith.select %ge3A_81, %broadcast_in_dim3A_84, %broadcast_in_dim3A_85 : vector<128x128xi1>, vector<128x128xf32>
    %broadcast_in_dim3A_87 = arith.constant 0.000000e+00 : f32
    %broadcast_in_dim3A_88 = vector.broadcast %broadcast_in_dim3A_87 : f32 to vector<1x8xf32>
    %scan3A = arith.constant 0 : i32
    %scan3A_89 = arith.constant 32 : i32
    %scan3A_90 = arith.addi %scan3A, %scan3A_89 : i32
    %scan3A_91 = arith.constant 1 : i32
    %scan3A_92 = scf.for %scan3A_179 = %scan3A to %scan3A_90 step %scan3A_91 iter_args(%scan3A_180 = %broadcast_in_dim3A_88) -> (vector<1x8xf32>)  : i32 {
      %mul3A_181 = arith.constant 128 : i32
      %mul3A_182 = arith.muli %scan3A_179, %mul3A_181 : i32
      %get3A_183 = arith.index_cast %mul3A_182 : i32 to index
      %get3A_184 = arith.constant 0 : index
      %get3A_185 = vector.load %arg7[%get3A_183, %get3A_184] : memref<4096x8xf32, #tpu.memory_space<vmem>>, vector<128x8xf32>
      %dot_general3A_186 = arith.constant dense<0.000000e+00> : vector<128x8xf32>
      %dot_general3A_187 = tpu.matmul %select_n3A_86, %get3A_185, %dot_general3A_186 {dimension_numbers = #tpu.dot_dimension_numbers<[1], [0], [0], [1], [0, 0, 1, 1], [], []>, transpose_lhs_hint = false} : vector<128x128xf32>, vector<128x8xf32>, vector<128x8xf32> -> vector<128x8xf32>
      %add3A_188 = vector.broadcast %scan3A_180 : vector<1x8xf32> to vector<128x8xf32>
      %add3A_189 = arith.addf %dot_general3A_187, %add3A_188 : vector<128x8xf32>
      %mul3A_190 = arith.constant 128 : i32
      %mul3A_191 = arith.muli %scan3A_179, %mul3A_190 : i32
      %swap3A_192 = arith.index_cast %mul3A_191 : i32 to index
      %swap3A_193 = arith.constant 0 : index
      %swap3A_194 = vector.load %arg8[%swap3A_192, %swap3A_193] : memref<4096x8xf32, #tpu.memory_space<vmem>>, vector<128x8xf32>
      tpu.vector_store %arg8[%swap3A_192, %swap3A_193], %add3A_189 {strides = array<i32>} : memref<4096x8xf32, #tpu.memory_space<vmem>>, vector<128x8xf32>,
      %slice3A = vector.extract_strided_slice %add3A_189 {offsets = [127, 0], sizes = [1, 8], strides = [1, 1]} : vector<128x8xf32> to vector<1x8xf32>
      scf.yield %slice3A : vector<1x8xf32>
    }
    %scan3A_93 = arith.constant 32 : i32
    %mul3A_94 = arith.constant 3.906250e-03 : f32
    %mul3A_95 = vector.broadcast %mul3A_94 : f32 to vector<1x8xf32>
    %mul3A_96 = arith.mulf %scan3A_92, %mul3A_95 : vector<1x8xf32>
    %ceil3A = math.ceil %mul3A_96 : vector<1x8xf32>
    %iota3A_97 = tpu.iota {dimensions = array<i32: 0>} : vector<8x8xi32>
    %iota3A_98 = tpu.iota {dimensions = array<i32: 1>} : vector<8x8xi32>
    %le3A = arith.cmpi sle, %iota3A_97, %iota3A_98 : vector<8x8xi32>
    %jit3A_99 = arith.constant 1.000000e+00 : f32
    %jit3A_100 = arith.constant 0.000000e+00 : f32
    %broadcast_in_dim3A_101 = vector.broadcast %jit3A_99 : f32 to vector<8x8xf32>
    %broadcast_in_dim3A_102 = vector.broadcast %jit3A_100 : f32 to vector<8x8xf32>
    %select_n3A_103 = arith.select %le3A, %broadcast_in_dim3A_101, %broadcast_in_dim3A_102 : vector<8x8xi1>, vector<8x8xf32>
    %dot_general3A_104 = arith.constant dense<0.000000e+00> : vector<1x8xf32>
    %dot_general3A_105 = tpu.matmul %ceil3A, %select_n3A_103, %dot_general3A_104 {dimension_numbers = #tpu.dot_dimension_numbers<[1], [0], [0], [1], [0, 0, 1, 1], [], []>, transpose_lhs_hint = false} : vector<1x8xf32>, vector<8x8xf32>, vector<1x8xf32> -> vector<1x8xf32>
    %sub3A_106 = arith.subf %dot_general3A_105, %ceil3A : vector<1x8xf32>
    %mul3A_107 = arith.constant 2.560000e+02 : f32
    %mul3A_108 = vector.broadcast %mul3A_107 : f32 to vector<1x8xf32>
    %mul3A_109 = arith.mulf %sub3A_106, %mul3A_108 : vector<1x8xf32>
    %get3A_110 = arith.constant 0 : index
    %get3A_111 = arith.constant 0 : index
    %get3A_112 = vector.load %arg8[%get3A_110, %get3A_111] : memref<4096x8xf32, #tpu.memory_space<vmem>>, vector<4096x8xf32>
    %get3A_113 = arith.constant 0 : index
    %get3A_114 = arith.constant 0 : index
    %get3A_115 = vector.load %arg7[%get3A_113, %get3A_114] : memref<4096x8xf32, #tpu.memory_space<vmem>>, vector<4096x8xf32>
    %sub3A_116 = arith.constant 1.000000e+00 : f32
    %sub3A_117 = vector.broadcast %sub3A_116 : f32 to vector<4096x8xf32>
    %sub3A_118 = arith.subf %get3A_112, %sub3A_117 : vector<4096x8xf32>
    %add3A_119 = vector.broadcast %mul3A_109 : vector<1x8xf32> to vector<4096x8xf32>
    %add3A_120 = arith.addf %sub3A_118, %add3A_119 : vector<4096x8xf32>
    %mul3A_121 = arith.mulf %get3A_115, %add3A_120 : vector<4096x8xf32>
    %reduce_sum3A_122 = arith.constant dense<0.000000e+00> : vector<4096xf32>
    %reduce_sum3A_123 = vector.multi_reduction <add>, %mul3A_121, %reduce_sum3A_122 [1] : vector<4096x8xf32> to vector<4096xf32>
    %broadcast_in_dim3A_124 = vector.shape_cast %reduce_sum3A_123 : vector<4096xf32> to vector<4096x1xf32>
    %convert_element_type3A = arith.fptosi %broadcast_in_dim3A_124 : vector<4096x1xf32> to vector<4096x1xi32>
    %reshape3A_125 = vector.shape_cast %convert_element_type3A : vector<4096x1xi32> to vector<32x128xi32>
    %swap3A_126 = arith.constant 0 : index
    %swap3A_127 = arith.constant 0 : index
    %swap3A_128 = vector.load %arg2[%swap3A_126, %swap3A_127] : memref<32x128xi32, #tpu.memory_space<vmem>>, vector<32x128xi32>
    tpu.vector_store %arg2[%swap3A_126, %swap3A_127], %reshape3A_125 {strides = array<i32>} : memref<32x128xi32, #tpu.memory_space<vmem>>, vector<32x128xi32>,
    %iota3A_129 = tpu.iota {dimensions = array<i32: 0>} : vector<2048x1xi32>
    %concatenate3A_130 = tpu.concatenate %iota3A_129, %iota3A_129 in 0 : vector<2048x1xi32>, vector<2048x1xi32> -> vector<4096x1xi32>
    %convert_element_type3A_131 = arith.fptosi %broadcast_in_dim3A_124 : vector<4096x1xf32> to vector<4096x1xi32>
    %mul3A_132 = arith.constant 3 : i32
    %mul3A_133 = vector.broadcast %mul3A_132 : i32 to vector<4096x1xi32>
    %mul3A_134 = arith.muli %convert_element_type3A_131, %mul3A_133 : vector<4096x1xi32>
    %add3A_135 = arith.constant 128 : i32
    %add3A_136 = vector.broadcast %add3A_135 : i32 to vector<4096x1xi32>
    %add3A_137 = arith.addi %mul3A_134, %add3A_136 : vector<4096x1xi32>
    %rem3A = arith.constant 2048 : i32
    %rem3A_138 = vector.broadcast %rem3A : i32 to vector<4096x1xi32>
    %rem3A_139 = arith.remsi %add3A_137, %rem3A_138 : vector<4096x1xi32>
    %sub3A_140 = arith.subi %concatenate3A_130, %rem3A_139 : vector<4096x1xi32>
    %reshape3A_141 = vector.shape_cast %sub3A_140 : vector<4096x1xi32> to vector<32x128xi32>
    %swap3A_142 = arith.constant 0 : index
    %swap3A_143 = arith.constant 0 : index
    %swap3A_144 = vector.load %arg3[%swap3A_142, %swap3A_143] : memref<32x128xi32, #tpu.memory_space<vmem>>, vector<32x128xi32>
    tpu.vector_store %arg3[%swap3A_142, %swap3A_143], %reshape3A_141 {strides = array<i32>} : memref<32x128xi32, #tpu.memory_space<vmem>>, vector<32x128xi32>,
    %concatenate3A_145 = tpu.concatenate %div3A_31, %sub3A_34 in 0 : vector<2048x1xf32>, vector<2048x1xf32> -> vector<4096x1xf32>
    %reshape3A_146 = vector.shape_cast %concatenate3A_145 : vector<4096x1xf32> to vector<32x128xf32>
    %swap3A_147 = arith.constant 0 : index
    %swap3A_148 = arith.constant 0 : index
    %swap3A_149 = vector.load %arg4[%swap3A_147, %swap3A_148] : memref<32x128xf32, #tpu.memory_space<vmem>>, vector<32x128xf32>
    tpu.vector_store %arg4[%swap3A_147, %swap3A_148], %reshape3A_146 {strides = array<i32>} : memref<32x128xf32, #tpu.memory_space<vmem>>, vector<32x128xf32>,
    %iota3A_150 = tpu.iota {dimensions = array<i32: 0>} : vector<24x8xi32>
    %convert_element_type3A_151 = arith.fptosi %sub3A_106 : vector<1x8xf32> to vector<1x8xi32>
    %ge3A_152 = vector.broadcast %convert_element_type3A_151 : vector<1x8xi32> to vector<24x8xi32>
    %ge3A_153 = arith.cmpi sge, %iota3A_150, %ge3A_152 : vector<24x8xi32>
    %jit3A_154 = arith.constant 1 : i32
    %jit3A_155 = arith.constant 0 : i32
    %broadcast_in_dim3A_156 = vector.broadcast %jit3A_154 : i32 to vector<24x8xi32>
    %broadcast_in_dim3A_157 = vector.broadcast %jit3A_155 : i32 to vector<24x8xi32>
    %select_n3A_158 = arith.select %ge3A_153, %broadcast_in_dim3A_156, %broadcast_in_dim3A_157 : vector<24x8xi1>, vector<24x8xi32>
    %reduce_sum3A_159 = arith.constant dense<0> : vector<24xi32>
    %reduce_sum3A_160 = vector.multi_reduction <add>, %select_n3A_158, %reduce_sum3A_159 [1] : vector<24x8xi32> to vector<24xi32>
    %broadcast_in_dim3A_161 = vector.shape_cast %reduce_sum3A_160 : vector<24xi32> to vector<24x1xi32>
    %sub3A_162 = arith.constant 1 : i32
    %sub3A_163 = vector.broadcast %sub3A_162 : i32 to vector<24x1xi32>
    %sub3A_164 = arith.subi %broadcast_in_dim3A_161, %sub3A_163 : vector<24x1xi32>
    %reduce_sum3A_165 = arith.constant dense<0.000000e+00> : vector<1xf32>
    %reduce_sum3A_166 = vector.multi_reduction <add>, %ceil3A, %reduce_sum3A_165 [1] : vector<1x8xf32> to vector<1xf32>
    %broadcast_in_dim3A_167 = vector.shape_cast %reduce_sum3A_166 : vector<1xf32> to vector<1x1xf32>
    %convert_element_type3A_168 = arith.fptosi %broadcast_in_dim3A_167 : vector<1x1xf32> to vector<1x1xi32>
    %iota3A_169 = tpu.iota {dimensions = array<i32: 0>} : vector<24x1xi32>
    %eq3A_170 = arith.constant 23 : i32
    %eq3A_171 = vector.broadcast %eq3A_170 : i32 to vector<24x1xi32>
    %eq3A_172 = arith.cmpi eq, %iota3A_169, %eq3A_171 : vector<24x1xi32>
    %broadcast_in_dim3A_173 = vector.shape_cast %convert_element_type3A_168 : vector<1x1xi32> to vector<1x1xi32>
    %broadcast_in_dim3A_174 = vector.broadcast %broadcast_in_dim3A_173 : vector<1x1xi32> to vector<24x1xi32>
    %select_n3A_175 = arith.select %eq3A_172, %broadcast_in_dim3A_174, %sub3A_164 : vector<24x1xi1>, vector<24x1xi32>
    %swap3A_176 = arith.constant 0 : index
    %swap3A_177 = arith.constant 0 : index
    %swap3A_178 = vector.load %arg5[%swap3A_176, %swap3A_177] : memref<24x1xi32, #tpu.memory_space<vmem>>, vector<24x1xi32>
    tpu.vector_store %arg5[%swap3A_176, %swap3A_177], %select_n3A_175 {strides = array<i32>} : memref<24x1xi32, #tpu.memory_space<vmem>>, vector<24x1xi32>,
    return
  }
}

module attributes {stable_mosaic.version = 14 : i64} {
  func.func @_gmm_body(%arg0: i32, %arg1: i32, %arg2: memref<24xi32, #tpu.memory_space<smem>>, %arg3: memref<256x768xf32, #tpu.memory_space<vmem>>, %arg4: memref<256x1xf32, #tpu.memory_space<vmem>>, %arg5: memref<1x768x768xf32, #tpu.memory_space<vmem>>, %arg6: memref<1x1x768xf32, #tpu.memory_space<vmem>>, %arg7: memref<1x768x768xf32, #tpu.memory_space<vmem>>, %arg8: memref<1x1x768xf32, #tpu.memory_space<vmem>>, %arg9: memref<1x768x768xf32, #tpu.memory_space<vmem>>, %arg10: memref<1x1x768xf32, #tpu.memory_space<vmem>>, %arg11: memref<5888x768xf32, #tpu.memory_space<vmem>>) attributes {dimension_semantics = [#tpu.dimension_semantics<arbitrary>, #tpu.dimension_semantics<arbitrary>], iteration_bounds = array<i64: 4, 23>, scalar_prefetch = 1 : i64, scratch_operands = 0 : i64, tpu.core_type = #tpu.core_type<tc>, window_params = [{transform_indices = @transform_0, window_bounds = array<i64: 256, 768>}, {transform_indices = @transform_1, window_bounds = array<i64: 256, 1>}, {transform_indices = @transform_2, window_bounds = array<i64: 1, 768, 768>}, {transform_indices = @transform_3, window_bounds = array<i64: 1, 1, 768>}, {transform_indices = @transform_4, window_bounds = array<i64: 1, 768, 768>}, {transform_indices = @transform_5, window_bounds = array<i64: 1, 1, 768>}, {transform_indices = @transform_6, window_bounds = array<i64: 1, 768, 768>}, {transform_indices = @transform_7, window_bounds = array<i64: 1, 1, 768>}, {pipeline_mode = #tpu.pipeline_mode<synchronous>, transform_indices = @transform_8, window_bounds = array<i64: 5888, 768>}]} {
    %get3A = arith.constant 23 : index
    %get3A_0 = memref.load %arg2[%get3A] : memref<24xi32, #tpu.memory_space<smem>>
    %lt3A = arith.cmpi slt, %arg1, %get3A_0 : i32
    %convert_element_type3A = arith.extui %lt3A : i1 to i32
    %cond3A = arith.constant 0 : i32
    %cond3A_1 = arith.cmpi ne, %convert_element_type3A, %cond3A : i32
    scf.if %cond3A_1 {
      %get3A_2 = arith.constant 0 : index
      %get3A_3 = arith.constant 0 : index
      %get3A_4 = vector.load %arg3[%get3A_2, %get3A_3] : memref<256x768xf32, #tpu.memory_space<vmem>>, vector<256x768xf32>
      %convert_element_type3A_5 = arith.truncf %get3A_4 : vector<256x768xf32> to vector<256x768xbf16>
      %get3A_6 = arith.constant 0 : index
      %get3A_7 = arith.constant 0 : index
      %get3A_8 = arith.constant 0 : index
      %get3A_9 = vector.load %arg5[%get3A_6, %get3A_7, %get3A_8] : memref<1x768x768xf32, #tpu.memory_space<vmem>>, vector<1x768x768xf32>
      %get3A_10 = vector.shape_cast %get3A_9 : vector<1x768x768xf32> to vector<768x768xf32>
      %convert_element_type3A_11 = arith.truncf %get3A_10 : vector<768x768xf32> to vector<768x768xbf16>
      %get3A_12 = arith.constant 0 : index
      %get3A_13 = arith.constant 0 : index
      %get3A_14 = arith.constant 0 : index
      %get3A_15 = vector.load %arg7[%get3A_12, %get3A_13, %get3A_14] : memref<1x768x768xf32, #tpu.memory_space<vmem>>, vector<1x768x768xf32>
      %get3A_16 = vector.shape_cast %get3A_15 : vector<1x768x768xf32> to vector<768x768xf32>
      %convert_element_type3A_17 = arith.truncf %get3A_16 : vector<768x768xf32> to vector<768x768xbf16>
      %get3A_18 = arith.constant 0 : index
      %get3A_19 = arith.constant 0 : index
      %get3A_20 = arith.constant 0 : index
      %get3A_21 = vector.load %arg9[%get3A_18, %get3A_19, %get3A_20] : memref<1x768x768xf32, #tpu.memory_space<vmem>>, vector<1x768x768xf32>
      %get3A_22 = vector.shape_cast %get3A_21 : vector<1x768x768xf32> to vector<768x768xf32>
      %convert_element_type3A_23 = arith.truncf %get3A_22 : vector<768x768xf32> to vector<768x768xbf16>
      %dot_general3A = arith.constant dense<0.000000e+00> : vector<256x768xf32>
      %dot_general3A_24 = tpu.matmul %convert_element_type3A_5, %convert_element_type3A_11, %dot_general3A {dimension_numbers = #tpu.dot_dimension_numbers<[1], [1], [0], [0], [0, 0, 1, 0], [], []>, transpose_lhs_hint = false} : vector<256x768xbf16>, vector<768x768xbf16>, vector<256x768xf32> -> vector<256x768xf32>
      %get3A_25 = arith.constant 0 : index
      %get3A_26 = arith.constant 0 : index
      %get3A_27 = arith.constant 0 : index
      %get3A_28 = vector.load %arg6[%get3A_25, %get3A_26, %get3A_27] : memref<1x1x768xf32, #tpu.memory_space<vmem>>, vector<1x1x768xf32>
      %get3A_29 = vector.shape_cast %get3A_28 : vector<1x1x768xf32> to vector<1x768xf32>
      %add3A = vector.broadcast %get3A_29 : vector<1x768xf32> to vector<256x768xf32>
      %add3A_30 = arith.addf %dot_general3A_24, %add3A : vector<256x768xf32>
      %dot_general3A_31 = arith.constant dense<0.000000e+00> : vector<256x768xf32>
      %dot_general3A_32 = tpu.matmul %convert_element_type3A_5, %convert_element_type3A_17, %dot_general3A_31 {dimension_numbers = #tpu.dot_dimension_numbers<[1], [1], [0], [0], [0, 0, 1, 0], [], []>, transpose_lhs_hint = false} : vector<256x768xbf16>, vector<768x768xbf16>, vector<256x768xf32> -> vector<256x768xf32>
      %get3A_33 = arith.constant 0 : index
      %get3A_34 = arith.constant 0 : index
      %get3A_35 = arith.constant 0 : index
      %get3A_36 = vector.load %arg8[%get3A_33, %get3A_34, %get3A_35] : memref<1x1x768xf32, #tpu.memory_space<vmem>>, vector<1x1x768xf32>
      %get3A_37 = vector.shape_cast %get3A_36 : vector<1x1x768xf32> to vector<1x768xf32>
      %add3A_38 = vector.broadcast %get3A_37 : vector<1x768xf32> to vector<256x768xf32>
      %add3A_39 = arith.addf %dot_general3A_32, %add3A_38 : vector<256x768xf32>
      %get3A_40 = arith.constant 0 : index
      %get3A_41 = arith.constant 0 : index
      %get3A_42 = vector.load %arg4[%get3A_40, %get3A_41] : memref<256x1xf32, #tpu.memory_space<vmem>>, vector<256x1xf32>
      %logistic3A = arith.negf %add3A_30 : vector<256x768xf32>
      %logistic3A_43 = math.exp %logistic3A : vector<256x768xf32>
      %logistic3A_44 = arith.constant 1.000000e+00 : f32
      %logistic3A_45 = vector.broadcast %logistic3A_44 : f32 to vector<256x768xf32>
      %logistic3A_46 = arith.addf %logistic3A_45, %logistic3A_43 : vector<256x768xf32>
      %logistic3A_47 = arith.divf %logistic3A_45, %logistic3A_46 : vector<256x768xf32>
      %mul3A = arith.mulf %add3A_30, %logistic3A_47 : vector<256x768xf32>
      %mul3A_48 = arith.mulf %mul3A, %add3A_39 : vector<256x768xf32>
      %mul3A_49 = vector.broadcast %get3A_42 : vector<256x1xf32> to vector<256x768xf32>
      %mul3A_50 = arith.mulf %mul3A_48, %mul3A_49 : vector<256x768xf32>
      %convert_element_type3A_51 = arith.truncf %mul3A_50 : vector<256x768xf32> to vector<256x768xbf16>
      %dot_general3A_52 = arith.constant dense<0.000000e+00> : vector<256x768xf32>
      %dot_general3A_53 = tpu.matmul %convert_element_type3A_51, %convert_element_type3A_23, %dot_general3A_52 {dimension_numbers = #tpu.dot_dimension_numbers<[1], [1], [0], [0], [0, 0, 1, 0], [], []>, transpose_lhs_hint = false} : vector<256x768xbf16>, vector<768x768xbf16>, vector<256x768xf32> -> vector<256x768xf32>
      %mul3A_54 = arith.constant 256 : i32
      %mul3A_55 = arith.muli %arg1, %mul3A_54 : i32
      %eq3A = arith.constant 0 : i32
      %eq3A_56 = arith.cmpi eq, %arg0, %eq3A : i32
      %convert_element_type3A_57 = arith.extui %eq3A_56 : i1 to i32
      %cond3A_58 = arith.constant 0 : i32
      %cond3A_59 = arith.cmpi ne, %convert_element_type3A_57, %cond3A_58 : i32
      scf.if %cond3A_59 {
        %get3A_64 = arith.constant 0 : index
        %get3A_65 = arith.constant 0 : index
        %get3A_66 = arith.constant 0 : index
        %get3A_67 = vector.load %arg10[%get3A_64, %get3A_65, %get3A_66] : memref<1x1x768xf32, #tpu.memory_space<vmem>>, vector<1x1x768xf32>
        %get3A_68 = vector.shape_cast %get3A_67 : vector<1x1x768xf32> to vector<1x768xf32>
        %mul3A_69 = vector.broadcast %get3A_42 : vector<256x1xf32> to vector<256x768xf32>
        %mul3A_70 = vector.broadcast %get3A_68 : vector<1x768xf32> to vector<256x768xf32>
        %mul3A_71 = arith.mulf %mul3A_69, %mul3A_70 : vector<256x768xf32>
        %add3A_72 = arith.addf %dot_general3A_53, %mul3A_71 : vector<256x768xf32>
        %swap3A = arith.index_cast %mul3A_55 : i32 to index
        %swap3A_73 = arith.constant 0 : index
        %swap3A_74 = vector.load %arg11[%swap3A, %swap3A_73] : memref<5888x768xf32, #tpu.memory_space<vmem>>, vector<256x768xf32>
        tpu.vector_store %arg11[%swap3A, %swap3A_73], %add3A_72 {strides = array<i32>} : memref<5888x768xf32, #tpu.memory_space<vmem>>, vector<256x768xf32>,
      } else {
      }
      %ne3A = arith.constant 0 : i32
      %ne3A_60 = arith.cmpi ne, %arg0, %ne3A : i32
      %convert_element_type3A_61 = arith.extui %ne3A_60 : i1 to i32
      %cond3A_62 = arith.constant 0 : i32
      %cond3A_63 = arith.cmpi ne, %convert_element_type3A_61, %cond3A_62 : i32
      scf.if %cond3A_63 {
        %get3A_64 = arith.index_cast %mul3A_55 : i32 to index
        %get3A_65 = arith.constant 0 : index
        %get3A_66 = vector.load %arg11[%get3A_64, %get3A_65] : memref<5888x768xf32, #tpu.memory_space<vmem>>, vector<256x768xf32>
        %add3A_67 = arith.addf %get3A_66, %dot_general3A_53 : vector<256x768xf32>
        %swap3A = arith.index_cast %mul3A_55 : i32 to index
        %swap3A_68 = arith.constant 0 : index
        %swap3A_69 = vector.load %arg11[%swap3A, %swap3A_68] : memref<5888x768xf32, #tpu.memory_space<vmem>>, vector<256x768xf32>
        tpu.vector_store %arg11[%swap3A, %swap3A_68], %add3A_67 {strides = array<i32>} : memref<5888x768xf32, #tpu.memory_space<vmem>>, vector<256x768xf32>,
      } else {
      }
    } else {
    }
    return
  }
  func.func @transform_0(%arg0: i32, %arg1: i32, %arg2: memref<24xi32, #tpu.memory_space<smem>>) -> (i32, i32) {
    %c0_i32 = arith.constant 0 : i32
    %c0_i32_0 = arith.constant 0 : i32
    return %arg1, %c0_i32 : i32, i32
  }
  func.func @transform_1(%arg0: i32, %arg1: i32, %arg2: memref<24xi32, #tpu.memory_space<smem>>) -> (i32, i32) {
    %c0_i32 = arith.constant 0 : i32
    %c0_i32_0 = arith.constant 0 : i32
    return %arg1, %c0_i32 : i32, i32
  }
  func.func @transform_2(%arg0: i32, %arg1: i32, %arg2: memref<24xi32, #tpu.memory_space<smem>>) -> (i32, i32, i32) {
    %get3A = arith.index_cast %arg1 : i32 to index
    %get3A_0 = memref.load %arg2[%get3A] : memref<24xi32, #tpu.memory_space<smem>>
    %c0_i32 = arith.constant 0 : i32
    %c0_i32_1 = arith.constant 0 : i32
    return %get3A_0, %arg0, %c0_i32 : i32, i32, i32
  }
  func.func @transform_3(%arg0: i32, %arg1: i32, %arg2: memref<24xi32, #tpu.memory_space<smem>>) -> (i32, i32, i32) {
    %get3A = arith.index_cast %arg1 : i32 to index
    %get3A_0 = memref.load %arg2[%get3A] : memref<24xi32, #tpu.memory_space<smem>>
    %c0_i32 = arith.constant 0 : i32
    %c0_i32_1 = arith.constant 0 : i32
    return %get3A_0, %c0_i32, %arg0 : i32, i32, i32
  }
  func.func @transform_4(%arg0: i32, %arg1: i32, %arg2: memref<24xi32, #tpu.memory_space<smem>>) -> (i32, i32, i32) {
    %get3A = arith.index_cast %arg1 : i32 to index
    %get3A_0 = memref.load %arg2[%get3A] : memref<24xi32, #tpu.memory_space<smem>>
    %c0_i32 = arith.constant 0 : i32
    %c0_i32_1 = arith.constant 0 : i32
    return %get3A_0, %arg0, %c0_i32 : i32, i32, i32
  }
  func.func @transform_5(%arg0: i32, %arg1: i32, %arg2: memref<24xi32, #tpu.memory_space<smem>>) -> (i32, i32, i32) {
    %get3A = arith.index_cast %arg1 : i32 to index
    %get3A_0 = memref.load %arg2[%get3A] : memref<24xi32, #tpu.memory_space<smem>>
    %c0_i32 = arith.constant 0 : i32
    %c0_i32_1 = arith.constant 0 : i32
    return %get3A_0, %c0_i32, %arg0 : i32, i32, i32
  }
  func.func @transform_6(%arg0: i32, %arg1: i32, %arg2: memref<24xi32, #tpu.memory_space<smem>>) -> (i32, i32, i32) {
    %get3A = arith.index_cast %arg1 : i32 to index
    %get3A_0 = memref.load %arg2[%get3A] : memref<24xi32, #tpu.memory_space<smem>>
    %c0_i32 = arith.constant 0 : i32
    %c0_i32_1 = arith.constant 0 : i32
    return %get3A_0, %c0_i32, %arg0 : i32, i32, i32
  }
  func.func @transform_7(%arg0: i32, %arg1: i32, %arg2: memref<24xi32, #tpu.memory_space<smem>>) -> (i32, i32, i32) {
    %get3A = arith.index_cast %arg1 : i32 to index
    %get3A_0 = memref.load %arg2[%get3A] : memref<24xi32, #tpu.memory_space<smem>>
    %c0_i32 = arith.constant 0 : i32
    %c0_i32_1 = arith.constant 0 : i32
    %c0_i32_2 = arith.constant 0 : i32
    return %get3A_0, %c0_i32, %c0_i32_1 : i32, i32, i32
  }
  func.func @transform_8(%arg0: i32, %arg1: i32, %arg2: memref<24xi32, #tpu.memory_space<smem>>) -> (i32, i32) {
    %c0_i32 = arith.constant 0 : i32
    %c0_i32_0 = arith.constant 0 : i32
    %c0_i32_1 = arith.constant 0 : i32
    return %c0_i32, %c0_i32_0 : i32, i32
  }
}

</mosaic_0001>

<sc_bundles>
// kernel: kernel.6.cloned.1.call-start
scs
__scs_entry_jumppad:
0x0: {  	(pc) =	sbr.rel $0x88, $3  }
0x1: {  	(tag) =	ssettag $0x0;
	lr =	simm.s32 $0x1  }
0x2: {  	[smem:$0x3F99] =	sst lr;
	_ =	strace $0xD0000000  }
0x3: {  	_ = 	snop  }
0x4: {  	_ = 	snop  }
0x5: {  	_ = 	snop  }
0x6: {  	_ = 	snop  }
0x7: {  	_ = 	snop  }
__scs_overlays_trampoline_lowered:
0x8: {  	[smem:$0x3FA8] =	sst s0  }
0x9: {  	[smem:$0x3FA9] =	sst s1  }
0xa: {  	[smem:$0x3FAA] =	sst s2  }
0xb: {  	[smem:$0x3FAB] =	sst s3  }
0xc: {  	[smem:$0x3FAC] =	sst s4  }
0xd: {  	[smem:$0x3FAD] =	sst s5  }
0xe: {  	[smem:$0x3FAE] =	sst s6  }
0xf: {  	[smem:$0x3FAF] =	sst s7  }
0x10: {  	[smem:$0x3FB0] =	sst s8  }
0x11: {  	[smem:$0x3FB1] =	sst s9;
	s0 =	simm.s32 @!p0 $0x0  }
0x12: {  	s1 =	sld [smem:$0x3F97];
	s0 =	simm.s32 @p0 $0x1  }
0x13: {  	[smem:$0x3FB2] =	sst s0;
	s0 =	simm.s32 @!p1 $0x0  }
0x14: {  	s2 =	sld [smem:$0x3F96];
	s0 =	simm.s32 @p1 $0x1  }
0x15: {  	[smem:$0x3FB3] =	sst s0;
	s0 =	simm.s32 @!p2 $0x0  }
0x16: {  	s3 =	sld [smem:$0x3FDB];
	s0 =	simm.s32 @p2 $0x1  }
0x17: {  	s4 =	simm.s32 $0x1BF5;
	[smem:$0x3FB5] =	sst s0  }
0x18: {  	s0 =	sld [smem:$0x3F98];
	_ =	swait.ge [sflag:s4], $0x0  }
0x19: {  	s7 =	sld [smem:$0x3F99]  }
0x1a: {  	s8 =	sadd.s32 $0xFFFFE003, lr  }
0x1b: {  	s9 =	sadd.s32 $0xFFFFFEF7, lr;
	s5 =	simm.s32 $0xFFFFFFFF;
	p2 =	slt.u32 s8, $0xFFFFF086  }
0x1c: {  	p1 =	slt.u32 s9, $0xF7A;
	s5 =	simm.s32 @!p2 $0x0  }
0x1d: {  	s5 =	simm.s32 @p1 $0x1;
	p0 =	seq.s32 s7, s2  }
0x1e: {  	s7 =	smul.u32 @!p0 $0xF7A, s2;
	p2 =	seq.s32 @!p0 s5, $0x0  }
0x1f: {  	s9 =	smul.u32 $0xF7A, s1;
	s8 =	simm.s32 @!p0 $0x1BF5;
	p2 =	por !p2, p0  }
0x20: {  	[sflag:s8] =	ssyncset.s32 @!p0 $0xFFFFF086;
	s6 =	sadd.s32 @!p0 s3, s7;
	s7 =	simm.s32 @!p0 $0x108  }
0x21: {  	s3 =	sadd.s32 s3, s9;
	s6 =	sadd.s32 @!p0 $0x88, s6;
	s7 =	simm.s32 @p2 $0x1082  }
0x22: {  	[simem:s7], [sflag:s8] =	dma.local @!p0 [hbm:s6], $0xF7A  }
0x23: {  	s9 =	sor.u32 $0xD0000000, s2;
	s6 =	simm.s32 $0x108;
	_ =	swait.ge @!p0 [sflag:s8], $0x0  }
0x24: {  	s3 =	sadd.s32 $0x88, s3;
	s6 =	simm.s32 @!p1 $0x1082;
	[sflag:s4] =	ssyncset.s32 $0xFFFFF086  }
0x25: {  	[simem:s6], [sflag:s4] =	dma.local [hbm:s3], $0xF7A  }
0x26: {  	[smem:$0x3F99] =	sst s1;
	(tag) =	ssettag s2;
	_ =	strace s9  }
0x27: {  	s1 =	sld [smem:$0x3FA9]  }
0x28: {  	s2 =	sld [smem:$0x3FAA]  }
0x29: {  	s4 =	sld [smem:$0x3FAC]  }
0x2a: {  	p0 =	seq.s32 s5, $0x0;
	s5 =	sld [smem:$0x3FAD]  }
0x2b: {  	s6 =	sld [smem:$0x3FAE]  }
0x2c: {  	s7 =	sld [smem:$0x3FAF]  }
0x2d: {  	s3 =	simm.s32 $0x108;
	s8 =	sld [smem:$0x3FB0]  }
0x2e: {  	s3 =	simm.s32 @!p0 $0x1082;
	s9 =	sld [smem:$0x3FB1]  }
0x2f: {  	lr =	sadd.s32 s0, s3;
	s0 =	sld [smem:$0x3FA8]  }
0x30: {  	s3 =	sld [smem:$0x3FAB]  }
0x31: {  	[smem:$0x3FB4] =	sst s10  }
0x32: {  	s10 =	sld [smem:$0x3FB2];
	_ =	sdelay $0x3  }
0x33: {  	p0 =	seq.s32 s10, $0x1;
	s10 =	sld [smem:$0x3FB4];
	_ =	sdelay $0x3  }
0x34: {  	[smem:$0x3FB4] =	sst s10  }
0x35: {  	s10 =	sld [smem:$0x3FB3];
	_ =	sdelay $0x3  }
0x36: {  	p1 =	seq.s32 s10, $0x1;
	s10 =	sld [smem:$0x3FB4];
	_ =	sdelay $0x3  }
0x37: {  	[smem:$0x3FB4] =	sst s10  }
0x38: {  	s10 =	sld [smem:$0x3FB5]  }
0x39: {  	_ = 	snop;
	(pc) =	sbr.ind lr, $3  }
0x3a: {  	_ = 	snop  }
0x3b: {  	_ = 	snop  }
0x3c: {  	p2 =	seq.s32 s10, $0x1;
	s10 =	sld [smem:$0x3FB4]  }
0x3d: {  	_ =	shalt  }
0x3e: {  	_ =	shalt  }
0x3f: {  	_ =	shalt  }
0x40: {  	_ =	shalt  }
0x41: {  	_ =	shalt  }
0x42: {  	_ =	shalt  }
0x43: {  	_ =	shalt  }
0x44: {  	_ =	shalt  }
0x45: {  	_ =	shalt  }
0x46: {  	_ =	shalt  }
0x47: {  	_ =	shalt  }
0x48: {  	_ =	shalt  }
0x49: {  	_ =	shalt  }
0x4a: {  	_ =	shalt  }
0x4b: {  	_ =	shalt  }
0x4c: {  	_ =	shalt  }
0x4d: {  	_ =	shalt  }
0x4e: {  	_ =	shalt  }
0x4f: {  	_ =	shalt  }
0x50: {  	_ =	shalt  }
0x51: {  	_ =	shalt  }
0x52: {  	_ =	shalt  }
0x53: {  	_ =	shalt  }
0x54: {  	_ =	shalt  }
0x55: {  	_ =	shalt  }
0x56: {  	_ =	shalt  }
0x57: {  	_ =	shalt  }
0x58: {  	_ =	shalt  }
0x59: {  	_ =	shalt  }
0x5a: {  	_ =	shalt  }
0x5b: {  	_ =	shalt  }
0x5c: {  	_ =	shalt  }
0x5d: {  	_ =	shalt  }
0x5e: {  	_ =	shalt  }
0x5f: {  	_ =	shalt  }
0x60: {  	_ =	shalt  }
0x61: {  	_ =	shalt  }
0x62: {  	_ =	shalt  }
0x63: {  	_ =	shalt  }
0x64: {  	_ =	shalt  }
0x65: {  	_ =	shalt  }
0x66: {  	_ =	shalt  }
0x67: {  	_ =	shalt  }
0x68: {  	_ =	shalt  }
0x69: {  	_ =	shalt  }
0x6a: {  	_ =	shalt  }
0x6b: {  	_ =	shalt  }
0x6c: {  	_ =	shalt  }
0x6d: {  	_ =	shalt  }
0x6e: {  	_ =	shalt  }
0x6f: {  	_ =	shalt  }
0x70: {  	_ =	shalt  }
0x71: {  	_ =	shalt  }
0x72: {  	_ =	shalt  }
0x73: {  	_ =	shalt  }
0x74: {  	_ =	shalt  }
0x75: {  	_ =	shalt  }
0x76: {  	_ =	shalt  }
0x77: {  	_ =	shalt  }
0x78: {  	_ =	shalt  }
0x79: {  	_ =	shalt  }
0x7a: {  	_ =	shalt  }
0x7b: {  	_ =	shalt  }
0x7c: {  	_ =	shalt  }
0x7d: {  	_ =	shalt  }
0x7e: {  	_ =	shalt  }
0x7f: {  	_ =	shalt  }
0x80: {  	_ =	shalt  }
0x81: {  	_ =	shalt  }
0x82: {  	_ =	shalt  }
0x83: {  	_ =	shalt  }
0x84: {  	_ =	shalt  }
0x85: {  	_ =	shalt  }
0x86: {  	_ =	shalt  }
0x87: {  	_ =	shalt  }
.Lfunc_end0:
.L_simem_size_0:
called_computation_lowered:
.L_overlay_start_0:
0x88: {  	s2 =	sld [smem:$0x3FD9]  }
0x89: {  	s3 =	sld [smem:$0x3FFE];
	_ =	sdelay $0x1  }
0x8a: {  	s1 =	srdreg.scid  }
0x8b: {  	s0 =	sand.u32 $0x1, s1  }
0x8c: {  	s14 =	sshll.u32 s0, $0xA;
	s2 =	sadd.s32 s3, s2  }
0x8d: {  	s2 =	sadd.s32 s2, s14  }
0x8e: {  	[smem:$0x3FC0] =	sst s2  }
0x8f: {  	_ = 	snop  }
0x90: {  	s2 =	sld [smem:$0x3FD0];
	_ =	sdelay $0x2  }
0x91: {  	s4 =	simm.s32 $0xA;
	s5 =	simm.s32 $0x10;
	s15 =	sld [smem:$0x3FC9]  }
0x92: {  	[smem:s5], [sflag:s4] =	dma.local [hbm:s2], $0x1  }
0x93: {  	_ =	swait.eq [sflag:s4], $0x1  }
0x94: {  	[sflag:s4] =	ssyncset.done $0x0  }
0x95: {  	[sflag:s4] =	ssyncadd.s32 $0xFFFFFFFF  }
0x96: {  	s16 =	sld [smem:$0x10];
	(tm) =	ssettm $0x1  }
0x97: {  	s17 =	sld [smem:$0x3FFB];
	_ =	sdelay $0x3  }
0x98: {  	_ =	strace s17  }
0x99: {  	s4 =	sld [smem:$0x3FFC];
	_ =	sdelay $0x3  }
0x9a: {  	_ =	strace s4  }
0x9b: {  	s4 =	sld [smem:$0x3FFD];
	_ =	sdelay $0x3  }
0x9c: {  	_ =	strace s4  }
0x9d: {  	_ =	strace $0x8FFFFFFF  }
0x9e: {  	s18 =	sld [smem:$0x3FDB];
	_ =	sdelay $0x1  }
0x9f: {  	s19 =	simm.s32 $_scs_section_size  }
0xa0: {  	s6 =	simm.s32 $_size__tile_overlayer_lowered;
	s7 =	simm.s32 $_tile_overlayer_lowered  }
0xa1: {  	s22 =	simm.s32 $0x1BFF;
	s21 =	sshll.u32 s7, $0x1;
	s4 =	sadd.s32 s19, s18  }
0xa2: {  	s8 =	simm.s32 $0x0;
	s20 =	sshll.u32 s6, $0x1;
	s6 =	sadd.s32 s21, s4  }
0xa3: {  	[timem:s8], [sflag:s22] =	dma.local [hbm:s6], s20  }
0xa4: {  	_ =	swait.ge [sflag:s22], s20  }
0xa5: {  	s5 =	ssub.s32 $0x0, s20;
	[sflag:s22] =	ssyncset.done $0x0  }
0xa6: {  	[sflag:s22] =	ssyncadd.s32 s5;
	_ =	sdelay $0x1  }
0xa7: {  	s23 =	simm.s32 $0x1B8B  }
0xa8: {  	_ =	swait.ge [sflag:s23], $0x1  }
0xa9: {  	[sflag:s23] =	ssyncset.done $0x0  }
0xaa: {  	s25 =	simm.s32 $0x1B8E;
	s24 =	sld [smem:$0x3FFE];
	[sflag:s23] =	ssyncadd.s32 $0xFFFFFFFF  }
0xab: {  	s26 =	simm.s32 $execute0_lowered;
	[smem:$0x3FD2] =	sst s25  }
0xac: {  	s6 =	sshll.u32 s26, $0x1;
	_ =	strace $0x80000046;
	[dreg:$0x1] =	wrdreg $0xFFFFFFFF  }
0xad: {  	s28 =	simm.s32 $_size_execute0_lowered;
	s4 =	sadd.s32 s4, s6;
	[dreg:$0x0] =	wrdreg $0x0  }
0xae: {  	s6 =	sshll.u32 s28, $0x1;
	[dreg:$0x2] =	wrdreg s4  }
0xaf: {  	[dreg:$0x3] =	wrdreg s6  }
0xb0: {  	[dreg:$0x4] =	wrdreg $0xC0  }
0xb1: {  	_ =	task [dreg:s8], $0x5FFFF  }
0xb2: {  	[dreg:$0x1] =	wrdreg $0xFFFFFFFF  }
0xb3: {  	[dreg:$0x0] =	wrdreg $0x60  }
0xb4: {  	[dreg:$0x2] =	wrdreg s24  }
0xb5: {  	[dreg:$0x3] =	wrdreg s16  }
0xb6: {  	[dreg:$0x4] =	wrdreg s15  }
0xb7: {  	[dreg:$0x5] =	wrdreg $0x184800  }
0xb8: {  	[dreg:$0x6] =	wrdreg $0x185F00  }
0xb9: {  	[dreg:$0x7] =	wrdreg $0x9  }
0xba: {  	_ =	task.clear_ibuf [dreg:s8], $0x8FFFF;
	_ =	strace $0x90000046  }
0xbb: {  	s29 =	simm.s32 $0x9;
	_ =	strace $0x80000048  }
0xbc: {  	_ =	swait.ge [sflag:s29], $0x1  }
0xbd: {  	[sflag:s29] =	ssyncadd.s32 $0xFFFFFFFF  }
0xbe: {  	_ =	strace $0x90000048  }
0xbf: {  	_ =	sfence  }
0xc0: {  	s30 =	sld [smem:$0x0];
	_ =	sdelay $0x2  }
0xc1: {  	s31 =	sshll.u32 s1, $0xD;
	s1 =	sshrl.u32 s1, $0x2  }
0xc2: {  	s3 =	sand.u32 $0x4000, s31;
	s1 =	sadd.s32 s1, s30  }
0xc3: {  	s0 =	sor.u32 s3, s0;
	s1 =	sshll.u32 s1, $0x11  }
0xc4: {  	s0 =	sor.u32 s1, s0  }
0xc5: {  	s0 =	sadd.s32 $0x8F2B, s0  }
0xc6: {  	[sflag:s0] =	ssyncadd.remote.s32 $0x1  }
0xc7: {  	_ =	sfence.sel $0xFFFF  }
0xc8: {  	[dreg:$0x0] =	wrdreg $0xFFFFFFFF;
	(pc) =	sbr.abs _section_cstart, $3  }
0xc9: {  	[dreg:$0x1] =	wrdreg $0xFFFFFFFF  }
0xca: {  	_ =	task.clear_ibuf [dreg:s8], $0x2FFFF;
	_ =	strace $0x9FFFFFFF  }
0xcb: {  	(tm) =	ssettm $0x7FFFFFFF  }
tec
execute0_lowered:
.L_overlay_start_1:
0x0: {  	(tag) =	ssettag $0x1  }
0x1: {  	s2 =	rddreg [dreg:$0x0]  }
0x2: {  	s0 =	rddreg [dreg:$0x1]  }
0x3: {  	s1 =	rddreg [dreg:$0x2]  }
0x4: {  	s10 =	rddreg [dreg:$0x3]  }
0x5: {  	s3 =	rddreg [dreg:$0x4]  }
0x6: {  	s4 =	simm.s32 $0x0;
	[dreg:$0x6] =	wrdreg s0  }
0x7: {  	[smem:$0x7FF] =	sst s4;
	s5 =	sadd.s32 $0x2200, s2  }
0x8: {  	s22 =	sadd.s32 $0x2600, s2;
	_ =	strace $0x80000047;
	[dreg:$0x7] =	wrdreg s5  }
0x9: {  	s15 =	simm.s32 $0x180;
	[dreg:$0x8] =	wrdreg s22  }
0xa: {  	s11 =	stileid.u32;
	s16 =	simm.s32 $0x280;
	[dreg:$0x14] =	wrdreg s15  }
0xb: {  	s21 =	srdreg.scid;
	s17 =	simm.s32 $0x300;
	[dreg:$0x15] =	wrdreg s16  }
0xc: {  	s18 =	simm.s32 $0x380;
	s19 =	simm.s32 $0x400;
	[dreg:$0x16] =	wrdreg s17  }
0xd: {  	s20 =	sshll.u32 s11, $0x5;
	s7 =	sand.u32 $0x1, s21;
	[dreg:$0x17] =	wrdreg s18  }
0xe: {  	s23 =	sshll.u32 s11, $0x1;
	s21 =	simm.s32 $0xB480;
	[dreg:$0x18] =	wrdreg s19  }
0xf: {  	p0 =	sne.s32 s11, $0x0;
	s11 =	simm.s32 $0x10480;
	[dreg:$0x1a] =	wrdreg s21  }
0x10: {  	s6 =	sadd.s32 s20, s2;
	s20 =	simm.s32 $0xAC80;
	[smem:$0x7EE] =	sst s11  }
0x11: {  	s22 =	simm.s32 $0xBC80;
	[dreg:$0x19] =	wrdreg s20  }
0x12: {  	s0 =	sor.u32 s7, s23;
	s23 =	simm.s32 $0xCC80;
	[dreg:$0x1b] =	wrdreg s22  }
0x13: {  	s28 =	simm.s32 $0x5C80;
	s15 =	simm.s32 $0x12480;
	[dreg:$0x1c] =	wrdreg s23  }
0x14: {  	s29 =	simm.s32 $0x6480;
	s16 =	simm.s32 $0x12C80;
	[smem:$0x7F2] =	sst s15  }
0x15: {  	s30 =	simm.s32 $0x6C80;
	s17 =	simm.s32 $0x13480;
	[smem:$0x7F3] =	sst s16  }
0x16: {  	s31 =	simm.s32 $0x7480;
	s18 =	simm.s32 $0x13C80;
	[smem:$0x7F4] =	sst s17  }
0x17: {  	s2 =	sadd.s32 $0x2A00, s2;
	s19 =	simm.s32 $0x14480;
	[smem:$0x7F5] =	sst s18  }
0x18: {  	s21 =	simm.s32 $0x15480;
	s11 =	simm.s32 $0x9480;
	[smem:$0x7F6] =	sst s19  }
0x19: {  	s24 =	sadd.s32 $0x2000, s6;
	s25 =	sadd.s32 $0x1C00, s6;
	[smem:$0x7F8] =	sst s21  }
0x1a: {  	s8 =	smul.u32 $0xB8, s0;
	s26 =	sadd.s32 $0x1E00, s6;
	[dreg:$0x9] =	wrdreg s24  }
0x1b: {  	p1 =	sne.s32 s0, $0x0;
	s20 =	simm.s32 $0x14C80;
	[dreg:$0xa] =	wrdreg s25  }
0x1c: {  	s22 =	simm.s32 $0x15C80;
	s23 =	simm.s32 $0x16480;
	[dreg:$0xb] =	wrdreg s26  }
0x1d: {  	s19 =	simm.s32 $0x1C80;
	s21 =	simm.s32 $0x2C80;
	[smem:$0x7F7] =	sst s20  }
0x1e: {  	s24 =	simm.s32 $0xD480;
	s25 =	ssub.s32 $0x2, s7;
	[smem:$0x7F9] =	sst s22  }
0x1f: {  	s26 =	simm.s32 $0xDC80;
	s7 =	simm.s32 $0xE480;
	[smem:$0x7FA] =	sst s23  }
0x20: {  	s20 =	simm.s32 $0x2480;
	s22 =	simm.s32 $0x3480;
	[dreg:$0x1d] =	wrdreg s24  }
0x21: {  	s23 =	simm.s32 $0x3C80;
	s6 =	sadd.s32 s8, s10;
	[dreg:$0x1e] =	wrdreg s26  }
0x22: {  	s9 =	sadd.s32 $0x40, s8;
	s13 =	sshrl.u32 s8, $0x3;
	[dreg:$0x1f] =	wrdreg s7  }
0x23: {  	s8 =	sadd.s32 $0x80, s8;
	s24 =	simm.s32 $0x16C80;
	[dreg:$0xc] =	wrdreg s6  }
0x24: {  	s7 =	sadd.s32 $0x200, s1;
	s26 =	simm.s32 $0x17C80;
	[smem:$0x7FB] =	sst s24  }
0x25: {  	s12 =	sadd.s32 s9, s10;
	s5 =	smul.u32 $0x300, s13;
	[smem:$0x7FD] =	sst s26  }
0x26: {  	s6 =	sshrl.u32 s9, $0x3;
	s9 =	sadd.s32 s8, s10;
	[dreg:$0xd] =	wrdreg s12  }
0x27: {  	s8 =	sshrl.u32 s8, $0x3;
	s13 =	simm.s32 $0x11480;
	[dreg:$0xe] =	wrdreg s9  }
0x28: {  	s24 =	simm.s32 $0x4480;
	s9 =	simm.s32 $0xF480;
	[smem:$0x7F0] =	sst s13  }
0x29: {  	s6 =	smul.u32 $0x300, s6;
	s12 =	simm.s32 $0x10C80;
	[smem:$0x7EC] =	sst s9  }
0x2a: {  	s8 =	smul.u32 $0x300, s8;
	s5 =	sadd.s32 s2, s5;
	[smem:$0x7EF] =	sst s12  }
0x2b: {  	s26 =	simm.s32 $0x5480;
	[dreg:$0xf] =	wrdreg s5;
	s14 =	sadd.s32 s2, s6  }
0x2c: {  	s13 =	simm.s32 $0x480;
	s2 =	sadd.s32 s2, s8;
	[dreg:$0x10] =	wrdreg s14  }
0x2d: {  	s9 =	simm.s32 $0x3;
	s8 =	simm.s32 $0xEC80;
	[dreg:$0x11] =	wrdreg s2  }
0x2e: {  	s12 =	simm.s32 $0xC480;
	s2 =	sshrl.u32 @!p0 s10, $0x3;
	[smem:$0x7EB] =	sst s8  }
0x2f: {  	s6 =	sadd.s32 $0x100, s1;
	s10 =	simm.s32 $0xFC80;
	[dreg:$0x12] =	wrdreg s2  }
0x30: {  	s14 =	simm.s32 $0x11C80;
	s2 =	sshrl.u32 @!p0 s3, $0x3;
	[smem:$0x7ED] =	sst s10  }
0x31: {  	s3 =	sshrl.u32 s25, $0x1;
	[smem:$0x7F1] =	sst s14;
	s10 =	simm.s32 $0x1  }
0x32: {  	v2 =	vlaneseq.u32;
	s14 =	simm.s32 $0xA480;
	[dreg:$0x13] =	wrdreg s2;
	s5 =	ssub.s32 s25, s3  }
0x33: {  	vm0 =	vmmov $0xffff;
	v1 =	vshrl.u32 v2, $0x3;
	s25 =	simm.s32 $0x17480;
	s3 =	simm.s32 $0x9C80;
	s8 =	smax.u32 s5, $0x1  }
0x34: {  	v0 =	vand.u32 $0x7, v2;
	v2 =	vor.u32 $0x8, v2;
	v1 =	vmul.u32 $0x8, v1;
	[smem:$0x7FC] =	sst s25;
	s25 =	simm.s32 $0x4C80;
	s5 =	simm.s32 $0x8480  }
.LBB2_1:
0x35: {  	s15 =	rddreg [dreg:$0x6]  }
0x36: {  	s16 =	rddreg [dreg:$0x12];
	s17 =	simm.s32 @!p0 $0x1C03  }
0x37: {  	[spmem:s16], [sflag:s17] =	dma.local @!p0 [hbm:s15], $0x2E0  }
0x38: {  	s15 =	simm.s32 @!p0 $0x3  }
0x39: {  	_ =	swait.ge @!p0 [sflag:s15], $0x2E0  }
0x3a: {  	s16 =	rddreg [dreg:$0x7];
	[sflag:s15] =	ssyncset.done @!p0 $0x0  }
0x3b: {  	s18 =	rddreg [dreg:$0x13];
	[sflag:s15] =	ssyncadd.s32 @!p0 $0xFFFFFD20  }
0x3c: {  	[spmem:s18], [sflag:s17] =	dma.local @!p0 [hbm:s16], $0x2E0  }
0x3d: {  	_ =	swait.ge @!p0 [sflag:s15], $0x2E0  }
0x3e: {  	[sflag:s15] =	ssyncset.done @!p0 $0x0  }
0x3f: {  	[sflag:s15] =	ssyncadd.s32 @!p0 $0xFFFFFD20  }
0x40: {  	[bflag:$0x0] =	sbarrier.arrive $0xFFFF  }
0x41: {  	s17 =	rddreg [dreg:$0x9]  }
0x42: {  	[tilespmem:s4], [sflag:$0x3] =	stream.linear.gather [hbm4b:s17+s4], $0x100, $0x38;
	[tilespmem:$0x18760] =	vst v63  }
0x43: {  	_ =	swait.ge [sflag:s9], $0x100  }
0x44: {  	[sflag:s9] =	ssyncset.done $0x0  }
0x45: {  	s0 =	simm.s32 $0x100;
	s18 =	rddreg [dreg:$0xa];
	[sflag:s9] =	ssyncadd.s32 $0xFFFFFF00  }
0x46: {  	[tilespmem:s0], [sflag:$0x3] =	stream.linear.gather [hbm4b:s18+s4], $0x100, $0x38;
	[tilespmem:$0x18760] =	vst v63  }
0x47: {  	_ =	swait.ge [sflag:s9], $0x100  }
0x48: {  	[sflag:s9] =	ssyncset.done $0x0  }
0x49: {  	s16 =	simm.s32 $0x200;
	s2 =	rddreg [dreg:$0xb];
	[sflag:s9] =	ssyncadd.s32 $0xFFFFFF00  }
0x4a: {  	[tilespmem:s16], [sflag:$0x3] =	stream.linear.gather [hbm4b:s2+s4], $0x100, $0x38;
	[tilespmem:$0x18760] =	vst v63  }
0x4b: {  	_ =	swait.ge [sflag:s9], $0x100  }
0x4c: {  	[sflag:s9] =	ssyncset.done $0x0  }
0x4d: {  	[sflag:s9] =	ssyncadd.s32 $0xFFFFFF00  }
0x4e: {  	s2 =	simm.s32 $0x80;
	s15 =	rddreg [dreg:$0x3]  }
0x4f: {  	[spmem:s15] =	stream.indirect.scatter.add.s32 [tilespmem:s0], [sflag:$0x3], $0x1, s4, s2, $0xb8;
	[tilespmem:$0x18760] =	vst v63  }
0x50: {  	_ =	swait.ge [sflag:s9], $0x80  }
0x51: {  	[sflag:s9] =	ssyncset.done $0x0  }
0x52: {  	[sflag:s9] =	ssyncadd.s32 $0xFFFFFF80  }
0x53: {  	s0 =	rddreg [dreg:$0x4]  }
0x54: {  	[spmem:s0] =	stream.indirect.scatter.add.f32 [tilespmem:s16], [sflag:$0x3], $0x1, s4, s2, $0xb8;
	[tilespmem:$0x18760] =	vst v63  }
0x55: {  	_ =	swait.ge [sflag:s9], $0x80  }
0x56: {  	[sflag:s9] =	ssyncset.done $0x0  }
0x57: {  	s17 =	rddreg [dreg:$0x14];
	[sflag:s9] =	ssyncadd.s32 $0xFFFFFF80  }
0x58: {  	[spmem:s15] =	stream.indirect.scatter.add.s32 [tilespmem:s17], [sflag:$0x3], $0x1, s2, s2, $0xb8;
	[tilespmem:$0x18760] =	vst v63  }
0x59: {  	_ =	swait.ge [sflag:s9], $0x80  }
0x5a: {  	[sflag:s9] =	ssyncset.done $0x0  }
0x5b: {  	s18 =	rddreg [dreg:$0x15];
	[sflag:s9] =	ssyncadd.s32 $0xFFFFFF80  }
0x5c: {  	[spmem:s0] =	stream.indirect.scatter.add.f32 [tilespmem:s18], [sflag:$0x3], $0x1, s2, s2, $0xb8;
	[tilespmem:$0x18760] =	vst v63  }
0x5d: {  	_ =	swait.ge [sflag:s9], $0x80  }
0x5e: {  	[sflag:s9] =	ssyncset.done $0x0  }
0x5f: {  	s16 =	stileid.u32;
	[sflag:s9] =	ssyncadd.s32 $0xFFFFFF80  }
0x60: {  	s16 =	sshll.u32 @!p1 s16, $0x6;
	[bflag:$0x0] =	sbarrier.arrive $0xFFFF  }
0x61: {  	s16 =	sor.u32 @!p1 $0x1C03, s16;
	s17 =	sshrl.u32 @!p1 s0, $0x3;
	s15 =	rddreg [dreg:$0x8]  }
0x62: {  	[hbm:s15], [sflag:s16] =	dma.local @!p1 [spmem:s17], $0x2E0  }
0x63: {  	s15 =	simm.s32 @!p1 $0x3  }
0x64: {  	_ =	swait.ge @!p1 [sflag:s15], $0x2E0  }
0x65: {  	s0 =	rddreg [dreg:$0xc];
	[sflag:s15] =	ssyncset.done @!p1 $0x0  }
0x66: {  	s2 =	rddreg [dreg:$0x16];
	[sflag:s15] =	ssyncadd.s32 @!p1 $0xFFFFFD20  }
0x67: {  	[tilespmem:s2], [sflag:$0x3] =	stream.linear.gather [spmem:s0], $0x40, $0x38;
	[tilespmem:$0x18760] =	vst v63  }
0x68: {  	_ =	swait.ge [sflag:s9], $0x40  }
0x69: {  	s17 =	rddreg [dreg:$0xd];
	[sflag:s9] =	ssyncset.done $0x0  }
0x6a: {  	s18 =	rddreg [dreg:$0x17];
	[sflag:s9] =	ssyncadd.s32 $0xFFFFFFC0  }
0x6b: {  	[tilespmem:s18], [sflag:$0x3] =	stream.linear.gather [spmem:s17], $0x40, $0x38;
	[tilespmem:$0x18760] =	vst v63  }
0x6c: {  	_ =	swait.ge [sflag:s9], $0x40  }
0x6d: {  	s0 =	rddreg [dreg:$0xe];
	[sflag:s9] =	ssyncset.done $0x0  }
0x6e: {  	s2 =	rddreg [dreg:$0x18];
	[sflag:s9] =	ssyncadd.s32 $0xFFFFFFC0  }
0x6f: {  	[tilespmem:s2], [sflag:$0x3] =	stream.linear.gather [spmem:s0], $0x38, $0x38;
	[tilespmem:$0x18760] =	vst v63  }
0x70: {  	_ =	swait.ge [sflag:s9], $0x38  }
0x71: {  	[sflag:s9] =	ssyncset.done $0x0  }
0x72: {  	[sflag:s9] =	ssyncadd.s32 $0xFFFFFFC8  }
0x73: {  	v3 =	vld [tilespmem:$0x300];
	_ =	sdelay $0x4  }
0x74: {  	v4 =	vshrl.u32 v3, $0x3  }
0x75: {  	v4 =	vmul.u32 $0x30, v4  }
0x76: {  	v3 =	vand.u32 $0x7, v3  }
0x77: {  	v3 =	vor.u32 v3, v4  }
0x78: {  	v4 =	vperm.xlane v3, v0;
	_ =	sdelay $0x1  }
0x79: {  	v4 =	vadd.s32 v1, v4;
	_ =	sdelay $0x3  }
0x7a: {  	v3 =	vperm.xlane v3, v2  }
0x7b: {  	[tilespmem:s13], [sflag:$0x1] =	stream.indirect_vreg.gather [hbm4b:s1+s4], $0x80, v4, vm0, $0xb8;
	[tilespmem:$0x18760] =	vst v63  }
0x7c: {  	s17 =	simm.s32 $0xC80;
	v3 =	vadd.s32 v1, v3  }
0x7d: {  	[tilespmem:s17], [sflag:$0x1] =	stream.indirect_vreg.gather [hbm4b:s6+s4], $0x80, v4, vm0, $0xb8;
	[tilespmem:$0x18760] =	vst v63  }
0x7e: {  	s18 =	simm.s32 $0x1480  }
0x7f: {  	[tilespmem:s18], [sflag:$0x1] =	stream.indirect_vreg.gather [hbm4b:s7+s4], $0x80, v4, vm0, $0xb8;
	[tilespmem:$0x18760] =	vst v63  }
0x80: {  	_ = 	snop  }
0x81: {  	[tilespmem:s19], [sflag:$0x1] =	stream.indirect_vreg.gather [hbm4b:s1+s4], $0x80, v3, vm0, $0xb8;
	[tilespmem:$0x18760] =	vst v63  }
0x82: {  	_ = 	snop  }
0x83: {  	[tilespmem:s20], [sflag:$0x1] =	stream.indirect_vreg.gather [hbm4b:s6+s4], $0x80, v3, vm0, $0xb8;
	[tilespmem:$0x18760] =	vst v63  }
0x84: {  	_ = 	snop  }
0x85: {  	[tilespmem:s21], [sflag:$0x1] =	stream.indirect_vreg.gather [hbm4b:s7+s4], $0x80, v3, vm0, $0xb8;
	[tilespmem:$0x18760] =	vst v63  }
0x86: {  	v3 =	vld [tilespmem:$0x310];
	_ =	sdelay $0x4  }
0x87: {  	v53 =	vshrl.u32 v3, $0x3  }
0x88: {  	v4 =	vmul.u32 $0x30, v53  }
0x89: {  	v3 =	vand.u32 $0x7, v3  }
0x8a: {  	v3 =	vor.u32 v3, v4  }
0x8b: {  	v4 =	vperm.xlane v3, v0;
	_ =	sdelay $0x1  }
0x8c: {  	v4 =	vadd.s32 v1, v4;
	_ =	sdelay $0x3  }
0x8d: {  	v3 =	vperm.xlane v3, v2  }
0x8e: {  	[tilespmem:s22], [sflag:$0x1] =	stream.indirect_vreg.gather [hbm4b:s1+s4], $0x80, v4, vm0, $0xb8;
	[tilespmem:$0x18760] =	vst v63  }
0x8f: {  	v3 =	vadd.s32 v1, v3  }
0x90: {  	[tilespmem:s23], [sflag:$0x1] =	stream.indirect_vreg.gather [hbm4b:s6+s4], $0x80, v4, vm0, $0xb8;
	[tilespmem:$0x18760] =	vst v63  }
0x91: {  	_ = 	snop  }
0x92: {  	[tilespmem:s24], [sflag:$0x1] =	stream.indirect_vreg.gather [hbm4b:s7+s4], $0x80, v4, vm0, $0xb8;
	[tilespmem:$0x18760] =	vst v63  }
0x93: {  	_ = 	snop  }
0x94: {  	[tilespmem:s25], [sflag:$0x1] =	stream.indirect_vreg.gather [hbm4b:s1+s4], $0x80, v3, vm0, $0xb8;
	[tilespmem:$0x18760] =	vst v63  }
0x95: {  	_ = 	snop  }
0x96: {  	[tilespmem:s26], [sflag:$0x1] =	stream.indirect_vreg.gather [hbm4b:s6+s4], $0x80, v3, vm0, $0xb8;
	[tilespmem:$0x18760] =	vst v63  }
0x97: {  	_ = 	snop  }
0x98: {  	[tilespmem:s28], [sflag:$0x1] =	stream.indirect_vreg.gather [hbm4b:s7+s4], $0x80, v3, vm0, $0xb8;
	[tilespmem:$0x18760] =	vst v63  }
0x99: {  	v3 =	vld [tilespmem:$0x320];
	_ =	sdelay $0x4  }
0x9a: {  	v54 =	vshrl.u32 v3, $0x3  }
0x9b: {  	v4 =	vmul.u32 $0x30, v54  }
0x9c: {  	v3 =	vand.u32 $0x7, v3  }
0x9d: {  	v3 =	vor.u32 v3, v4  }
0x9e: {  	v4 =	vperm.xlane v3, v0;
	_ =	sdelay $0x1  }
0x9f: {  	v4 =	vadd.s32 v1, v4;
	_ =	sdelay $0x3  }
0xa0: {  	v3 =	vperm.xlane v3, v2  }
0xa1: {  	[tilespmem:s29], [sflag:$0x1] =	stream.indirect_vreg.gather [hbm4b:s1+s4], $0x80, v4, vm0, $0xb8;
	[tilespmem:$0x18760] =	vst v63  }
0xa2: {  	v3 =	vadd.s32 v1, v3  }
0xa3: {  	[tilespmem:s30], [sflag:$0x1] =	stream.indirect_vreg.gather [hbm4b:s6+s4], $0x80, v4, vm0, $0xb8;
	[tilespmem:$0x18760] =	vst v63  }
0xa4: {  	_ = 	snop  }
0xa5: {  	[tilespmem:s31], [sflag:$0x1] =	stream.indirect_vreg.gather [hbm4b:s7+s4], $0x80, v4, vm0, $0xb8;
	[tilespmem:$0x18760] =	vst v63  }
0xa6: {  	s0 =	simm.s32 $0x7C80  }
0xa7: {  	[tilespmem:s0], [sflag:$0x1] =	stream.indirect_vreg.gather [hbm4b:s1+s4], $0x80, v3, vm0, $0xb8;
	[tilespmem:$0x18760] =	vst v63  }
0xa8: {  	_ = 	snop  }
0xa9: {  	[tilespmem:s5], [sflag:$0x1] =	stream.indirect_vreg.gather [hbm4b:s6+s4], $0x80, v3, vm0, $0xb8;
	[tilespmem:$0x18760] =	vst v63  }
0xaa: {  	s2 =	simm.s32 $0x8C80  }
0xab: {  	[tilespmem:s2], [sflag:$0x1] =	stream.indirect_vreg.gather [hbm4b:s7+s4], $0x80, v3, vm0, $0xb8;
	[tilespmem:$0x18760] =	vst v63  }
0xac: {  	v3 =	vld [tilespmem:$0x330];
	_ =	sdelay $0x4  }
0xad: {  	v55 =	vshrl.u32 v3, $0x3  }
0xae: {  	v4 =	vmul.u32 $0x30, v55  }
0xaf: {  	v3 =	vand.u32 $0x7, v3  }
0xb0: {  	v3 =	vor.u32 v3, v4  }
0xb1: {  	v4 =	vperm.xlane v3, v0;
	_ =	sdelay $0x1  }
0xb2: {  	v4 =	vadd.s32 v1, v4;
	_ =	sdelay $0x3  }
0xb3: {  	v3 =	vperm.xlane v3, v2  }
0xb4: {  	[tilespmem:s11], [sflag:$0x1] =	stream.indirect_vreg.gather [hbm4b:s1+s4], $0x80, v4, vm0, $0xb8;
	[tilespmem:$0x18760] =	vst v63  }
0xb5: {  	v3 =	vadd.s32 v1, v3  }
0xb6: {  	[tilespmem:s3], [sflag:$0x1] =	stream.indirect_vreg.gather [hbm4b:s6+s4], $0x80, v4, vm0, $0xb8;
	[tilespmem:$0x18760] =	vst v63  }
0xb7: {  	_ = 	snop  }
0xb8: {  	[tilespmem:s14], [sflag:$0x1] =	stream.indirect_vreg.gather [hbm4b:s7+s4], $0x80, v4, vm0, $0xb8;
	[tilespmem:$0x18760] =	vst v63  }
0xb9: {  	s15 =	rddreg [dreg:$0x19]  }
0xba: {  	[tilespmem:s15], [sflag:$0x1] =	stream.indirect_vreg.gather [hbm4b:s1+s4], $0x80, v3, vm0, $0xb8;
	[tilespmem:$0x18760] =	vst v63  }
0xbb: {  	s16 =	rddreg [dreg:$0x1a]  }
0xbc: {  	[tilespmem:s16], [sflag:$0x1] =	stream.indirect_vreg.gather [hbm4b:s6+s4], $0x80, v3, vm0, $0xb8;
	[tilespmem:$0x18760] =	vst v63  }
0xbd: {  	s15 =	rddreg [dreg:$0x1b]  }
0xbe: {  	[tilespmem:s15], [sflag:$0x1] =	stream.indirect_vreg.gather [hbm4b:s7+s4], $0x80, v3, vm0, $0xb8;
	[tilespmem:$0x18760] =	vst v63  }
0xbf: {  	_ =	swait.ge [sflag:s10], $0xC000  }
0xc0: {  	[sflag:s10] =	ssyncset.done $0x0  }
0xc1: {  	s16 =	rddreg [dreg:$0xf];
	[sflag:s10] =	ssyncadd.s32 $0xFFFF4000  }
0xc2: {  	[hbm4b:s16+s4] =	stream.linear.scatter [tilespmem:s13], [sflag:$0x3], $0xC000, $0x38;
	[tilespmem:$0x18760] =	vst v63  }
0xc3: {  	_ =	swait.ge [sflag:s9], $0xC000  }
0xc4: {  	[sflag:s9] =	ssyncset.done $0x0  }
0xc5: {  	[sflag:s9] =	ssyncadd.s32 $0xFFFF4000  }
0xc6: {  	v3 =	vld [tilespmem:$0x380];
	_ =	sdelay $0x4  }
0xc7: {  	v56 =	vshrl.u32 v3, $0x3  }
0xc8: {  	v4 =	vmul.u32 $0x30, v56  }
0xc9: {  	v3 =	vand.u32 $0x7, v3  }
0xca: {  	v3 =	vor.u32 v3, v4  }
0xcb: {  	v4 =	vperm.xlane v3, v0;
	_ =	sdelay $0x1  }
0xcc: {  	v4 =	vadd.s32 v1, v4;
	_ =	sdelay $0x3  }
0xcd: {  	s15 =	rddreg [dreg:$0x1c];
	v3 =	vperm.xlane v3, v2  }
0xce: {  	[tilespmem:s12], [sflag:$0x2] =	stream.indirect_vreg.gather [hbm4b:s1+s4], $0x80, v4, vm0, $0xb8;
	[tilespmem:$0x18760] =	vst v63  }
0xcf: {  	s16 =	rddreg [dreg:$0x1d];
	v3 =	vadd.s32 v1, v3  }
0xd0: {  	[tilespmem:s15], [sflag:$0x2] =	stream.indirect_vreg.gather [hbm4b:s6+s4], $0x80, v4, vm0, $0xb8;
	[tilespmem:$0x18760] =	vst v63  }
0xd1: {  	s15 =	rddreg [dreg:$0x1e]  }
0xd2: {  	[tilespmem:s16], [sflag:$0x2] =	stream.indirect_vreg.gather [hbm4b:s7+s4], $0x80, v4, vm0, $0xb8;
	[tilespmem:$0x18760] =	vst v63  }
0xd3: {  	s16 =	rddreg [dreg:$0x1f]  }
0xd4: {  	[tilespmem:s15], [sflag:$0x2] =	stream.indirect_vreg.gather [hbm4b:s1+s4], $0x80, v3, vm0, $0xb8;
	[tilespmem:$0x18760] =	vst v63  }
0xd5: {  	s15 =	sld [smem:$0x7EB]  }
0xd6: {  	[tilespmem:s16], [sflag:$0x2] =	stream.indirect_vreg.gather [hbm4b:s6+s4], $0x80, v3, vm0, $0xb8;
	[tilespmem:$0x18760] =	vst v63  }
0xd7: {  	_ = 	snop  }
0xd8: {  	[tilespmem:s15], [sflag:$0x2] =	stream.indirect_vreg.gather [hbm4b:s7+s4], $0x80, v3, vm0, $0xb8;
	[tilespmem:$0x18760] =	vst v63  }
0xd9: {  	v3 =	vld [tilespmem:$0x390];
	_ =	sdelay $0x4  }
0xda: {  	v57 =	vshrl.u32 v3, $0x3  }
0xdb: {  	v4 =	vmul.u32 $0x30, v57  }
0xdc: {  	v3 =	vand.u32 $0x7, v3  }
0xdd: {  	v3 =	vor.u32 v3, v4  }
0xde: {  	v4 =	vperm.xlane v3, v0;
	_ =	sdelay $0x1  }
0xdf: {  	v4 =	vadd.s32 v1, v4;
	_ =	sdelay $0x1  }
0xe0: {  	s15 =	sld [smem:$0x7EC];
	_ =	sdelay $0x1  }
0xe1: {  	s16 =	sld [smem:$0x7ED];
	v3 =	vperm.xlane v3, v2  }
0xe2: {  	[tilespmem:s15], [sflag:$0x2] =	stream.indirect_vreg.gather [hbm4b:s1+s4], $0x80, v4, vm0, $0xb8;
	[tilespmem:$0x18760] =	vst v63  }
0xe3: {  	v3 =	vadd.s32 v1, v3;
	s15 =	sld [smem:$0x7EE]  }
0xe4: {  	[tilespmem:s16], [sflag:$0x2] =	stream.indirect_vreg.gather [hbm4b:s6+s4], $0x80, v4, vm0, $0xb8;
	[tilespmem:$0x18760] =	vst v63  }
0xe5: {  	s16 =	sld [smem:$0x7EF]  }
0xe6: {  	[tilespmem:s15], [sflag:$0x2] =	stream.indirect_vreg.gather [hbm4b:s7+s4], $0x80, v4, vm0, $0xb8;
	[tilespmem:$0x18760] =	vst v63  }
0xe7: {  	s15 =	sld [smem:$0x7F0]  }
0xe8: {  	[tilespmem:s16], [sflag:$0x2] =	stream.indirect_vreg.gather [hbm4b:s1+s4], $0x80, v3, vm0, $0xb8;
	[tilespmem:$0x18760] =	vst v63  }
0xe9: {  	s16 =	sld [smem:$0x7F1]  }
0xea: {  	[tilespmem:s15], [sflag:$0x2] =	stream.indirect_vreg.gather [hbm4b:s6+s4], $0x80, v3, vm0, $0xb8;
	[tilespmem:$0x18760] =	vst v63  }
0xeb: {  	_ = 	snop  }
0xec: {  	[tilespmem:s16], [sflag:$0x2] =	stream.indirect_vreg.gather [hbm4b:s7+s4], $0x80, v3, vm0, $0xb8;
	[tilespmem:$0x18760] =	vst v63  }
0xed: {  	v3 =	vld [tilespmem:$0x3A0];
	_ =	sdelay $0x4  }
0xee: {  	v58 =	vshrl.u32 v3, $0x3  }
0xef: {  	v4 =	vmul.u32 $0x30, v58  }
0xf0: {  	v3 =	vand.u32 $0x7, v3  }
0xf1: {  	v3 =	vor.u32 v3, v4  }
0xf2: {  	v4 =	vperm.xlane v3, v0;
	_ =	sdelay $0x1  }
0xf3: {  	v4 =	vadd.s32 v1, v4;
	_ =	sdelay $0x1  }
0xf4: {  	s15 =	sld [smem:$0x7F2];
	_ =	sdelay $0x1  }
0xf5: {  	s16 =	sld [smem:$0x7F3];
	v3 =	vperm.xlane v3, v2  }
0xf6: {  	[tilespmem:s15], [sflag:$0x2] =	stream.indirect_vreg.gather [hbm4b:s1+s4], $0x80, v4, vm0, $0xb8;
	[tilespmem:$0x18760] =	vst v63  }
0xf7: {  	v3 =	vadd.s32 v1, v3;
	s15 =	sld [smem:$0x7F4]  }
0xf8: {  	[tilespmem:s16], [sflag:$0x2] =	stream.indirect_vreg.gather [hbm4b:s6+s4], $0x80, v4, vm0, $0xb8;
	[tilespmem:$0x18760] =	vst v63  }
0xf9: {  	s16 =	sld [smem:$0x7F5]  }
0xfa: {  	[tilespmem:s15], [sflag:$0x2] =	stream.indirect_vreg.gather [hbm4b:s7+s4], $0x80, v4, vm0, $0xb8;
	[tilespmem:$0x18760] =	vst v63  }
0xfb: {  	s15 =	sld [smem:$0x7F6]  }
0xfc: {  	[tilespmem:s16], [sflag:$0x2] =	stream.indirect_vreg.gather [hbm4b:s1+s4], $0x80, v3, vm0, $0xb8;
	[tilespmem:$0x18760] =	vst v63  }
0xfd: {  	s16 =	sld [smem:$0x7F7]  }
0xfe: {  	[tilespmem:s15], [sflag:$0x2] =	stream.indirect_vreg.gather [hbm4b:s6+s4], $0x80, v3, vm0, $0xb8;
	[tilespmem:$0x18760] =	vst v63  }
0xff: {  	_ = 	snop  }
0x100: {  	[tilespmem:s16], [sflag:$0x2] =	stream.indirect_vreg.gather [hbm4b:s7+s4], $0x80, v3, vm0, $0xb8;
	[tilespmem:$0x18760] =	vst v63  }
0x101: {  	v3 =	vld [tilespmem:$0x3B0];
	_ =	sdelay $0x4  }
0x102: {  	v59 =	vshrl.u32 v3, $0x3  }
0x103: {  	v4 =	vmul.u32 $0x30, v59  }
0x104: {  	v3 =	vand.u32 $0x7, v3  }
0x105: {  	v3 =	vor.u32 v3, v4  }
0x106: {  	v4 =	vperm.xlane v3, v0;
	_ =	sdelay $0x1  }
0x107: {  	v4 =	vadd.s32 v1, v4;
	_ =	sdelay $0x1  }
0x108: {  	s15 =	sld [smem:$0x7F8];
	_ =	sdelay $0x1  }
0x109: {  	s16 =	sld [smem:$0x7F9];
	v3 =	vperm.xlane v3, v2  }
0x10a: {  	[tilespmem:s15], [sflag:$0x2] =	stream.indirect_vreg.gather [hbm4b:s1+s4], $0x80, v4, vm0, $0xb8;
	[tilespmem:$0x18760] =	vst v63  }
0x10b: {  	v3 =	vadd.s32 v1, v3;
	s15 =	sld [smem:$0x7FA]  }
0x10c: {  	[tilespmem:s16], [sflag:$0x2] =	stream.indirect_vreg.gather [hbm4b:s6+s4], $0x80, v4, vm0, $0xb8;
	[tilespmem:$0x18760] =	vst v63  }
0x10d: {  	s16 =	sld [smem:$0x7FB]  }
0x10e: {  	[tilespmem:s15], [sflag:$0x2] =	stream.indirect_vreg.gather [hbm4b:s7+s4], $0x80, v4, vm0, $0xb8;
	[tilespmem:$0x18760] =	vst v63  }
0x10f: {  	s15 =	sld [smem:$0x7FC]  }
0x110: {  	[tilespmem:s16], [sflag:$0x2] =	stream.indirect_vreg.gather [hbm4b:s1+s4], $0x80, v3, vm0, $0xb8;
	[tilespmem:$0x18760] =	vst v63  }
0x111: {  	s16 =	sld [smem:$0x7FD]  }
0x112: {  	[tilespmem:s15], [sflag:$0x2] =	stream.indirect_vreg.gather [hbm4b:s6+s4], $0x80, v3, vm0, $0xb8;
	[tilespmem:$0x18760] =	vst v63  }
0x113: {  	_ = 	snop  }
0x114: {  	[tilespmem:s16], [sflag:$0x2] =	stream.indirect_vreg.gather [hbm4b:s7+s4], $0x80, v3, vm0, $0xb8;
	[tilespmem:$0x18760] =	vst v63  }
0x115: {  	s16 =	simm.s32 $0x2  }
0x116: {  	_ =	swait.ge [sflag:s16], $0xC000  }
0x117: {  	[sflag:s16] =	ssyncset.done $0x0  }
0x118: {  	s15 =	rddreg [dreg:$0x10];
	[sflag:s16] =	ssyncadd.s32 $0xFFFF4000  }
0x119: {  	[hbm4b:s15+s4] =	stream.linear.scatter [tilespmem:s12], [sflag:$0x3], $0xC000, $0x38;
	[tilespmem:$0x18760] =	vst v63  }
0x11a: {  	_ =	swait.ge [sflag:s9], $0xC000  }
0x11b: {  	[sflag:s9] =	ssyncset.done $0x0  }
0x11c: {  	[sflag:s9] =	ssyncadd.s32 $0xFFFF4000  }
0x11d: {  	v3 =	vld [tilespmem:$0x400];
	_ =	sdelay $0x4  }
0x11e: {  	v60 =	vshrl.u32 v3, $0x3  }
0x11f: {  	v4 =	vmul.u32 $0x30, v60  }
0x120: {  	v3 =	vand.u32 $0x7, v3  }
0x121: {  	v3 =	vor.u32 v3, v4  }
0x122: {  	v4 =	vperm.xlane v3, v0;
	_ =	sdelay $0x1  }
0x123: {  	v4 =	vadd.s32 v1, v4;
	_ =	sdelay $0x3  }
0x124: {  	v3 =	vperm.xlane v3, v2  }
0x125: {  	[tilespmem:s13], [sflag:$0x1] =	stream.indirect_vreg.gather [hbm4b:s1+s4], $0x80, v4, vm0, $0xb8;
	[tilespmem:$0x18760] =	vst v63  }
0x126: {  	v3 =	vadd.s32 v1, v3  }
0x127: {  	[tilespmem:s17], [sflag:$0x1] =	stream.indirect_vreg.gather [hbm4b:s6+s4], $0x80, v4, vm0, $0xb8;
	[tilespmem:$0x18760] =	vst v63  }
0x128: {  	_ = 	snop  }
0x129: {  	[tilespmem:s18], [sflag:$0x1] =	stream.indirect_vreg.gather [hbm4b:s7+s4], $0x80, v4, vm0, $0xb8;
	[tilespmem:$0x18760] =	vst v63  }
0x12a: {  	_ = 	snop  }
0x12b: {  	[tilespmem:s19], [sflag:$0x1] =	stream.indirect_vreg.gather [hbm4b:s1+s4], $0x80, v3, vm0, $0xb8;
	[tilespmem:$0x18760] =	vst v63  }
0x12c: {  	_ = 	snop  }
0x12d: {  	[tilespmem:s20], [sflag:$0x1] =	stream.indirect_vreg.gather [hbm4b:s6+s4], $0x80, v3, vm0, $0xb8;
	[tilespmem:$0x18760] =	vst v63  }
0x12e: {  	_ = 	snop  }
0x12f: {  	[tilespmem:s21], [sflag:$0x1] =	stream.indirect_vreg.gather [hbm4b:s7+s4], $0x80, v3, vm0, $0xb8;
	[tilespmem:$0x18760] =	vst v63  }
0x130: {  	v3 =	vld [tilespmem:$0x410];
	_ =	sdelay $0x4  }
0x131: {  	v61 =	vshrl.u32 v3, $0x3  }
0x132: {  	v4 =	vmul.u32 $0x30, v61  }
0x133: {  	v3 =	vand.u32 $0x7, v3  }
0x134: {  	v3 =	vor.u32 v3, v4  }
0x135: {  	v4 =	vperm.xlane v3, v0;
	_ =	sdelay $0x1  }
0x136: {  	v4 =	vadd.s32 v1, v4;
	_ =	sdelay $0x3  }
0x137: {  	v3 =	vperm.xlane v3, v2  }
0x138: {  	[tilespmem:s22], [sflag:$0x1] =	stream.indirect_vreg.gather [hbm4b:s1+s4], $0x80, v4, vm0, $0xb8;
	[tilespmem:$0x18760] =	vst v63  }
0x139: {  	v3 =	vadd.s32 v1, v3  }
0x13a: {  	[tilespmem:s23], [sflag:$0x1] =	stream.indirect_vreg.gather [hbm4b:s6+s4], $0x80, v4, vm0, $0xb8;
	[tilespmem:$0x18760] =	vst v63  }
0x13b: {  	_ = 	snop  }
0x13c: {  	[tilespmem:s24], [sflag:$0x1] =	stream.indirect_vreg.gather [hbm4b:s7+s4], $0x80, v4, vm0, $0xb8;
	[tilespmem:$0x18760] =	vst v63  }
0x13d: {  	_ = 	snop  }
0x13e: {  	[tilespmem:s25], [sflag:$0x1] =	stream.indirect_vreg.gather [hbm4b:s1+s4], $0x80, v3, vm0, $0xb8;
	[tilespmem:$0x18760] =	vst v63  }
0x13f: {  	_ = 	snop  }
0x140: {  	[tilespmem:s26], [sflag:$0x1] =	stream.indirect_vreg.gather [hbm4b:s6+s4], $0x80, v3, vm0, $0xb8;
	[tilespmem:$0x18760] =	vst v63  }
0x141: {  	_ = 	snop  }
0x142: {  	[tilespmem:s28], [sflag:$0x1] =	stream.indirect_vreg.gather [hbm4b:s7+s4], $0x80, v3, vm0, $0xb8;
	[tilespmem:$0x18760] =	vst v63  }
0x143: {  	v3 =	vld [tilespmem:$0x420];
	_ =	sdelay $0x4  }
0x144: {  	v62 =	vshrl.u32 v3, $0x3  }
0x145: {  	v4 =	vmul.u32 $0x30, v62  }
0x146: {  	v3 =	vand.u32 $0x7, v3  }
0x147: {  	v3 =	vor.u32 v3, v4  }
0x148: {  	v4 =	vperm.xlane v3, v0;
	_ =	sdelay $0x1  }
0x149: {  	v4 =	vadd.s32 v1, v4;
	_ =	sdelay $0x3  }
0x14a: {  	v3 =	vperm.xlane v3, v2  }
0x14b: {  	[tilespmem:s29], [sflag:$0x1] =	stream.indirect_vreg.gather [hbm4b:s1+s4], $0x80, v4, vm0, $0xb8;
	[tilespmem:$0x18760] =	vst v63  }
0x14c: {  	v3 =	vadd.s32 v1, v3  }
0x14d: {  	[tilespmem:s30], [sflag:$0x1] =	stream.indirect_vreg.gather [hbm4b:s6+s4], $0x80, v4, vm0, $0xb8;
	[tilespmem:$0x18760] =	vst v63  }
0x14e: {  	_ = 	snop  }
0x14f: {  	[tilespmem:s31], [sflag:$0x1] =	stream.indirect_vreg.gather [hbm4b:s7+s4], $0x80, v4, vm0, $0xb8;
	[tilespmem:$0x18760] =	vst v63  }
0x150: {  	_ = 	snop  }
0x151: {  	[tilespmem:s0], [sflag:$0x1] =	stream.indirect_vreg.gather [hbm4b:s1+s4], $0x80, v3, vm0, $0xb8;
	[tilespmem:$0x18760] =	vst v63  }
0x152: {  	_ = 	snop  }
0x153: {  	[tilespmem:s5], [sflag:$0x1] =	stream.indirect_vreg.gather [hbm4b:s6+s4], $0x80, v3, vm0, $0xb8;
	[tilespmem:$0x18760] =	vst v63  }
0x154: {  	_ = 	snop  }
0x155: {  	[tilespmem:s2], [sflag:$0x1] =	stream.indirect_vreg.gather [hbm4b:s7+s4], $0x80, v3, vm0, $0xb8;
	[tilespmem:$0x18760] =	vst v63  }
0x156: {  	v3 =	vld.msk [tilespmem:$0x430], $0xff;
	_ =	sdelay $0x4  }
0x157: {  	v63 =	vshrl.u32 v3, $0x3  }
0x158: {  	v4 =	vmul.u32 $0x30, v63  }
0x159: {  	v3 =	vand.u32 $0x7, v3  }
0x15a: {  	v3 =	vor.u32 v3, v4  }
0x15b: {  	v3 =	vperm.xlane v3, v0;
	_ =	sdelay $0x1  }
0x15c: {  	v3 =	vadd.s32 v1, v3;
	_ =	sdelay $0x4  }
0x15d: {  	[tilespmem:s11], [sflag:$0x1] =	stream.indirect_vreg.gather [hbm4b:s1+s4], $0x80, v3, vm0, $0xb8;
	[tilespmem:$0x18760] =	vst v63  }
0x15e: {  	_ = 	snop  }
0x15f: {  	[tilespmem:s3], [sflag:$0x1] =	stream.indirect_vreg.gather [hbm4b:s6+s4], $0x80, v3, vm0, $0xb8;
	[tilespmem:$0x18760] =	vst v63  }
0x160: {  	_ = 	snop  }
0x161: {  	[tilespmem:s14], [sflag:$0x1] =	stream.indirect_vreg.gather [hbm4b:s7+s4], $0x80, v3, vm0, $0xb8;
	[tilespmem:$0x18760] =	vst v63  }
0x162: {  	s8 =	sadd.s32 $0xFFFFFFFF, s8;
	_ =	swait.ge [sflag:s10], $0xA800  }
0x163: {  	p2 =	sne.s32 s8, $0x0;
	[sflag:s10] =	ssyncset.done $0x0  }
.Ltmp0:
0x164: {  	s18 =	rddreg [dreg:$0x11];
	[sflag:s10] =	ssyncadd.s32 $0xFFFF5800;
	(pc) =	sbr.rel @p2 .LBB2_1-.Ltmp0, $4  }
0x165: {  	[hbm4b:s18+s4] =	stream.linear.scatter [tilespmem:s13], [sflag:$0x3], $0xA800, $0x38;
	[tilespmem:$0x18760] =	vst v63  }
0x166: {  	_ =	swait.ge [sflag:s9], $0xA800  }
0x167: {  	[sflag:s9] =	ssyncset.done $0x0  }
0x168: {  	[sflag:s9] =	ssyncadd.s32 $0xFFFF5800  }
0x169: {  	_ =	sfence.sel $0x180000  }
0x16a: {  	[bflag:$0x0] =	sbarrier.arrive $0xFFFF  }
0x16b: {  	_ =	strace $0x90000047  }
0x16c: {  	[bflag:$0x2] =	sbarrier.arrive $0xFFFF  }
0x16d: {  	s0 =	rddreg [dreg:$0x5]  }
0x16e: {  	s0 =	sadd.s32 @!p0 $0x100000, s0  }
0x16f: {  	[sflag:s0] =	ssyncadd.tile.s32 @!p0 $0x1;
	_ =	shalt  }
.Lfunc_end2:
_tile_overlayer_lowered:
.L_overlay_start_2:
0x170: {  	(tag) =	ssettag $0x2  }
0x171: {  	s0 =	rddreg [dreg:$0x0];
	s2 =	stileid.u32  }
0x172: {  	s1 =	rddreg [dreg:$0x1];
	p0 =	sne.s32 s2, $0x0  }
0x173: {  	s3 =	rddreg [dreg:$0x2];
	[bflag:$0x3] =	sbarrier.arrive $0xFFFF;
	s2 =	simm.s32 @!p0 $0x1C03  }
0x174: {  	[timem:s3], [sflag:s2] =	dma.local @!p0 [hbm:s0], s1  }
0x175: {  	s0 =	simm.s32 @!p0 $0x3  }
0x176: {  	_ =	swait.ge @!p0 [sflag:s0], s1  }
0x177: {  	s1 =	ssub.s32 @!p0 $0x0, s1;
	[sflag:s0] =	ssyncset.done @!p0 $0x0  }
0x178: {  	[sflag:s0] =	ssyncadd.s32 @!p0 s1  }
0x179: {  	[bflag:$0x3] =	sbarrier.arrive $0xFFFF  }
0x17a: {  	_ =	shalt  }

// kernel: kernel.9.cloned.1.call-start
scs
__scs_entry_jumppad:
0x0: {  	(pc) =	sbr.rel $0x88, $3  }
0x1: {  	(tag) =	ssettag $0x0;
	lr =	simm.s32 $0x1  }
0x2: {  	[smem:$0x3F99] =	sst lr;
	_ =	strace $0xD0000000  }
0x3: {  	_ = 	snop  }
0x4: {  	_ = 	snop  }
0x5: {  	_ = 	snop  }
0x6: {  	_ = 	snop  }
0x7: {  	_ = 	snop  }
__scs_overlays_trampoline_lowered:
0x8: {  	[smem:$0x3FA8] =	sst s0  }
0x9: {  	[smem:$0x3FA9] =	sst s1  }
0xa: {  	[smem:$0x3FAA] =	sst s2  }
0xb: {  	[smem:$0x3FAB] =	sst s3  }
0xc: {  	[smem:$0x3FAC] =	sst s4  }
0xd: {  	[smem:$0x3FAD] =	sst s5  }
0xe: {  	[smem:$0x3FAE] =	sst s6  }
0xf: {  	[smem:$0x3FAF] =	sst s7  }
0x10: {  	[smem:$0x3FB0] =	sst s8  }
0x11: {  	[smem:$0x3FB1] =	sst s9;
	s0 =	simm.s32 @!p0 $0x0  }
0x12: {  	s1 =	sld [smem:$0x3F97];
	s0 =	simm.s32 @p0 $0x1  }
0x13: {  	[smem:$0x3FB2] =	sst s0;
	s0 =	simm.s32 @!p1 $0x0  }
0x14: {  	s2 =	sld [smem:$0x3F96];
	s0 =	simm.s32 @p1 $0x1  }
0x15: {  	[smem:$0x3FB3] =	sst s0;
	s0 =	simm.s32 @!p2 $0x0  }
0x16: {  	s3 =	sld [smem:$0x3FDB];
	s0 =	simm.s32 @p2 $0x1  }
0x17: {  	s4 =	simm.s32 $0x1BF5;
	[smem:$0x3FB5] =	sst s0  }
0x18: {  	s0 =	sld [smem:$0x3F98];
	_ =	swait.ge [sflag:s4], $0x0  }
0x19: {  	s7 =	sld [smem:$0x3F99]  }
0x1a: {  	s8 =	sadd.s32 $0xFFFFE003, lr  }
0x1b: {  	s9 =	sadd.s32 $0xFFFFFEF7, lr;
	s5 =	simm.s32 $0xFFFFFFFF;
	p2 =	slt.u32 s8, $0xFFFFF086  }
0x1c: {  	p1 =	slt.u32 s9, $0xF7A;
	s5 =	simm.s32 @!p2 $0x0  }
0x1d: {  	s5 =	simm.s32 @p1 $0x1;
	p0 =	seq.s32 s7, s2  }
0x1e: {  	s7 =	smul.u32 @!p0 $0xF7A, s2;
	p2 =	seq.s32 @!p0 s5, $0x0  }
0x1f: {  	s9 =	smul.u32 $0xF7A, s1;
	s8 =	simm.s32 @!p0 $0x1BF5;
	p2 =	por !p2, p0  }
0x20: {  	[sflag:s8] =	ssyncset.s32 @!p0 $0xFFFFF086;
	s6 =	sadd.s32 @!p0 s3, s7;
	s7 =	simm.s32 @!p0 $0x108  }
0x21: {  	s3 =	sadd.s32 s3, s9;
	s6 =	sadd.s32 @!p0 $0x88, s6;
	s7 =	simm.s32 @p2 $0x1082  }
0x22: {  	[simem:s7], [sflag:s8] =	dma.local @!p0 [hbm:s6], $0xF7A  }
0x23: {  	s9 =	sor.u32 $0xD0000000, s2;
	s6 =	simm.s32 $0x108;
	_ =	swait.ge @!p0 [sflag:s8], $0x0  }
0x24: {  	s3 =	sadd.s32 $0x88, s3;
	s6 =	simm.s32 @!p1 $0x1082;
	[sflag:s4] =	ssyncset.s32 $0xFFFFF086  }
0x25: {  	[simem:s6], [sflag:s4] =	dma.local [hbm:s3], $0xF7A  }
0x26: {  	[smem:$0x3F99] =	sst s1;
	(tag) =	ssettag s2;
	_ =	strace s9  }
0x27: {  	s1 =	sld [smem:$0x3FA9]  }
0x28: {  	s2 =	sld [smem:$0x3FAA]  }
0x29: {  	s4 =	sld [smem:$0x3FAC]  }
0x2a: {  	p0 =	seq.s32 s5, $0x0;
	s5 =	sld [smem:$0x3FAD]  }
0x2b: {  	s6 =	sld [smem:$0x3FAE]  }
0x2c: {  	s7 =	sld [smem:$0x3FAF]  }
0x2d: {  	s3 =	simm.s32 $0x108;
	s8 =	sld [smem:$0x3FB0]  }
0x2e: {  	s3 =	simm.s32 @!p0 $0x1082;
	s9 =	sld [smem:$0x3FB1]  }
0x2f: {  	lr =	sadd.s32 s0, s3;
	s0 =	sld [smem:$0x3FA8]  }
0x30: {  	s3 =	sld [smem:$0x3FAB]  }
0x31: {  	[smem:$0x3FB4] =	sst s10  }
0x32: {  	s10 =	sld [smem:$0x3FB2];
	_ =	sdelay $0x3  }
0x33: {  	p0 =	seq.s32 s10, $0x1;
	s10 =	sld [smem:$0x3FB4];
	_ =	sdelay $0x3  }
0x34: {  	[smem:$0x3FB4] =	sst s10  }
0x35: {  	s10 =	sld [smem:$0x3FB3];
	_ =	sdelay $0x3  }
0x36: {  	p1 =	seq.s32 s10, $0x1;
	s10 =	sld [smem:$0x3FB4];
	_ =	sdelay $0x3  }
0x37: {  	[smem:$0x3FB4] =	sst s10  }
0x38: {  	s10 =	sld [smem:$0x3FB5]  }
0x39: {  	_ = 	snop;
	(pc) =	sbr.ind lr, $3  }
0x3a: {  	_ = 	snop  }
0x3b: {  	_ = 	snop  }
0x3c: {  	p2 =	seq.s32 s10, $0x1;
	s10 =	sld [smem:$0x3FB4]  }
0x3d: {  	_ =	shalt  }
0x3e: {  	_ =	shalt  }
0x3f: {  	_ =	shalt  }
0x40: {  	_ =	shalt  }
0x41: {  	_ =	shalt  }
0x42: {  	_ =	shalt  }
0x43: {  	_ =	shalt  }
0x44: {  	_ =	shalt  }
0x45: {  	_ =	shalt  }
0x46: {  	_ =	shalt  }
0x47: {  	_ =	shalt  }
0x48: {  	_ =	shalt  }
0x49: {  	_ =	shalt  }
0x4a: {  	_ =	shalt  }
0x4b: {  	_ =	shalt  }
0x4c: {  	_ =	shalt  }
0x4d: {  	_ =	shalt  }
0x4e: {  	_ =	shalt  }
0x4f: {  	_ =	shalt  }
0x50: {  	_ =	shalt  }
0x51: {  	_ =	shalt  }
0x52: {  	_ =	shalt  }
0x53: {  	_ =	shalt  }
0x54: {  	_ =	shalt  }
0x55: {  	_ =	shalt  }
0x56: {  	_ =	shalt  }
0x57: {  	_ =	shalt  }
0x58: {  	_ =	shalt  }
0x59: {  	_ =	shalt  }
0x5a: {  	_ =	shalt  }
0x5b: {  	_ =	shalt  }
0x5c: {  	_ =	shalt  }
0x5d: {  	_ =	shalt  }
0x5e: {  	_ =	shalt  }
0x5f: {  	_ =	shalt  }
0x60: {  	_ =	shalt  }
0x61: {  	_ =	shalt  }
0x62: {  	_ =	shalt  }
0x63: {  	_ =	shalt  }
0x64: {  	_ =	shalt  }
0x65: {  	_ =	shalt  }
0x66: {  	_ =	shalt  }
0x67: {  	_ =	shalt  }
0x68: {  	_ =	shalt  }
0x69: {  	_ =	shalt  }
0x6a: {  	_ =	shalt  }
0x6b: {  	_ =	shalt  }
0x6c: {  	_ =	shalt  }
0x6d: {  	_ =	shalt  }
0x6e: {  	_ =	shalt  }
0x6f: {  	_ =	shalt  }
0x70: {  	_ =	shalt  }
0x71: {  	_ =	shalt  }
0x72: {  	_ =	shalt  }
0x73: {  	_ =	shalt  }
0x74: {  	_ =	shalt  }
0x75: {  	_ =	shalt  }
0x76: {  	_ =	shalt  }
0x77: {  	_ =	shalt  }
0x78: {  	_ =	shalt  }
0x79: {  	_ =	shalt  }
0x7a: {  	_ =	shalt  }
0x7b: {  	_ =	shalt  }
0x7c: {  	_ =	shalt  }
0x7d: {  	_ =	shalt  }
0x7e: {  	_ =	shalt  }
0x7f: {  	_ =	shalt  }
0x80: {  	_ =	shalt  }
0x81: {  	_ =	shalt  }
0x82: {  	_ =	shalt  }
0x83: {  	_ =	shalt  }
0x84: {  	_ =	shalt  }
0x85: {  	_ =	shalt  }
0x86: {  	_ =	shalt  }
0x87: {  	_ =	shalt  }
.Lfunc_end0:
.L_simem_size_0:
called_computation.1_lowered:
.L_overlay_start_0:
0x88: {  	s2 =	sld [smem:$0x3FD9]  }
0x89: {  	s3 =	sld [smem:$0x3FFE];
	_ =	sdelay $0x1  }
0x8a: {  	s1 =	srdreg.scid  }
0x8b: {  	s0 =	sand.u32 $0x1, s1  }
0x8c: {  	s14 =	sshll.u32 s0, $0xA;
	s2 =	sadd.s32 s3, s2  }
0x8d: {  	s2 =	sadd.s32 s2, s14  }
0x8e: {  	[smem:$0x3FC0] =	sst s2  }
0x8f: {  	_ = 	snop  }
0x90: {  	s2 =	sld [smem:$0x3FD0];
	_ =	sdelay $0x2  }
0x91: {  	s15 =	simm.s32 $0xA;
	s4 =	simm.s32 $0x10  }
0x92: {  	[smem:s4], [sflag:s15] =	dma.local [hbm:s2], $0x1  }
0x93: {  	_ =	swait.eq [sflag:s15], $0x1  }
0x94: {  	[sflag:s15] =	ssyncset.done $0x0  }
0x95: {  	[sflag:s15] =	ssyncadd.s32 $0xFFFFFFFF  }
0x96: {  	s16 =	sld [smem:$0x10];
	(tm) =	ssettm $0x1  }
0x97: {  	s17 =	sld [smem:$0x3FFB];
	_ =	sdelay $0x3  }
0x98: {  	_ =	strace s17  }
0x99: {  	s3 =	sld [smem:$0x3FFC];
	_ =	sdelay $0x3  }
0x9a: {  	_ =	strace s3  }
0x9b: {  	s3 =	sld [smem:$0x3FFD];
	_ =	sdelay $0x3  }
0x9c: {  	_ =	strace s3  }
0x9d: {  	_ =	strace $0x8FFFFFFF  }
0x9e: {  	s18 =	sld [smem:$0x3FDB];
	_ =	sdelay $0x1  }
0x9f: {  	s19 =	simm.s32 $_scs_section_size  }
0xa0: {  	s5 =	simm.s32 $_size__tile_overlayer_lowered;
	s6 =	simm.s32 $_tile_overlayer_lowered  }
0xa1: {  	s22 =	simm.s32 $0x1BFF;
	s21 =	sshll.u32 s6, $0x1;
	s3 =	sadd.s32 s19, s18  }
0xa2: {  	s7 =	simm.s32 $0x0;
	s20 =	sshll.u32 s5, $0x1;
	s5 =	sadd.s32 s21, s3  }
0xa3: {  	[timem:s7], [sflag:s22] =	dma.local [hbm:s5], s20  }
0xa4: {  	_ =	swait.ge [sflag:s22], s20  }
0xa5: {  	s4 =	ssub.s32 $0x0, s20;
	[sflag:s22] =	ssyncset.done $0x0  }
0xa6: {  	[sflag:s22] =	ssyncadd.s32 s4;
	_ =	sdelay $0x1  }
0xa7: {  	s23 =	simm.s32 $0x1B8B  }
0xa8: {  	_ =	swait.ge [sflag:s23], $0x1  }
0xa9: {  	[sflag:s23] =	ssyncset.done $0x0  }
0xaa: {  	s25 =	simm.s32 $0x1B8E;
	s24 =	sld [smem:$0x3FFE];
	[sflag:s23] =	ssyncadd.s32 $0xFFFFFFFF  }
0xab: {  	s26 =	simm.s32 $execute0_lowered;
	[smem:$0x3FD2] =	sst s25  }
0xac: {  	s5 =	sshll.u32 s26, $0x1;
	_ =	strace $0x80000049;
	[dreg:$0x1] =	wrdreg $0xFFFFFFFF  }
0xad: {  	s28 =	simm.s32 $_size_execute0_lowered;
	s3 =	sadd.s32 s3, s5;
	[dreg:$0x0] =	wrdreg $0x0  }
0xae: {  	s5 =	sshll.u32 s28, $0x1;
	[dreg:$0x2] =	wrdreg s3  }
0xaf: {  	[dreg:$0x3] =	wrdreg s5  }
0xb0: {  	[dreg:$0x4] =	wrdreg $0xC0  }
0xb1: {  	_ =	task [dreg:s7], $0x5FFFF  }
0xb2: {  	[dreg:$0x1] =	wrdreg $0xFFFFFFFF  }
0xb3: {  	[dreg:$0x0] =	wrdreg $0x60  }
0xb4: {  	[dreg:$0x2] =	wrdreg s24  }
0xb5: {  	[dreg:$0x3] =	wrdreg s16  }
0xb6: {  	[dreg:$0x4] =	wrdreg $0x9  }
0xb7: {  	_ =	task.clear_ibuf [dreg:s7], $0x5FFFF;
	_ =	strace $0x90000049  }
0xb8: {  	s29 =	simm.s32 $0x9;
	_ =	strace $0x8000004B  }
0xb9: {  	_ =	swait.ge [sflag:s29], $0x1  }
0xba: {  	[sflag:s29] =	ssyncadd.s32 $0xFFFFFFFF  }
0xbb: {  	_ =	strace $0x9000004B  }
0xbc: {  	_ =	sfence  }
0xbd: {  	s30 =	sld [smem:$0x0];
	_ =	sdelay $0x2  }
0xbe: {  	s31 =	sshll.u32 s1, $0xD;
	s1 =	sshrl.u32 s1, $0x2  }
0xbf: {  	s3 =	sand.u32 $0x4000, s31;
	s1 =	sadd.s32 s1, s30  }
0xc0: {  	s0 =	sor.u32 s3, s0;
	s1 =	sshll.u32 s1, $0x11  }
0xc1: {  	s0 =	sor.u32 s1, s0  }
0xc2: {  	s0 =	sadd.s32 $0x8F2B, s0  }
0xc3: {  	[sflag:s0] =	ssyncadd.remote.s32 $0x1  }
0xc4: {  	_ =	sfence.sel $0xFFFF  }
0xc5: {  	[dreg:$0x0] =	wrdreg $0xFFFFFFFF;
	(pc) =	sbr.abs _section_cstart, $3  }
0xc6: {  	[dreg:$0x1] =	wrdreg $0xFFFFFFFF  }
0xc7: {  	_ =	task.clear_ibuf [dreg:s7], $0x2FFFF;
	_ =	strace $0x9FFFFFFF  }
0xc8: {  	(tm) =	ssettm $0x7FFFFFFF  }
0xc9: {  	_ =	shalt  }
tec
execute0_lowered:
.L_overlay_start_1:
0x0: {  	(tag) =	ssettag $0x1  }
0x1: {  	s0 =	srdreg.scid;
	s8 =	rddreg [dreg:$0x0]  }
0x2: {  	s5 =	stileid.u32;
	s9 =	rddreg [dreg:$0x1];
	s2 =	simm.s32 $0x0  }
0x3: {  	s3 =	simm.s32 $0x1;
	s11 =	simm.s32 $0x3;
	s13 =	simm.s32 $0x100  }
0x4: {  	s29 =	simm.s32 $0x11900;
	s30 =	simm.s32 $0x12100;
	s31 =	simm.s32 $0x12900  }
0x5: {  	s12 =	simm.s32 $0x14100;
	s14 =	simm.s32 $0x14900;
	s15 =	simm.s32 $0x15100  }
0x6: {  	s16 =	simm.s32 $0x15900;
	s17 =	simm.s32 $0x16100;
	s18 =	simm.s32 $0x16900  }
0x7: {  	s19 =	simm.s32 $0x17100;
	s0 =	sand.u32 $0x1, s0;
	s1 =	sshll.u32 s5, $0x1  }
0x8: {  	s20 =	simm.s32 $0x17900;
	s21 =	simm.s32 $0x2;
	s1 =	sor.u32 s0, s1  }
0x9: {  	s22 =	simm.s32 $0x0;
	p1 =	seq.s32 s0, $0x1;
	p0 =	seq.s32 s1, $0x0  }
0xa: {  	[smem:$0x7FF] =	sst s2;
	s6 =	sadd.s32 $0x2000, s8;
	p0 =	por !p0, !p1  }
0xb: {  	_ =	strace $0x8000004A;
	s4 =	ssub.s32 $0x2, s0;
	p0 =	por !p0, !p0  }
0xc: {  	s26 =	sshrl.u32 s4, $0x1;
	s1 =	smul.u32 $0x1800, s1;
	s3 =	simm.s32 @!p0 $0x0  }
0xd: {  	s0 =	sshll.u32 s0, $0x6;
	s10 =	ssub.s32 s4, s26;
	s3 =	ssub.s32 s5, s3  }
0xe: {  	s4 =	simm.s32 $0x1;
	s9 =	sadd.s32 s9, s1;
	s7 =	sshll.u32 s3, $0x7  }
0xf: {  	s10 =	smax.u32 s10, $0x1;
	s1 =	simm.s32 $0x13100;
	s0 =	sor.u32 s0, s7  }
0x10: {  	v2 =	vlaneseq.u32;
	s3 =	sadd.s32 $0x2200, s8;
	s28 =	sshrl.u32 s0, $0x3;
	s0 =	sadd.s32 $0x800, s0  }
0x11: {  	vm0 =	vmmov $0xffff;
	v1 =	vshrl.u32 v2, $0x3;
	s7 =	sadd.s32 $0x2300, s8;
	s8 =	sadd.s32 $0x2400, s8;
	s0 =	sshrl.u32 s0, $0x3  }
0x12: {  	v0 =	vand.u32 $0x7, v2;
	v2 =	vor.u32 $0x8, v2;
	v1 =	vmul.u32 $0x8, v1;
	s5 =	sadd.s32 s6, s28;
	s6 =	sadd.s32 s6, s0;
	s0 =	simm.s32 $0x13900  }
.LBB2_1:
0x13: {  	[tilespmem:s2], [sflag:$0x3] =	stream.linear.gather [hbm4b:s5+s2], $0x40, $0x38;
	[tilespmem:$0x18100] =	vst v63  }
0x14: {  	_ =	swait.ge [sflag:s11], $0x40  }
0x15: {  	[sflag:s11] =	ssyncset.done $0x0  }
0x16: {  	s23 =	simm.s32 $0x80;
	[sflag:s11] =	ssyncadd.s32 $0xFFFFFFC0  }
0x17: {  	[tilespmem:s23], [sflag:$0x3] =	stream.linear.gather [hbm4b:s6+s2], $0x40, $0x38;
	[tilespmem:$0x18100] =	vst v63  }
0x18: {  	_ =	swait.ge [sflag:s11], $0x40  }
0x19: {  	[sflag:s11] =	ssyncset.done $0x0  }
0x1a: {  	[sflag:s11] =	ssyncadd.s32 $0xFFFFFFC0  }
0x1b: {  	v3 =	vld [tilespmem:$0x0];
	_ =	sdelay $0x4  }
0x1c: {  	v4 =	vshrl.u32 v3, $0x3  }
0x1d: {  	v4 =	vmul.u32 $0x30, v4  }
0x1e: {  	v3 =	vand.u32 $0x7, v3  }
0x1f: {  	v3 =	vor.u32 v3, v4  }
0x20: {  	v4 =	vperm.xlane v3, v0;
	_ =	sdelay $0x1  }
0x21: {  	v4 =	vadd.s32 v1, v4;
	_ =	sdelay $0x3  }
0x22: {  	v3 =	vperm.xlane v3, v2  }
0x23: {  	[tilespmem:s13], [sflag:$0x1] =	stream.indirect_vreg.gather [hbm4b:s3+s2], $0x80, v4, vm0, $0xb8;
	[tilespmem:$0x18100] =	vst v63  }
0x24: {  	s25 =	simm.s32 $0x900;
	v3 =	vadd.s32 v1, v3  }
0x25: {  	[tilespmem:s25], [sflag:$0x1] =	stream.indirect_vreg.gather [hbm4b:s7+s2], $0x80, v4, vm0, $0xb8;
	[tilespmem:$0x18100] =	vst v63  }
0x26: {  	s26 =	simm.s32 $0x1100  }
0x27: {  	[tilespmem:s26], [sflag:$0x1] =	stream.indirect_vreg.gather [hbm4b:s8+s2], $0x80, v4, vm0, $0xb8;
	[tilespmem:$0x18100] =	vst v63  }
0x28: {  	s28 =	simm.s32 $0x1900  }
0x29: {  	[tilespmem:s28], [sflag:$0x1] =	stream.indirect_vreg.gather [hbm4b:s3+s2], $0x80, v3, vm0, $0xb8;
	[tilespmem:$0x18100] =	vst v63  }
0x2a: {  	s24 =	simm.s32 $0x2100  }
0x2b: {  	[tilespmem:s24], [sflag:$0x1] =	stream.indirect_vreg.gather [hbm4b:s7+s2], $0x80, v3, vm0, $0xb8;
	[tilespmem:$0x18100] =	vst v63  }
0x2c: {  	s25 =	simm.s32 $0x2900  }
0x2d: {  	[tilespmem:s25], [sflag:$0x1] =	stream.indirect_vreg.gather [hbm4b:s8+s2], $0x80, v3, vm0, $0xb8;
	[tilespmem:$0x18100] =	vst v63  }
0x2e: {  	v3 =	vld [tilespmem:$0x10];
	_ =	sdelay $0x4  }
0x2f: {  	v4 =	vshrl.u32 v3, $0x3  }
0x30: {  	v4 =	vmul.u32 $0x30, v4  }
0x31: {  	v3 =	vand.u32 $0x7, v3  }
0x32: {  	v3 =	vor.u32 v3, v4  }
0x33: {  	v4 =	vperm.xlane v3, v0;
	_ =	sdelay $0x1  }
0x34: {  	v4 =	vadd.s32 v1, v4;
	_ =	sdelay $0x3  }
0x35: {  	s26 =	simm.s32 $0x3100;
	v3 =	vperm.xlane v3, v2  }
0x36: {  	[tilespmem:s26], [sflag:$0x1] =	stream.indirect_vreg.gather [hbm4b:s3+s2], $0x80, v4, vm0, $0xb8;
	[tilespmem:$0x18100] =	vst v63  }
0x37: {  	s28 =	simm.s32 $0x3900;
	v3 =	vadd.s32 v1, v3  }
0x38: {  	[tilespmem:s28], [sflag:$0x1] =	stream.indirect_vreg.gather [hbm4b:s7+s2], $0x80, v4, vm0, $0xb8;
	[tilespmem:$0x18100] =	vst v63  }
0x39: {  	s24 =	simm.s32 $0x4100  }
0x3a: {  	[tilespmem:s24], [sflag:$0x1] =	stream.indirect_vreg.gather [hbm4b:s8+s2], $0x80, v4, vm0, $0xb8;
	[tilespmem:$0x18100] =	vst v63  }
0x3b: {  	s25 =	simm.s32 $0x4900  }
0x3c: {  	[tilespmem:s25], [sflag:$0x1] =	stream.indirect_vreg.gather [hbm4b:s3+s2], $0x80, v3, vm0, $0xb8;
	[tilespmem:$0x18100] =	vst v63  }
0x3d: {  	s26 =	simm.s32 $0x5100  }
0x3e: {  	[tilespmem:s26], [sflag:$0x1] =	stream.indirect_vreg.gather [hbm4b:s7+s2], $0x80, v3, vm0, $0xb8;
	[tilespmem:$0x18100] =	vst v63  }
0x3f: {  	s28 =	simm.s32 $0x5900  }
0x40: {  	[tilespmem:s28], [sflag:$0x1] =	stream.indirect_vreg.gather [hbm4b:s8+s2], $0x80, v3, vm0, $0xb8;
	[tilespmem:$0x18100] =	vst v63  }
0x41: {  	v3 =	vld [tilespmem:$0x20];
	_ =	sdelay $0x4  }
0x42: {  	v4 =	vshrl.u32 v3, $0x3  }
0x43: {  	v4 =	vmul.u32 $0x30, v4  }
0x44: {  	v3 =	vand.u32 $0x7, v3  }
0x45: {  	v3 =	vor.u32 v3, v4  }
0x46: {  	v4 =	vperm.xlane v3, v0;
	_ =	sdelay $0x1  }
0x47: {  	v4 =	vadd.s32 v1, v4;
	_ =	sdelay $0x3  }
0x48: {  	s24 =	simm.s32 $0x6100;
	v3 =	vperm.xlane v3, v2  }
0x49: {  	[tilespmem:s24], [sflag:$0x1] =	stream.indirect_vreg.gather [hbm4b:s3+s2], $0x80, v4, vm0, $0xb8;
	[tilespmem:$0x18100] =	vst v63  }
0x4a: {  	s25 =	simm.s32 $0x6900;
	v3 =	vadd.s32 v1, v3  }
0x4b: {  	[tilespmem:s25], [sflag:$0x1] =	stream.indirect_vreg.gather [hbm4b:s7+s2], $0x80, v4, vm0, $0xb8;
	[tilespmem:$0x18100] =	vst v63  }
0x4c: {  	s26 =	simm.s32 $0x7100  }
0x4d: {  	[tilespmem:s26], [sflag:$0x1] =	stream.indirect_vreg.gather [hbm4b:s8+s2], $0x80, v4, vm0, $0xb8;
	[tilespmem:$0x18100] =	vst v63  }
0x4e: {  	s28 =	simm.s32 $0x7900  }
0x4f: {  	[tilespmem:s28], [sflag:$0x1] =	stream.indirect_vreg.gather [hbm4b:s3+s2], $0x80, v3, vm0, $0xb8;
	[tilespmem:$0x18100] =	vst v63  }
0x50: {  	s24 =	simm.s32 $0x8100  }
0x51: {  	[tilespmem:s24], [sflag:$0x1] =	stream.indirect_vreg.gather [hbm4b:s7+s2], $0x80, v3, vm0, $0xb8;
	[tilespmem:$0x18100] =	vst v63  }
0x52: {  	s25 =	simm.s32 $0x8900  }
0x53: {  	[tilespmem:s25], [sflag:$0x1] =	stream.indirect_vreg.gather [hbm4b:s8+s2], $0x80, v3, vm0, $0xb8;
	[tilespmem:$0x18100] =	vst v63  }
0x54: {  	v3 =	vld [tilespmem:$0x30];
	_ =	sdelay $0x4  }
0x55: {  	v4 =	vshrl.u32 v3, $0x3  }
0x56: {  	v4 =	vmul.u32 $0x30, v4  }
0x57: {  	v3 =	vand.u32 $0x7, v3  }
0x58: {  	v3 =	vor.u32 v3, v4  }
0x59: {  	v4 =	vperm.xlane v3, v0;
	_ =	sdelay $0x1  }
0x5a: {  	v4 =	vadd.s32 v1, v4;
	_ =	sdelay $0x3  }
0x5b: {  	s26 =	simm.s32 $0x9100;
	v3 =	vperm.xlane v3, v2  }
0x5c: {  	[tilespmem:s26], [sflag:$0x1] =	stream.indirect_vreg.gather [hbm4b:s3+s2], $0x80, v4, vm0, $0xb8;
	[tilespmem:$0x18100] =	vst v63  }
0x5d: {  	s28 =	simm.s32 $0x9900;
	v3 =	vadd.s32 v1, v3  }
0x5e: {  	[tilespmem:s28], [sflag:$0x1] =	stream.indirect_vreg.gather [hbm4b:s7+s2], $0x80, v4, vm0, $0xb8;
	[tilespmem:$0x18100] =	vst v63  }
0x5f: {  	s24 =	simm.s32 $0xA100  }
0x60: {  	[tilespmem:s24], [sflag:$0x1] =	stream.indirect_vreg.gather [hbm4b:s8+s2], $0x80, v4, vm0, $0xb8;
	[tilespmem:$0x18100] =	vst v63  }
0x61: {  	s25 =	simm.s32 $0xA900  }
0x62: {  	[tilespmem:s25], [sflag:$0x1] =	stream.indirect_vreg.gather [hbm4b:s3+s2], $0x80, v3, vm0, $0xb8;
	[tilespmem:$0x18100] =	vst v63  }
0x63: {  	s26 =	simm.s32 $0xB100  }
0x64: {  	[tilespmem:s26], [sflag:$0x1] =	stream.indirect_vreg.gather [hbm4b:s7+s2], $0x80, v3, vm0, $0xb8;
	[tilespmem:$0x18100] =	vst v63  }
0x65: {  	s28 =	simm.s32 $0xB900  }
0x66: {  	[tilespmem:s28], [sflag:$0x1] =	stream.indirect_vreg.gather [hbm4b:s8+s2], $0x80, v3, vm0, $0xb8;
	[tilespmem:$0x18100] =	vst v63  }
0x67: {  	v3 =	vld [tilespmem:$0x80];
	_ =	sdelay $0x4  }
0x68: {  	v4 =	vshrl.u32 v3, $0x3  }
0x69: {  	v4 =	vmul.u32 $0x30, v4  }
0x6a: {  	v3 =	vand.u32 $0x7, v3  }
0x6b: {  	v3 =	vor.u32 v3, v4  }
0x6c: {  	v4 =	vperm.xlane v3, v0;
	_ =	sdelay $0x1  }
0x6d: {  	v4 =	vadd.s32 v1, v4;
	_ =	sdelay $0x3  }
0x6e: {  	s24 =	simm.s32 $0xC100;
	v3 =	vperm.xlane v3, v2  }
0x6f: {  	[tilespmem:s24], [sflag:$0x2] =	stream.indirect_vreg.gather [hbm4b:s3+s2], $0x80, v4, vm0, $0xb8;
	[tilespmem:$0x18100] =	vst v63  }
0x70: {  	s25 =	simm.s32 $0xC900;
	v3 =	vadd.s32 v1, v3  }
0x71: {  	[tilespmem:s25], [sflag:$0x2] =	stream.indirect_vreg.gather [hbm4b:s7+s2], $0x80, v4, vm0, $0xb8;
	[tilespmem:$0x18100] =	vst v63  }
0x72: {  	s26 =	simm.s32 $0xD100  }
0x73: {  	[tilespmem:s26], [sflag:$0x2] =	stream.indirect_vreg.gather [hbm4b:s8+s2], $0x80, v4, vm0, $0xb8;
	[tilespmem:$0x18100] =	vst v63  }
0x74: {  	s28 =	simm.s32 $0xD900  }
0x75: {  	[tilespmem:s28], [sflag:$0x2] =	stream.indirect_vreg.gather [hbm4b:s3+s2], $0x80, v3, vm0, $0xb8;
	[tilespmem:$0x18100] =	vst v63  }
0x76: {  	s24 =	simm.s32 $0xE100  }
0x77: {  	[tilespmem:s24], [sflag:$0x2] =	stream.indirect_vreg.gather [hbm4b:s7+s2], $0x80, v3, vm0, $0xb8;
	[tilespmem:$0x18100] =	vst v63  }
0x78: {  	s25 =	simm.s32 $0xE900  }
0x79: {  	[tilespmem:s25], [sflag:$0x2] =	stream.indirect_vreg.gather [hbm4b:s8+s2], $0x80, v3, vm0, $0xb8;
	[tilespmem:$0x18100] =	vst v63  }
0x7a: {  	v3 =	vld [tilespmem:$0x90];
	_ =	sdelay $0x4  }
0x7b: {  	v4 =	vshrl.u32 v3, $0x3  }
0x7c: {  	v4 =	vmul.u32 $0x30, v4  }
0x7d: {  	v3 =	vand.u32 $0x7, v3  }
0x7e: {  	v3 =	vor.u32 v3, v4  }
0x7f: {  	v4 =	vperm.xlane v3, v0;
	_ =	sdelay $0x1  }
0x80: {  	v4 =	vadd.s32 v1, v4;
	_ =	sdelay $0x3  }
0x81: {  	s26 =	simm.s32 $0xF100;
	v3 =	vperm.xlane v3, v2  }
0x82: {  	[tilespmem:s26], [sflag:$0x2] =	stream.indirect_vreg.gather [hbm4b:s3+s2], $0x80, v4, vm0, $0xb8;
	[tilespmem:$0x18100] =	vst v63  }
0x83: {  	s28 =	simm.s32 $0xF900;
	v3 =	vadd.s32 v1, v3  }
0x84: {  	[tilespmem:s28], [sflag:$0x2] =	stream.indirect_vreg.gather [hbm4b:s7+s2], $0x80, v4, vm0, $0xb8;
	[tilespmem:$0x18100] =	vst v63  }
0x85: {  	s24 =	simm.s32 $0x10100  }
0x86: {  	[tilespmem:s24], [sflag:$0x2] =	stream.indirect_vreg.gather [hbm4b:s8+s2], $0x80, v4, vm0, $0xb8;
	[tilespmem:$0x18100] =	vst v63  }
0x87: {  	s25 =	simm.s32 $0x10900  }
0x88: {  	[tilespmem:s25], [sflag:$0x2] =	stream.indirect_vreg.gather [hbm4b:s3+s2], $0x80, v3, vm0, $0xb8;
	[tilespmem:$0x18100] =	vst v63  }
0x89: {  	s26 =	simm.s32 $0x11100  }
0x8a: {  	[tilespmem:s26], [sflag:$0x2] =	stream.indirect_vreg.gather [hbm4b:s7+s2], $0x80, v3, vm0, $0xb8;
	[tilespmem:$0x18100] =	vst v63  }
0x8b: {  	_ = 	snop  }
0x8c: {  	[tilespmem:s29], [sflag:$0x2] =	stream.indirect_vreg.gather [hbm4b:s8+s2], $0x80, v3, vm0, $0xb8;
	[tilespmem:$0x18100] =	vst v63  }
0x8d: {  	v3 =	vld [tilespmem:$0xA0];
	_ =	sdelay $0x4  }
0x8e: {  	v4 =	vshrl.u32 v3, $0x3  }
0x8f: {  	v4 =	vmul.u32 $0x30, v4  }
0x90: {  	v3 =	vand.u32 $0x7, v3  }
0x91: {  	v3 =	vor.u32 v3, v4  }
0x92: {  	v4 =	vperm.xlane v3, v0;
	_ =	sdelay $0x1  }
0x93: {  	v4 =	vadd.s32 v1, v4;
	_ =	sdelay $0x3  }
0x94: {  	v3 =	vperm.xlane v3, v2  }
0x95: {  	[tilespmem:s30], [sflag:$0x2] =	stream.indirect_vreg.gather [hbm4b:s3+s2], $0x80, v4, vm0, $0xb8;
	[tilespmem:$0x18100] =	vst v63  }
0x96: {  	v3 =	vadd.s32 v1, v3  }
0x97: {  	[tilespmem:s31], [sflag:$0x2] =	stream.indirect_vreg.gather [hbm4b:s7+s2], $0x80, v4, vm0, $0xb8;
	[tilespmem:$0x18100] =	vst v63  }
0x98: {  	_ = 	snop  }
0x99: {  	[tilespmem:s1], [sflag:$0x2] =	stream.indirect_vreg.gather [hbm4b:s8+s2], $0x80, v4, vm0, $0xb8;
	[tilespmem:$0x18100] =	vst v63  }
0x9a: {  	_ = 	snop  }
0x9b: {  	[tilespmem:s0], [sflag:$0x2] =	stream.indirect_vreg.gather [hbm4b:s3+s2], $0x80, v3, vm0, $0xb8;
	[tilespmem:$0x18100] =	vst v63  }
0x9c: {  	_ = 	snop  }
0x9d: {  	[tilespmem:s12], [sflag:$0x2] =	stream.indirect_vreg.gather [hbm4b:s7+s2], $0x80, v3, vm0, $0xb8;
	[tilespmem:$0x18100] =	vst v63  }
0x9e: {  	_ = 	snop  }
0x9f: {  	[tilespmem:s14], [sflag:$0x2] =	stream.indirect_vreg.gather [hbm4b:s8+s2], $0x80, v3, vm0, $0xb8;
	[tilespmem:$0x18100] =	vst v63  }
0xa0: {  	v3 =	vld [tilespmem:$0xB0];
	_ =	sdelay $0x4  }
0xa1: {  	v4 =	vshrl.u32 v3, $0x3  }
0xa2: {  	v4 =	vmul.u32 $0x30, v4  }
0xa3: {  	v3 =	vand.u32 $0x7, v3  }
0xa4: {  	v3 =	vor.u32 v3, v4  }
0xa5: {  	v4 =	vperm.xlane v3, v0;
	_ =	sdelay $0x1  }
0xa6: {  	v4 =	vadd.s32 v1, v4;
	_ =	sdelay $0x3  }
0xa7: {  	v3 =	vperm.xlane v3, v2  }
0xa8: {  	[tilespmem:s15], [sflag:$0x2] =	stream.indirect_vreg.gather [hbm4b:s3+s2], $0x80, v4, vm0, $0xb8;
	[tilespmem:$0x18100] =	vst v63  }
0xa9: {  	v3 =	vadd.s32 v1, v3  }
0xaa: {  	[tilespmem:s16], [sflag:$0x2] =	stream.indirect_vreg.gather [hbm4b:s7+s2], $0x80, v4, vm0, $0xb8;
	[tilespmem:$0x18100] =	vst v63  }
0xab: {  	_ = 	snop  }
0xac: {  	[tilespmem:s17], [sflag:$0x2] =	stream.indirect_vreg.gather [hbm4b:s8+s2], $0x80, v4, vm0, $0xb8;
	[tilespmem:$0x18100] =	vst v63  }
0xad: {  	_ = 	snop  }
0xae: {  	[tilespmem:s18], [sflag:$0x2] =	stream.indirect_vreg.gather [hbm4b:s3+s2], $0x80, v3, vm0, $0xb8;
	[tilespmem:$0x18100] =	vst v63  }
0xaf: {  	_ = 	snop  }
0xb0: {  	[tilespmem:s19], [sflag:$0x2] =	stream.indirect_vreg.gather [hbm4b:s7+s2], $0x80, v3, vm0, $0xb8;
	[tilespmem:$0x18100] =	vst v63  }
0xb1: {  	_ = 	snop  }
0xb2: {  	[tilespmem:s20], [sflag:$0x2] =	stream.indirect_vreg.gather [hbm4b:s8+s2], $0x80, v3, vm0, $0xb8;
	[tilespmem:$0x18100] =	vst v63  }
0xb3: {  	_ =	swait.ge [sflag:s4], $0xC000  }
0xb4: {  	[sflag:s4] =	ssyncset.done $0x0  }
0xb5: {  	s28 =	simm.s32 $0x0;
	[sflag:s4] =	ssyncadd.s32 $0xFFFF4000  }
0xb6: {  	s23 =	smul.u32 $0x1800, s28;
	_ =	swait.ge [sflag:s21], $0xC000  }
0xb7: {  	s24 =	sand.u32 $0x380, s2;
	[sflag:s21] =	ssyncset.done $0x0  }
0xb8: {  	s23 =	sor.u32 s24, s23;
	[sflag:s21] =	ssyncadd.s32 $0xFFFF4000  }
0xb9: {  	v12 =	vld [tilespmem:s23+$0xC100]  }
0xba: {  	v13 =	vld [tilespmem:s23+$0xC110]  }
0xbb: {  	v14 =	vld [tilespmem:s23+$0xC120]  }
0xbc: {  	v15 =	vld [tilespmem:s23+$0xC130]  }
0xbd: {  	v16 =	vld [tilespmem:s23+$0xC140]  }
0xbe: {  	v17 =	vld [tilespmem:s23+$0xC150]  }
0xbf: {  	v18 =	vld [tilespmem:s23+$0xC160]  }
0xc0: {  	v19 =	vld [tilespmem:s23+$0xC170]  }
0xc1: {  	v20 =	vld [tilespmem:s23+$0xC500]  }
0xc2: {  	v21 =	vld [tilespmem:s23+$0xC510]  }
0xc3: {  	v22 =	vld [tilespmem:s23+$0xC520]  }
0xc4: {  	v23 =	vld [tilespmem:s23+$0xC530]  }
0xc5: {  	v24 =	vld [tilespmem:s23+$0xC540]  }
0xc6: {  	v25 =	vld [tilespmem:s23+$0xC550]  }
0xc7: {  	v26 =	vld [tilespmem:s23+$0xC560]  }
0xc8: {  	v27 =	vld [tilespmem:s23+$0xC570]  }
0xc9: {  	v28 =	vld [tilespmem:s23+$0xC900]  }
0xca: {  	v29 =	vld [tilespmem:s23+$0xC910]  }
0xcb: {  	v30 =	vld [tilespmem:s23+$0xC920]  }
0xcc: {  	v31 =	vld [tilespmem:s23+$0xC930]  }
0xcd: {  	v32 =	vld [tilespmem:s23+$0xC940]  }
0xce: {  	v33 =	vld [tilespmem:s23+$0xC950]  }
0xcf: {  	v34 =	vld [tilespmem:s23+$0xC960]  }
0xd0: {  	v35 =	vld [tilespmem:s23+$0xC970]  }
0xd1: {  	v36 =	vld [tilespmem:s23+$0xCD00]  }
0xd2: {  	v37 =	vld [tilespmem:s23+$0xCD10]  }
0xd3: {  	v38 =	vld [tilespmem:s23+$0xCD20]  }
0xd4: {  	v39 =	vld [tilespmem:s23+$0xCD30]  }
0xd5: {  	v40 =	vld [tilespmem:s23+$0xCD40]  }
0xd6: {  	v41 =	vld [tilespmem:s23+$0xCD50]  }
0xd7: {  	v42 =	vld [tilespmem:s23+$0xCD60]  }
0xd8: {  	v43 =	vld [tilespmem:s23+$0xCD70]  }
0xd9: {  	v44 =	vld [tilespmem:s23+$0xD100]  }
0xda: {  	v45 =	vld [tilespmem:s23+$0xD110]  }
0xdb: {  	v46 =	vld [tilespmem:s23+$0xD120]  }
0xdc: {  	v47 =	vld [tilespmem:s23+$0xD130]  }
0xdd: {  	v48 =	vld [tilespmem:s23+$0xD140]  }
0xde: {  	v49 =	vld [tilespmem:s23+$0xD150]  }
0xdf: {  	v50 =	vld [tilespmem:s23+$0xD160]  }
0xe0: {  	v11 =	vld [tilespmem:s23+$0xD170]  }
0xe1: {  	v10 =	vld [tilespmem:s23+$0xD500]  }
0xe2: {  	v9 =	vld [tilespmem:s23+$0xD510]  }
0xe3: {  	v8 =	vld [tilespmem:s23+$0xD520]  }
0xe4: {  	v7 =	vld [tilespmem:s23+$0xD530]  }
0xe5: {  	v6 =	vld [tilespmem:s23+$0xD540]  }
0xe6: {  	v51 =	vld [tilespmem:s23+$0x100]  }
0xe7: {  	v52 =	vld [tilespmem:s23+$0x110]  }
0xe8: {  	v53 =	vld [tilespmem:s23+$0x120]  }
0xe9: {  	v54 =	vld [tilespmem:s23+$0x130]  }
0xea: {  	v55 =	vld [tilespmem:s23+$0x140]  }
0xeb: {  	v62 =	vld [tilespmem:s23+$0x150];
	v12 =	vadd.f32 v12, v51  }
0xec: {  	v63 =	vld [tilespmem:s23+$0x160];
	v13 =	vadd.f32 v13, v52  }
0xed: {  	[tilespmem:s23+$0x100] =	vst v12;
	v12 =	vadd.f32 v14, v53;
	v14 =	vld [tilespmem:s23+$0x170]  }
0xee: {  	[tilespmem:s23+$0x110] =	vst v13;
	v13 =	vadd.f32 v15, v54;
	v15 =	vld [tilespmem:s23+$0x500]  }
0xef: {  	[tilespmem:s23+$0x120] =	vst v12;
	v12 =	vadd.f32 v16, v55;
	v16 =	vld [tilespmem:s23+$0x510]  }
0xf0: {  	[tilespmem:s23+$0x130] =	vst v13;
	v13 =	vadd.f32 v17, v62;
	v17 =	vld [tilespmem:s23+$0x520]  }
0xf1: {  	v5 =	vld [tilespmem:s23+$0xD550]  }
0xf2: {  	[tilespmem:s23+$0x140] =	vst v12;
	v12 =	vadd.f32 v18, v63;
	v18 =	vld [tilespmem:s23+$0x570]  }
0xf3: {  	[tilespmem:s23+$0x150] =	vst v13;
	v13 =	vadd.f32 v19, v14;
	v14 =	vld [tilespmem:s23+$0x530]  }
0xf4: {  	[tilespmem:s23+$0x160] =	vst v12;
	v12 =	vadd.f32 v20, v15;
	v15 =	vld [tilespmem:s23+$0x540]  }
0xf5: {  	[tilespmem:s23+$0x170] =	vst v13;
	v13 =	vadd.f32 v21, v16;
	v16 =	vadd.f32 v22, v17;
	v17 =	vld [tilespmem:s23+$0x560]  }
0xf6: {  	[tilespmem:s23+$0x500] =	vst v12;
	v12 =	vld [tilespmem:s23+$0x550]  }
0xf7: {  	[tilespmem:s23+$0x510] =	vst v13;
	v13 =	vld [tilespmem:s23+$0x900];
	v18 =	vadd.f32 v27, v18  }
0xf8: {  	[tilespmem:s23+$0x520] =	vst v16;
	v16 =	vld [tilespmem:s23+$0x910];
	v14 =	vadd.f32 v23, v14  }
0xf9: {  	v4 =	vld [tilespmem:s23+$0xD560];
	v15 =	vadd.f32 v24, v15;
	[tilespmem:s23+$0x570] =	vst v18  }
0xfa: {  	[tilespmem:s23+$0x530] =	vst v14;
	v14 =	vld [tilespmem:s23+$0x920];
	v17 =	vadd.f32 v26, v17  }
0xfb: {  	v12 =	vadd.f32 v25, v12;
	[tilespmem:s23+$0x540] =	vst v15;
	v15 =	vld [tilespmem:s23+$0x930]  }
0xfc: {  	v18 =	vld [tilespmem:s23+$0x970];
	[tilespmem:s23+$0x560] =	vst v17;
	v13 =	vadd.f32 v28, v13  }
0xfd: {  	v16 =	vadd.f32 v29, v16;
	[tilespmem:s23+$0x550] =	vst v12;
	v12 =	vld [tilespmem:s23+$0x940]  }
0xfe: {  	v17 =	vld [tilespmem:s23+$0x950];
	[tilespmem:s23+$0x900] =	vst v13  }
0xff: {  	[tilespmem:s23+$0x910] =	vst v16;
	v16 =	vld [tilespmem:s23+$0x960];
	v13 =	vadd.f32 v30, v14  }
0x100: {  	v14 =	vld [tilespmem:s23+$0xD00];
	v15 =	vadd.f32 v31, v15  }
0x101: {  	[tilespmem:s23+$0x920] =	vst v13;
	v13 =	vld [tilespmem:s23+$0xD10]  }
0x102: {  	v12 =	vadd.f32 v32, v12;
	[tilespmem:s23+$0x930] =	vst v15;
	v15 =	vld [tilespmem:s23+$0xD20]  }
0x103: {  	v3 =	vld [tilespmem:s23+$0xD570];
	v17 =	vadd.f32 v33, v17  }
0x104: {  	v16 =	vadd.f32 v34, v16;
	[tilespmem:s23+$0x940] =	vst v12;
	v12 =	vld [tilespmem:s23+$0xD30]  }
0x105: {  	[tilespmem:s23+$0x950] =	vst v17;
	v17 =	vld [tilespmem:s23+$0xD40];
	v14 =	vadd.f32 v36, v14  }
0x106: {  	v18 =	vadd.f32 v35, v18;
	[tilespmem:s23+$0x960] =	vst v16;
	v16 =	vld [tilespmem:s23+$0xD50]  }
0x107: {  	v13 =	vadd.f32 v37, v13;
	[tilespmem:s23+$0xD00] =	vst v14;
	v14 =	vadd.f32 v38, v15;
	v15 =	vld [tilespmem:s23+$0xD60]  }
0x108: {  	[tilespmem:s23+$0x970] =	vst v18;
	v18 =	vld [tilespmem:s23+$0xD70]  }
0x109: {  	[tilespmem:s23+$0xD10] =	vst v13;
	v13 =	vld [tilespmem:s23+$0x1100];
	v12 =	vadd.f32 v39, v12  }
0x10a: {  	v17 =	vadd.f32 v40, v17;
	[tilespmem:s23+$0xD20] =	vst v14;
	v14 =	vld [tilespmem:s23+$0x1110]  }
0x10b: {  	v16 =	vadd.f32 v41, v16;
	[tilespmem:s23+$0xD30] =	vst v12;
	v12 =	vld [tilespmem:s23+$0x1120]  }
0x10c: {  	[tilespmem:s23+$0xD40] =	vst v17;
	v17 =	vld [tilespmem:s23+$0x1130];
	v15 =	vadd.f32 v42, v15  }
0x10d: {  	v19 =	vld [tilespmem:s23+$0x1140];
	[tilespmem:s23+$0xD50] =	vst v16;
	v16 =	vadd.f32 v43, v18  }
0x10e: {  	v18 =	vld [tilespmem:s23+$0x1150];
	v13 =	vadd.f32 v44, v13;
	[tilespmem:s23+$0xD60] =	vst v15  }
0x10f: {  	v20 =	vld [tilespmem:s23+$0x1160];
	[tilespmem:s23+$0xD70] =	vst v16;
	v14 =	vadd.f32 v45, v14  }
0x110: {  	v16 =	vld [tilespmem:s23+$0x1170];
	[tilespmem:s23+$0x1100] =	vst v13;
	v12 =	vadd.f32 v46, v12  }
0x111: {  	v15 =	vld [tilespmem:s23+$0x1500];
	v13 =	vadd.f32 v47, v17;
	[tilespmem:s23+$0x1110] =	vst v14  }
0x112: {  	v14 =	vld [tilespmem:s23+$0x1510];
	[tilespmem:s23+$0x1120] =	vst v12;
	v12 =	vadd.f32 v48, v19  }
0x113: {  	[tilespmem:s23+$0x1130] =	vst v13;
	v13 =	vld [tilespmem:s23+$0x1520];
	v18 =	vadd.f32 v49, v18  }
0x114: {  	s24 =	simm.s32 $0x1;
	s25 =	simm.s32 $0x0;
	v17 =	vadd.f32 v50, v20;
	[tilespmem:s23+$0x1140] =	vst v12;
	v12 =	vld [tilespmem:s23+$0x1530]  }
.LBB2_2:
0x115: {  	s26 =	sshrl.u32 s24, $0x3;
	p0 =	sne.s32 s24, $0x3F;
	[tilespmem:s23+$0x1150] =	vst v18;
	v11 =	vadd.f32 v11, v16;
	v16 =	vld [tilespmem:s23+$0x1540]  }
0x116: {  	s25 =	sadd.s32 $0x80, s25;
	s26 =	smul.u32 $0x1800, s26;
	[tilespmem:s23+$0x1160] =	vst v17;
	v10 =	vadd.f32 v10, v15;
	v15 =	vld [tilespmem:s23+$0x1550]  }
0x117: {  	s28 =	sand.u32 $0x380, s25;
	[tilespmem:s23+$0x1170] =	vst v11;
	v9 =	vadd.f32 v9, v14;
	v11 =	vld [tilespmem:s23+$0x1560]  }
0x118: {  	s26 =	sor.u32 s28, s26;
	[tilespmem:s23+$0x1500] =	vst v10;
	v8 =	vadd.f32 v8, v13;
	v10 =	vld [tilespmem:s23+$0x1570]  }
0x119: {  	v39 =	vld [tilespmem:s26+$0xC100];
	[tilespmem:s23+$0x1510] =	vst v9;
	v7 =	vadd.f32 v7, v12  }
0x11a: {  	v40 =	vld [tilespmem:s26+$0xC110];
	[tilespmem:s23+$0x1520] =	vst v8;
	v6 =	vadd.f32 v6, v16  }
0x11b: {  	v41 =	vld [tilespmem:s26+$0xC120];
	[tilespmem:s23+$0x1530] =	vst v7;
	v5 =	vadd.f32 v5, v15  }
0x11c: {  	v42 =	vld [tilespmem:s26+$0xC130];
	[tilespmem:s23+$0x1540] =	vst v6;
	v4 =	vadd.f32 v4, v11  }
0x11d: {  	v43 =	vld [tilespmem:s26+$0xC140];
	[tilespmem:s23+$0x1550] =	vst v5;
	v3 =	vadd.f32 v3, v10  }
0x11e: {  	v44 =	vld [tilespmem:s26+$0xC150];
	[tilespmem:s23+$0x1560] =	vst v4  }
0x11f: {  	v45 =	vld [tilespmem:s26+$0xC160];
	[tilespmem:s23+$0x1570] =	vst v3;
	s23 =	smov.u32 s26  }
0x120: {  	v46 =	vld [tilespmem:s23+$0xC170]  }
0x121: {  	v47 =	vld [tilespmem:s23+$0xC500]  }
0x122: {  	v48 =	vld [tilespmem:s23+$0xC510]  }
0x123: {  	v49 =	vld [tilespmem:s23+$0xC520]  }
0x124: {  	v50 =	vld [tilespmem:s23+$0xC530]  }
0x125: {  	v38 =	vld [tilespmem:s23+$0xC540]  }
0x126: {  	v37 =	vld [tilespmem:s23+$0xC550]  }
0x127: {  	v36 =	vld [tilespmem:s23+$0xC560]  }
0x128: {  	v35 =	vld [tilespmem:s23+$0xC570]  }
0x129: {  	v34 =	vld [tilespmem:s23+$0xC900]  }
0x12a: {  	v33 =	vld [tilespmem:s23+$0xC910]  }
0x12b: {  	v32 =	vld [tilespmem:s23+$0xC920]  }
0x12c: {  	v31 =	vld [tilespmem:s23+$0xC930]  }
0x12d: {  	v30 =	vld [tilespmem:s23+$0xC940]  }
0x12e: {  	v29 =	vld [tilespmem:s23+$0xC950]  }
0x12f: {  	v28 =	vld [tilespmem:s23+$0xC960]  }
0x130: {  	v27 =	vld [tilespmem:s23+$0xC970]  }
0x131: {  	v26 =	vld [tilespmem:s23+$0xCD00]  }
0x132: {  	v25 =	vld [tilespmem:s23+$0xCD10]  }
0x133: {  	v24 =	vld [tilespmem:s23+$0xCD20]  }
0x134: {  	v23 =	vld [tilespmem:s23+$0xCD30]  }
0x135: {  	v22 =	vld [tilespmem:s23+$0xCD40]  }
0x136: {  	v21 =	vld [tilespmem:s23+$0xCD50]  }
0x137: {  	v20 =	vld [tilespmem:s23+$0xCD60]  }
0x138: {  	v19 =	vld [tilespmem:s23+$0xCD70]  }
0x139: {  	v18 =	vld [tilespmem:s23+$0xD100]  }
0x13a: {  	v17 =	vld [tilespmem:s23+$0xD110]  }
0x13b: {  	v16 =	vld [tilespmem:s23+$0xD120]  }
0x13c: {  	v15 =	vld [tilespmem:s23+$0xD130]  }
0x13d: {  	v14 =	vld [tilespmem:s23+$0xD140]  }
0x13e: {  	v13 =	vld [tilespmem:s23+$0xD150]  }
0x13f: {  	v12 =	vld [tilespmem:s23+$0xD160]  }
0x140: {  	v11 =	vld [tilespmem:s23+$0xD170]  }
0x141: {  	v10 =	vld [tilespmem:s23+$0xD500]  }
0x142: {  	v9 =	vld [tilespmem:s23+$0xD510]  }
0x143: {  	v8 =	vld [tilespmem:s23+$0xD520]  }
0x144: {  	v7 =	vld [tilespmem:s23+$0xD530]  }
0x145: {  	v6 =	vld [tilespmem:s23+$0xD540]  }
0x146: {  	v5 =	vld [tilespmem:s23+$0xD550]  }
0x147: {  	v4 =	vld [tilespmem:s23+$0xD560]  }
0x148: {  	v3 =	vld [tilespmem:s23+$0xD570]  }
0x149: {  	v51 =	vld [tilespmem:s23+$0x100]  }
0x14a: {  	v52 =	vld [tilespmem:s23+$0x110]  }
0x14b: {  	v53 =	vld [tilespmem:s23+$0x120]  }
0x14c: {  	v54 =	vld [tilespmem:s23+$0x130]  }
0x14d: {  	v55 =	vld [tilespmem:s23+$0x140]  }
0x14e: {  	v39 =	vadd.f32 v39, v51;
	v51 =	vld [tilespmem:s23+$0x150]  }
0x14f: {  	v40 =	vadd.f32 v40, v52;
	v52 =	vld [tilespmem:s23+$0x160]  }
0x150: {  	[tilespmem:s23+$0x100] =	vst v39;
	v39 =	vadd.f32 v41, v53;
	v41 =	vld [tilespmem:s23+$0x170]  }
0x151: {  	[tilespmem:s23+$0x110] =	vst v40;
	v40 =	vadd.f32 v42, v54;
	v42 =	vld [tilespmem:s23+$0x500]  }
0x152: {  	[tilespmem:s23+$0x120] =	vst v39;
	v39 =	vadd.f32 v43, v55;
	v43 =	vld [tilespmem:s23+$0x510]  }
0x153: {  	[tilespmem:s23+$0x130] =	vst v40;
	v40 =	vadd.f32 v44, v51;
	v44 =	vld [tilespmem:s23+$0x520]  }
0x154: {  	[tilespmem:s23+$0x140] =	vst v39;
	v39 =	vadd.f32 v45, v52;
	v45 =	vld [tilespmem:s23+$0x530]  }
0x155: {  	[tilespmem:s23+$0x150] =	vst v40;
	v40 =	vadd.f32 v46, v41;
	v41 =	vld [tilespmem:s23+$0x540]  }
0x156: {  	[tilespmem:s23+$0x160] =	vst v39;
	v39 =	vadd.f32 v47, v42;
	v42 =	vld [tilespmem:s23+$0x550]  }
0x157: {  	[tilespmem:s23+$0x170] =	vst v40;
	v40 =	vadd.f32 v48, v43;
	v43 =	vld [tilespmem:s23+$0x560]  }
0x158: {  	[tilespmem:s23+$0x500] =	vst v39;
	v39 =	vadd.f32 v49, v44;
	v44 =	vld [tilespmem:s23+$0x570]  }
0x159: {  	[tilespmem:s23+$0x510] =	vst v40;
	v40 =	vadd.f32 v50, v45;
	v45 =	vld [tilespmem:s23+$0x900]  }
0x15a: {  	[tilespmem:s23+$0x520] =	vst v39;
	v38 =	vadd.f32 v38, v41;
	v39 =	vld [tilespmem:s23+$0x910]  }
0x15b: {  	[tilespmem:s23+$0x530] =	vst v40;
	v37 =	vadd.f32 v37, v42;
	v40 =	vld [tilespmem:s23+$0x920]  }
0x15c: {  	[tilespmem:s23+$0x540] =	vst v38;
	v36 =	vadd.f32 v36, v43;
	v38 =	vld [tilespmem:s23+$0x930]  }
0x15d: {  	[tilespmem:s23+$0x550] =	vst v37;
	v35 =	vadd.f32 v35, v44;
	v37 =	vld [tilespmem:s23+$0x940]  }
0x15e: {  	[tilespmem:s23+$0x560] =	vst v36;
	v34 =	vadd.f32 v34, v45;
	v36 =	vld [tilespmem:s23+$0x950]  }
0x15f: {  	[tilespmem:s23+$0x570] =	vst v35;
	v33 =	vadd.f32 v33, v39;
	v35 =	vld [tilespmem:s23+$0x960]  }
0x160: {  	[tilespmem:s23+$0x900] =	vst v34;
	v32 =	vadd.f32 v32, v40;
	v34 =	vld [tilespmem:s23+$0x970]  }
0x161: {  	[tilespmem:s23+$0x910] =	vst v33;
	v31 =	vadd.f32 v31, v38;
	v33 =	vld [tilespmem:s23+$0xD00]  }
0x162: {  	[tilespmem:s23+$0x920] =	vst v32;
	v30 =	vadd.f32 v30, v37;
	v32 =	vld [tilespmem:s23+$0xD10]  }
0x163: {  	[tilespmem:s23+$0x930] =	vst v31;
	v29 =	vadd.f32 v29, v36;
	v31 =	vld [tilespmem:s23+$0xD20]  }
0x164: {  	[tilespmem:s23+$0x940] =	vst v30;
	v28 =	vadd.f32 v28, v35;
	v30 =	vld [tilespmem:s23+$0xD30]  }
0x165: {  	[tilespmem:s23+$0x950] =	vst v29;
	v27 =	vadd.f32 v27, v34;
	v29 =	vld [tilespmem:s23+$0xD40]  }
0x166: {  	[tilespmem:s23+$0x960] =	vst v28;
	v26 =	vadd.f32 v26, v33;
	v28 =	vld [tilespmem:s23+$0xD50]  }
0x167: {  	[tilespmem:s23+$0x970] =	vst v27;
	v25 =	vadd.f32 v25, v32;
	v27 =	vld [tilespmem:s23+$0xD60]  }
0x168: {  	[tilespmem:s23+$0xD00] =	vst v26;
	v24 =	vadd.f32 v24, v31;
	v26 =	vld [tilespmem:s23+$0xD70]  }
0x169: {  	[tilespmem:s23+$0xD10] =	vst v25;
	v23 =	vadd.f32 v23, v30;
	v25 =	vld [tilespmem:s23+$0x1100]  }
0x16a: {  	[tilespmem:s23+$0xD20] =	vst v24;
	v22 =	vadd.f32 v22, v29;
	v24 =	vld [tilespmem:s23+$0x1110]  }
0x16b: {  	[tilespmem:s23+$0xD30] =	vst v23;
	v21 =	vadd.f32 v21, v28;
	v23 =	vld [tilespmem:s23+$0x1120]  }
0x16c: {  	[tilespmem:s23+$0xD40] =	vst v22;
	v20 =	vadd.f32 v20, v27;
	v22 =	vld [tilespmem:s23+$0x1130]  }
0x16d: {  	[tilespmem:s23+$0xD50] =	vst v21;
	v19 =	vadd.f32 v19, v26;
	v21 =	vld [tilespmem:s23+$0x1140]  }
0x16e: {  	[tilespmem:s23+$0xD60] =	vst v20;
	v18 =	vadd.f32 v18, v25;
	v20 =	vld [tilespmem:s23+$0x1150]  }
0x16f: {  	[tilespmem:s23+$0xD70] =	vst v19;
	v17 =	vadd.f32 v17, v24;
	v19 =	vld [tilespmem:s23+$0x1160]  }
.Ltmp0:
0x170: {  	[tilespmem:s23+$0x1100] =	vst v18;
	v18 =	vadd.f32 v16, v23;
	v16 =	vld [tilespmem:s23+$0x1170];
	(pc) =	sbr.rel @p0 .LBB2_2-.Ltmp0, $4  }
0x171: {  	[tilespmem:s23+$0x1110] =	vst v17;
	v17 =	vadd.f32 v15, v22;
	v15 =	vld [tilespmem:s23+$0x1500]  }
0x172: {  	[tilespmem:s23+$0x1120] =	vst v18;
	v21 =	vadd.f32 v14, v21;
	v14 =	vld [tilespmem:s23+$0x1510]  }
0x173: {  	[tilespmem:s23+$0x1130] =	vst v17;
	v18 =	vadd.f32 v13, v20;
	v13 =	vld [tilespmem:s23+$0x1520]  }
0x174: {  	s24 =	sadd.s32 $0x1, s24;
	[tilespmem:s23+$0x1140] =	vst v21;
	v17 =	vadd.f32 v12, v19;
	v12 =	vld [tilespmem:s23+$0x1530]  }
0x175: {  	[tilespmem:s23+$0x1150] =	vst v18;
	v60 =	vld [tilespmem:s23+$0x1540];
	v11 =	vadd.f32 v11, v16  }
0x176: {  	v61 =	vld [tilespmem:s23+$0x1550];
	[tilespmem:s23+$0x1160] =	vst v17;
	v10 =	vadd.f32 v10, v15  }
0x177: {  	v62 =	vld [tilespmem:s23+$0x1560];
	[tilespmem:s23+$0x1170] =	vst v11;
	v9 =	vadd.f32 v9, v14  }
0x178: {  	v63 =	vld [tilespmem:s23+$0x1570];
	[tilespmem:s23+$0x1500] =	vst v10;
	v8 =	vadd.f32 v8, v13  }
0x179: {  	[tilespmem:s23+$0x1510] =	vst v9;
	v7 =	vadd.f32 v7, v12  }
0x17a: {  	[tilespmem:s23+$0x1520] =	vst v8;
	v6 =	vadd.f32 v6, v60  }
0x17b: {  	v5 =	vadd.f32 v5, v61;
	[tilespmem:s23+$0x1530] =	vst v7  }
0x17c: {  	v4 =	vadd.f32 v4, v62;
	[tilespmem:s23+$0x1540] =	vst v6  }
0x17d: {  	s22 =	sadd.s32 $0x1, s22;
	v3 =	vadd.f32 v3, v63;
	[tilespmem:s23+$0x1550] =	vst v5  }
0x17e: {  	p0 =	sne.s32 s22, s10;
	[tilespmem:s23+$0x1560] =	vst v4  }
.Ltmp1:
0x17f: {  	[tilespmem:s23+$0x1570] =	vst v3;
	(pc) =	sbr.rel @p0 .LBB2_1-.Ltmp1, $4  }
0x180: {  	[hbm4b:s9+s2] =	stream.linear.scatter [tilespmem:s13], [sflag:$0x3], $0xC000, $0x38;
	[tilespmem:$0x18100] =	vst v63  }
0x181: {  	_ =	swait.ge [sflag:s11], $0xC000  }
0x182: {  	[sflag:s11] =	ssyncset.done $0x0  }
0x183: {  	[sflag:s11] =	ssyncadd.s32 $0xFFFF4000  }
0x184: {  	_ =	sfence.sel $0x180000  }
0x185: {  	[bflag:$0x0] =	sbarrier.arrive $0xFFFF  }
0x186: {  	_ =	strace $0x9000004A  }
0x187: {  	s0 =	stileid.u32;
	[bflag:$0x2] =	sbarrier.arrive $0xFFFF  }
0x188: {  	p0 =	sne.s32 s0, $0x0;
	s0 =	rddreg [dreg:$0x2]  }
0x189: {  	s0 =	sadd.s32 @!p0 $0x100000, s0  }
0x18a: {  	[sflag:s0] =	ssyncadd.tile.s32 @!p0 $0x1;
	_ =	shalt  }
.Lfunc_end2:
_tile_overlayer_lowered:
.L_overlay_start_2:
0x18b: {  	(tag) =	ssettag $0x2  }
0x18c: {  	s0 =	rddreg [dreg:$0x0];
	s2 =	stileid.u32  }
0x18d: {  	s1 =	rddreg [dreg:$0x1];
	p0 =	sne.s32 s2, $0x0  }
0x18e: {  	s3 =	rddreg [dreg:$0x2];
	[bflag:$0x3] =	sbarrier.arrive $0xFFFF;
	s2 =	simm.s32 @!p0 $0x1C03  }
0x18f: {  	[timem:s3], [sflag:s2] =	dma.local @!p0 [hbm:s0], s1  }
0x190: {  	s0 =	simm.s32 @!p0 $0x3  }
0x191: {  	_ =	swait.ge @!p0 [sflag:s0], s1  }
0x192: {  	s1 =	ssub.s32 @!p0 $0x0, s1;
	[sflag:s0] =	ssyncset.done @!p0 $0x0  }
0x193: {  	[sflag:s0] =	ssyncadd.s32 @!p0 s1  }
0x194: {  	[bflag:$0x3] =	sbarrier.arrive $0xFFFF  }
0x195: {  	_ =	shalt  }

</sc_bundles>
